<compile_context>
chip_gen: v7x
topology: tpu7x:2x2x1
jax: 0.10.2.dev20260603
libtpu: 0.0.44.dev20260713+nightly
codegen_flags: <defaults>
</compile_context>

<pallas_src>
import functools
import math

import jax
import jax.numpy as jnp
import numpy as np
from jax import lax
from jax.experimental import pallas as pl
from jax.experimental.pallas import tpu as pltpu
from jax.experimental.pallas import tpu_sc as plsc

B, N, K = 8, 2048, 32
CIN, COUT, H = 3, 64, 8
DEPTH = COUT // H
TILE = 256
CH = 16
NCH = N // CH
ATT_TILE = 32
GATHER_WIN = 256
PB = 16
OB = 64



def _qkv_body(xt_ref, w_ref, q_ref, kv_ref):
    xt = xt_ref[...]
    w = w_ref[...]
    qkv = jnp.dot(xt, w, preferred_element_type=jnp.float32)
    q_ref[...] = qkv[:, :COUT]
    kv_ref[...] = qkv[:, COUT:]


def _project_qkv(xt_flat, w_cat):
    return pl.pallas_call(
        _qkv_body,
        out_shape=(
            jax.ShapeDtypeStruct((B * N, COUT), jnp.float32),
            jax.ShapeDtypeStruct((B * N, 2 * COUT), jnp.float32),
        ),
    )(xt_flat, w_cat)



def _knn_chunk_body(cb_ref, ctile_ref, dist_ref, cid_ref, s_ref):
    cb = cb_ref[0]
    ctile = ctile_ref[0]
    sq_all = jnp.sum(cb * cb, axis=0, keepdims=True)
    sq_t = jnp.sum(ctile * ctile, axis=1, keepdims=True)
    g = jnp.dot(ctile, cb, preferred_element_type=jnp.float32)
    dist = sq_t + sq_all - 2.0 * g
    dist_ref[0] = dist
    cmin = jnp.min(dist.reshape(TILE, NCH, CH), axis=2)
    ct = cmin.T
    iota = lax.broadcasted_iota(jnp.int32, (NCH, TILE), 0)
    big = jnp.float32(np.inf)
    for j in range(K):
        v = jnp.min(ct, axis=0, keepdims=True)
        cand = jnp.where(ct == v, iota, jnp.int32(NCH))
        pos = jnp.min(cand, axis=0, keepdims=True)
        cid_ref[0, j, :] = pos[0]
        ct = jnp.where(iota == pos, big, ct)
        if j == K - 1:
            s_ref[0, 0, :] = v[0]


def _knn_chunks(coordinate, coord_t):
    grid = (B, N // TILE)
    return pl.pallas_call(
        _knn_chunk_body,
        grid=grid,
        in_specs=[
            pl.BlockSpec((1, CIN, N), lambda b, t: (b, 0, 0)),
            pl.BlockSpec((1, TILE, CIN), lambda b, t: (b, t, 0)),
        ],
        out_specs=[
            pl.BlockSpec((1, TILE, N), lambda b, t: (b, t, 0)),
            pl.BlockSpec((1, K, TILE), lambda b, t: (b, 0, t)),
            pl.BlockSpec((1, 1, TILE), lambda b, t: (b, 0, t)),
        ],
        out_shape=[
            jax.ShapeDtypeStruct((B, N, N), jnp.float32),
            jax.ShapeDtypeStruct((B, K, N), jnp.int32),
            jax.ShapeDtypeStruct((B, 1, N), jnp.float32),
        ],
    )(coordinate, coord_t)



def _sc_select(d_tab, crow_flat, s16):
    info = plsc.get_sparse_core_info()
    nw = info.num_cores * info.num_subcores
    pts = B * N
    per_w = pts // nw
    nblk = per_w // PB
    mesh = plsc.VectorSubcoreMesh(core_axis_name="c", subcore_axis_name="s")
    inf32 = jnp.float32(np.inf)
    cp = pltpu.CompilerParams(needs_layout_passes=False,
                              use_tc_tiling_on_sc=False)

    @functools.partial(
        pl.kernel,
        mesh=mesh,
        compiler_params=cp,
        out_type=jax.ShapeDtypeStruct((pts * OB,), jnp.int32),
        scratch_types=[
            pltpu.VMEM((2, PB * K), jnp.int32),
            pltpu.VMEM((2, PB * K, CH), jnp.float32),
            pltpu.VMEM((2, PB, 16), jnp.float32),
            pltpu.VMEM((PB * OB,), jnp.int32),
            pltpu.SemaphoreType.DMA,
            pltpu.SemaphoreType.DMA,
            pltpu.SemaphoreType.DMA,
            pltpu.SemaphoreType.DMA,
        ],
    )
    def select_kernel(d_hbm, c_hbm, s_hbm, o_hbm, cid_v, cand_v, s_v, ob_v,
                      gsem0, gsem1, psem, osem):
        wid = lax.axis_index("s") * info.num_cores + lax.axis_index("c")
        base = wid * per_w
        gsems = (gsem0, gsem1)

        def fetch(blk, buf):
            p0 = base + blk * PB
            pltpu.async_copy(c_hbm.at[pl.ds(p0 * K, PB * K)],
                             cid_v.at[buf], psem).wait()
            pltpu.async_copy(s_hbm.at[pl.ds(p0, PB)], s_v.at[buf],
                             psem).wait()
            for q in range(PB * K // 128):
                pltpu.async_copy(
                    d_hbm.at[cid_v.at[buf, pl.ds(q * 128, 128)]],
                    cand_v.at[buf, pl.ds(q * 128, 128)], gsems[buf])

        def drain(buf):
            for q in range(PB * K // 128):
                pltpu.make_async_copy(
                    d_hbm.at[cid_v.at[buf, pl.ds(q * 128, 128)]],
                    cand_v.at[buf, pl.ds(q * 128, 128)], gsems[buf]).wait()

        fetch(0, 0)
        lane = lax.iota(jnp.int32, 16)

        def process(blk, buf):

            @pl.when(blk + 1 < nblk)
            def _():
                fetch(blk + 1, 1 - buf)

            drain(buf)

            @pl.loop(0, PB)
            def _(pi):
                p = base + blk * PB + pi
                svec = s_v[buf, pi]

                def scan_body(j, carry):
                    t0, t1 = carry
                    row = cand_v[buf, pi * K + j]

                    def insert(c):
                        a, b = c
                        sv = lax.sort(jnp.where(row <= svec, row, inf32))
                        lo = lax.sort(jnp.minimum(b, lax.rev(sv, (0,))))
                        rlo = lax.rev(lo, (0,))
                        return (lax.sort(jnp.minimum(a, rlo)),
                                lax.sort(jnp.maximum(a, rlo)))

                    return lax.cond(jnp.any(row <= svec), insert,
                                    lambda c: c, (t0, t1))

                t0, t1 = lax.fori_loop(
                    0, K, scan_body,
                    (jnp.full((16,), inf32), jnp.full((16,), inf32)))
                t = lax.reduce_max(t1, (0,))
                tvec = jnp.full((16,), jnp.float32(0)) + t

                fbase = lax.div(p, jnp.int32(N)) * N - p * N
                c0 = cid_v[buf, pl.ds(pi * K, 16)]
                c1 = cid_v[buf, pl.ds(pi * K + 16, 16)]

                def emit_body(j, ptr):
                    row = cand_v[buf, pi * K + j]
                    m2 = row <= tvec

                    def do(ptr):
                        half = jnp.where(j < 16, c0, c1)
                        dn = lax.GatherDimensionNumbers(
                            offset_dims=(), collapsed_slice_dims=(0,),
                            start_index_map=(0,))
                        rvec = lax.gather(
                            half,
                            jnp.full((16, 1), lax.rem(j, 16), jnp.int32),
                            dn, slice_sizes=(1,),
                            mode=lax.GatherScatterMode.PROMISE_IN_BOUNDS)
                        gidx = rvec * CH + lane + fbase
                        plsc.store_compressed(
                            ob_v.at[pl.ds(pi * OB + ptr, 16)], gidx, mask=m2)
                        cnt = jnp.sum(jnp.where(m2, 1, 0))
                        return jnp.minimum(ptr + cnt, jnp.int32(OB - 16))

                    return lax.cond(jnp.any(m2), do, lambda q: q, ptr)

                lax.fori_loop(0, K, emit_body, jnp.int32(0))

            pltpu.async_copy(
                ob_v, o_hbm.at[pl.ds((base + blk * PB) * OB, PB * OB)],
                osem).wait()

        @pl.loop(0, nblk // 2)
        def _(hb):
            process(2 * hb, 0)
            process(2 * hb + 1, 1)

    return select_kernel(d_tab, crow_flat, s16)



def _sc_gather(kv_table, idx_flat):
    total = idx_flat.shape[0]
    idx2d = idx_flat.reshape(1, total)
    mesh = plsc.VectorSubcoreMesh(core_axis_name="c", subcore_axis_name="s")

    @functools.partial(
        pl.kernel,
        mesh=mesh,
        out_type=jax.ShapeDtypeStruct((total, 2 * COUT), jnp.float32),
    )
    def gather_kernel(kv_hbm, i_hbm, o_hbm):
        def body(i_vmem, o_vmem):
            pltpu.sync_copy(kv_hbm.at[i_vmem.at[0]], o_vmem)

        pltpu.emit_pipeline(
            body,
            grid=(total // GATHER_WIN,),
            in_specs=[pl.BlockSpec((1, GATHER_WIN),
                                   index_map=lambda i: (0, i))],
            out_specs=[pl.BlockSpec((GATHER_WIN, 2 * COUT),
                                    index_map=lambda i: (i, 0))],
            core_axis_name=("c", "s"),
            dimension_semantics=(pltpu.PARALLEL,),
        )(i_hbm, o_hbm)

    return gather_kernel(kv_table, idx2d)



def _attn_body(q_ref, kvnb_ref, vself_ref, seg_ref, out_ref):
    q = q_ref[...]
    kvnb = kvnb_ref[...]
    knb = kvnb[:, :COUT].reshape(ATT_TILE, K, COUT)
    vnb = kvnb[:, COUT:].reshape(ATT_TILE, K, COUT)
    prod = knb * q[:, None, :]
    seg = seg_ref[...]
    e = jnp.dot(prod.reshape(ATT_TILE * K, COUT), seg,
                preferred_element_type=jnp.float32).reshape(ATT_TILE, K, COUT)
    m = jnp.max(e, axis=1, keepdims=True)
    ex = jnp.exp(e - m)
    s = jnp.sum(ex, axis=1, keepdims=True)
    a = ex / s
    out = jnp.sum(a * vnb, axis=1)
    out_ref[...] = out - vself_ref[...]


def _attention(q_table, kvnb, v_self):
    grid = (B * N // ATT_TILE,)
    seg = jnp.kron(jnp.eye(H, dtype=jnp.float32),
                   jnp.ones((DEPTH, DEPTH), jnp.float32)) / math.sqrt(DEPTH)
    return pl.pallas_call(
        _attn_body,
        grid=grid,
        in_specs=[
            pl.BlockSpec((ATT_TILE, COUT), lambda t: (t, 0)),
            pl.BlockSpec((ATT_TILE * K, 2 * COUT), lambda t: (t, 0)),
            pl.BlockSpec((ATT_TILE, COUT), lambda t: (t, 0)),
            pl.BlockSpec((COUT, COUT), lambda t: (0, 0)),
        ],
        out_specs=pl.BlockSpec((ATT_TILE, COUT), lambda t: (t, 0)),
        out_shape=jax.ShapeDtypeStruct((B * N, COUT), jnp.float32),
    )(q_table, kvnb, v_self, seg)



def kernel(x, coordinate, Wq, Wk, Wv):
    xt_flat = x.transpose(0, 2, 1).reshape(B * N, CIN)
    coord_t = coordinate.transpose(0, 2, 1)
    w_cat = jnp.concatenate([Wq.T, Wk.T, Wv.T], axis=1)
    q_table, kv_table = _project_qkv(xt_flat, w_cat)
    dist, cid, s = _knn_chunks(coordinate, coord_t)
    point_id = jnp.arange(B * N, dtype=jnp.int32).reshape(B, 1, N)
    crow = (cid + point_id * NCH).transpose(0, 2, 1).reshape(B * N * K)
    s16 = jnp.broadcast_to(s.reshape(B * N, 1), (B * N, 16))
    d_tab = dist.reshape(B * N * NCH, CH)

    nbidx = _sc_select(d_tab, crow, s16).reshape(B * N, OB)[:, :K]
    kvnb = _sc_gather(kv_table, nbidx.reshape(B * N * K))
    v_self = kv_table[:, COUT:]
    out_rows = _attention(q_table, kvnb, v_self)
    return out_rows.reshape(B, N, COUT).transpose(0, 2, 1)

# --- scband reference (transcript-rebuilt; emitter-appended) ---
"""Pipeline reference for scband-neighbor2-point-embedding-63702954934710 (READ-ONLY COPY).

The authoritative reference and input builder live on the scoring server;
editing this copy changes nothing except your own understanding.
"""

import jax, jax.numpy as jnp
import numpy as np
import math

B, N, K = 8, 2048, 32
CIN, COUT, H = 3, 64, 8
DEPTH = COUT // H


def setup_inputs(seed: int = 0) -> dict:
    key = jax.random.key(seed)
    k1, k2, k3, k4, k5 = jax.random.split(key, 5)
    x = jax.random.normal(k1, (B, CIN, N), dtype=jnp.float32)
    coordinate = jax.random.normal(k2, (B, CIN, N), dtype=jnp.float32)
    Wq = jax.random.normal(k3, (COUT, CIN), dtype=jnp.float32) * 0.1
    Wk = jax.random.normal(k4, (COUT, CIN), dtype=jnp.float32) * 0.1
    Wv = jax.random.normal(k5, (COUT, CIN), dtype=jnp.float32) * 0.1
    return {"x": x, "coordinate": coordinate, "Wq": Wq, "Wk": Wk, "Wv": Wv}


def _knn_idx(coordinate, k):
    # coordinate: [B, 3, N] -> idx [B, N, K] of k nearest neighbors
    ct = coordinate.transpose(0, 2, 1)  # [B, N, 3]
    sq = jnp.sum(ct * ct, axis=-1)  # [B, N]
    dist = sq[:, :, None] + sq[:, None, :] - 2.0 * jnp.einsum('bnd,bmd->bnm', ct, ct)
    _, idx = jax.lax.top_k(-dist, k)  # [B, N, K]
    return idx


def _group(x, coordinate, k):
    # neighbor selection by coordinate, group_type='diff'
    idx = _knn_idx(coordinate, k)  # [B, N, K]
    xt = x.transpose(0, 2, 1)  # [B, N, C]
    nb = jax.vmap(lambda feat, ind: feat[ind])(xt, idx)  # [B, N, K, C]
    nb = nb.transpose(0, 3, 1, 2)  # [B, C, N, K]
    nb = nb - x[:, :, :, None]
    return nb


def _split_heads(t):
    # t: [B, COUT, N, K] -> [B, H, N, K, DEPTH]
    b, _, n, kk = t.shape
    t = t.reshape(b, H, DEPTH, n, kk)
    return t.transpose(0, 1, 3, 4, 2)


def reference(x, coordinate, Wq, Wk, Wv):
    neighbors = _group(x, coordinate, K)  # [B, CIN, N, K]
    xq = x[:, :, :, None]  # [B, CIN, N, 1]
    q = jnp.einsum('oc,bcnk->bonk', Wq, xq)
    kk = jnp.einsum('oc,bcnk->bonk', Wk, neighbors)
    v = jnp.einsum('oc,bcnk->bonk', Wv, neighbors)
    q = _split_heads(q)   # [B, H, N, 1, dq]
    kk = _split_heads(kk)  # [B, H, N, K, dk]
    v = _split_heads(v)   # [B, H, N, K, dv]
    kk = kk.transpose(0, 1, 2, 4, 3)  # [B, H, N, dk, K]
    energy = q @ kk  # [B, H, N, 1, K]
    scale = math.sqrt(q.shape[-1])
    attention = jax.nn.softmax(energy / scale, axis=-1)
    out = (attention @ v)[:, :, :, 0, :]  # [B, H, N, dv]
    out = out.transpose(0, 2, 1, 3)  # [B, N, H, dv]
    out = out.reshape(out.shape[0], out.shape[1], -1).transpose(0, 2, 1)  # [B, COUT, N]
    return out

if __name__ == "__main__":
    import jax
    _d = setup_inputs()
    print(jax.jit(kernel)(*tuple(_d.values())))

</pallas_src>

<mosaic_0001>
#map = affine_map<(d0, d1) -> (0, 0)>
#map1 = affine_map<(d0, d1) -> (0)>
module attributes {stable_mosaic.version = 14 : i64} {
  func.func @_rewritten_body(%arg0: i32, %arg1: i32, %arg2: memref<2097152x16xf32, #tpu.memory_space<hbm>>, %arg3: memref<524288xi32, #tpu.memory_space<hbm>>, %arg4: memref<16384x16xf32, #tpu.memory_space<hbm>>, %arg5: memref<1xf32, #tpu.memory_space<hbm>>, %arg6: memref<1048576xi32, #tpu.memory_space<hbm>>, %arg7: memref<2x512xi32, #tpu.memory_space<vmem>>, %arg8: memref<2x512x16xf32, #tpu.memory_space<vmem>>, %arg9: memref<2x16x16xf32, #tpu.memory_space<vmem>>, %arg10: memref<1024xi32, #tpu.memory_space<vmem>>, %arg11: memref<!tpu.dma_semaphore, #tpu.memory_space<semaphore_mem>>, %arg12: memref<!tpu.dma_semaphore, #tpu.memory_space<semaphore_mem>>, %arg13: memref<!tpu.dma_semaphore, #tpu.memory_space<semaphore_mem>>, %arg14: memref<!tpu.dma_semaphore, #tpu.memory_space<semaphore_mem>>) attributes {dimension_semantics = [#tpu.dimension_semantics<core_parallel>, #tpu.dimension_semantics<subcore_parallel>], iteration_bounds = array<i64: 2, 16>, scalar_prefetch = 0 : i64, scratch_operands = 8 : i64, tpu.core_type = #tpu.core_type<sc_vector_subcore>, window_params = [{transform_indices = #map}, {transform_indices = #map1}, {transform_indices = #map}, {transform_indices = #map1}, {transform_indices = #map1}]} {
    %empty_ref3A = memref.alloca() : memref<16xf32, #tpu.memory_space<vmem>>
    "tpu.region"() ({
      %run_scoped3A = tpu.sem_alloc : memref<!tpu.dma_semaphore, #tpu.memory_space<semaphore_mem>>
      %dma_start3A_102 = arith.constant 0 : i32
      %dma_start3A_103 = tpu.memref_slice %empty_ref3A[%dma_start3A_102] : memref<16xf32, #tpu.memory_space<vmem>> -> memref<1xf32, #tpu.memory_space<vmem>>
      %dma_start3A_104 = arith.constant 0 : i32
      %dma_start3A_105 = tpu.memref_slice %empty_ref3A[%dma_start3A_104] : memref<16xf32, #tpu.memory_space<vmem>> -> memref<1xf32, #tpu.memory_space<vmem>>
      tpu.enqueue_dma source(%arg5 : memref<1xf32, #tpu.memory_space<hbm>>) target(%dma_start3A_105 : memref<1xf32, #tpu.memory_space<vmem>>) target_semaphore(%run_scoped3A : memref<!tpu.dma_semaphore, #tpu.memory_space<semaphore_mem>>)
      %dma_wait3A_106 = arith.constant 0 : i32
      %dma_wait3A_107 = tpu.memref_slice %empty_ref3A[%dma_wait3A_106] : memref<16xf32, #tpu.memory_space<vmem>> -> memref<1xf32, #tpu.memory_space<vmem>>
      %dma_wait3A_108 = arith.constant 0 : i32
      %dma_wait3A_109 = tpu.memref_slice %empty_ref3A[%dma_wait3A_108] : memref<16xf32, #tpu.memory_space<vmem>> -> memref<1xf32, #tpu.memory_space<vmem>>
      tpu.wait_dma2 semaphore(%run_scoped3A : memref<!tpu.dma_semaphore, #tpu.memory_space<semaphore_mem>>) src(%arg5 : memref<1xf32, #tpu.memory_space<hbm>>) dst(%dma_wait3A_109 : memref<1xf32, #tpu.memory_space<vmem>>)
      tpu.yield
    }) : () -> ()
    %get3A = arith.constant 0 : index
    %get3A_0 = tpu.vector_load %empty_ref3A[%get3A] {strides = array<i32>} : memref<16xf32, #tpu.memory_space<vmem>>, vector<16xf32>,
    %slice3A = vector.extract_strided_slice %get3A_0 {offsets = [0], sizes = [1], strides = [1]} : vector<16xf32> to vector<1xf32>
    %squeeze3A = vector.extract %slice3A[0] : f32 from vector<1xf32>
    %mul3A = arith.constant 2 : i32
    %mul3A_1 = arith.muli %arg1, %mul3A : i32
    %add3A = arith.addi %mul3A_1, %arg0 : i32
    %mul3A_2 = arith.constant 512 : i32
    %mul3A_3 = arith.muli %add3A, %mul3A_2 : i32
    %add3A_4 = arith.constant 0 : i32
    %add3A_5 = arith.addi %mul3A_3, %add3A_4 : i32
    %mul3A_6 = arith.constant 32 : i32
    %mul3A_7 = arith.muli %add3A_5, %mul3A_6 : i32
    %dma_start3A = arith.constant 0 : i32
    %dma_start3A_8 = arith.constant 0 : i32
    %dma_start3A_9 = tpu.memref_slice %arg7[%dma_start3A, %dma_start3A_8] : memref<2x512xi32, #tpu.memory_space<vmem>> -> memref<1x512xi32, #tpu.memory_space<vmem>>
    %dma_start3A_10 = tpu.memref_squeeze %dma_start3A_9 : memref<1x512xi32, #tpu.memory_space<vmem>> -> memref<512xi32, #tpu.memory_space<vmem>>
    %dma_start3A_11 = tpu.memref_slice %arg3[%mul3A_7] : memref<524288xi32, #tpu.memory_space<hbm>> -> memref<512xi32, #tpu.memory_space<hbm>>
    %dma_start3A_12 = arith.constant 0 : i32
    %dma_start3A_13 = tpu.memref_slice %arg7[%dma_start3A, %dma_start3A_12] : memref<2x512xi32, #tpu.memory_space<vmem>> -> memref<1x512xi32, #tpu.memory_space<vmem>>
    %dma_start3A_14 = tpu.memref_squeeze %dma_start3A_13 : memref<1x512xi32, #tpu.memory_space<vmem>> -> memref<512xi32, #tpu.memory_space<vmem>>
    %dma_start3A_15 = tpu.memref_slice %arg3[%mul3A_7] : memref<524288xi32, #tpu.memory_space<hbm>> -> memref<512xi32, #tpu.memory_space<hbm>>
    tpu.enqueue_dma source(%dma_start3A_15 : memref<512xi32, #tpu.memory_space<hbm>>) target(%dma_start3A_14 : memref<512xi32, #tpu.memory_space<vmem>>) target_semaphore(%arg13 : memref<!tpu.dma_semaphore, #tpu.memory_space<semaphore_mem>>)
    %dma_wait3A = arith.constant 0 : i32
    %dma_wait3A_16 = arith.constant 0 : i32
    %dma_wait3A_17 = tpu.memref_slice %arg7[%dma_wait3A, %dma_wait3A_16] : memref<2x512xi32, #tpu.memory_space<vmem>> -> memref<1x512xi32, #tpu.memory_space<vmem>>
    %dma_wait3A_18 = tpu.memref_squeeze %dma_wait3A_17 : memref<1x512xi32, #tpu.memory_space<vmem>> -> memref<512xi32, #tpu.memory_space<vmem>>
    %dma_wait3A_19 = tpu.memref_slice %arg3[%mul3A_7] : memref<524288xi32, #tpu.memory_space<hbm>> -> memref<512xi32, #tpu.memory_space<hbm>>
    %dma_wait3A_20 = arith.constant 0 : i32
    %dma_wait3A_21 = tpu.memref_slice %arg7[%dma_wait3A, %dma_wait3A_20] : memref<2x512xi32, #tpu.memory_space<vmem>> -> memref<1x512xi32, #tpu.memory_space<vmem>>
    %dma_wait3A_22 = tpu.memref_squeeze %dma_wait3A_21 : memref<1x512xi32, #tpu.memory_space<vmem>> -> memref<512xi32, #tpu.memory_space<vmem>>
    %dma_wait3A_23 = tpu.memref_slice %arg3[%mul3A_7] : memref<524288xi32, #tpu.memory_space<hbm>> -> memref<512xi32, #tpu.memory_space<hbm>>
    tpu.wait_dma2 semaphore(%arg13 : memref<!tpu.dma_semaphore, #tpu.memory_space<semaphore_mem>>) src(%dma_wait3A_23 : memref<512xi32, #tpu.memory_space<hbm>>) dst(%dma_wait3A_22 : memref<512xi32, #tpu.memory_space<vmem>>)
    %dma_start3A_24 = arith.constant 0 : i32
    %dma_start3A_25 = arith.constant 0 : i32
    %dma_start3A_26 = arith.constant 0 : i32
    %dma_start3A_27 = tpu.memref_slice %arg9[%dma_start3A_24, %dma_start3A_25, %dma_start3A_26] : memref<2x16x16xf32, #tpu.memory_space<vmem>> -> memref<1x16x16xf32, #tpu.memory_space<vmem>>
    %dma_start3A_28 = tpu.memref_squeeze %dma_start3A_27 : memref<1x16x16xf32, #tpu.memory_space<vmem>> -> memref<16x16xf32, #tpu.memory_space<vmem>>
    %dma_start3A_29 = arith.constant 0 : i32
    %dma_start3A_30 = tpu.memref_slice %arg4[%add3A_5, %dma_start3A_29] : memref<16384x16xf32, #tpu.memory_space<hbm>> -> memref<16x16xf32, #tpu.memory_space<hbm>>
    %dma_start3A_31 = arith.constant 0 : i32
    %dma_start3A_32 = arith.constant 0 : i32
    %dma_start3A_33 = tpu.memref_slice %arg9[%dma_start3A_24, %dma_start3A_31, %dma_start3A_32] : memref<2x16x16xf32, #tpu.memory_space<vmem>> -> memref<1x16x16xf32, #tpu.memory_space<vmem>>
    %dma_start3A_34 = tpu.memref_squeeze %dma_start3A_33 : memref<1x16x16xf32, #tpu.memory_space<vmem>> -> memref<16x16xf32, #tpu.memory_space<vmem>>
    %dma_start3A_35 = arith.constant 0 : i32
    %dma_start3A_36 = tpu.memref_slice %arg4[%add3A_5, %dma_start3A_35] : memref<16384x16xf32, #tpu.memory_space<hbm>> -> memref<16x16xf32, #tpu.memory_space<hbm>>
    tpu.enqueue_dma source(%dma_start3A_36 : memref<16x16xf32, #tpu.memory_space<hbm>>) target(%dma_start3A_34 : memref<16x16xf32, #tpu.memory_space<vmem>>) target_semaphore(%arg13 : memref<!tpu.dma_semaphore, #tpu.memory_space<semaphore_mem>>)
    %dma_wait3A_37 = arith.constant 0 : i32
    %dma_wait3A_38 = arith.constant 0 : i32
    %dma_wait3A_39 = arith.constant 0 : i32
    %dma_wait3A_40 = tpu.memref_slice %arg9[%dma_wait3A_37, %dma_wait3A_38, %dma_wait3A_39] : memref<2x16x16xf32, #tpu.memory_space<vmem>> -> memref<1x16x16xf32, #tpu.memory_space<vmem>>
    %dma_wait3A_41 = tpu.memref_squeeze %dma_wait3A_40 : memref<1x16x16xf32, #tpu.memory_space<vmem>> -> memref<16x16xf32, #tpu.memory_space<vmem>>
    %dma_wait3A_42 = arith.constant 0 : i32
    %dma_wait3A_43 = tpu.memref_slice %arg4[%add3A_5, %dma_wait3A_42] : memref<16384x16xf32, #tpu.memory_space<hbm>> -> memref<16x16xf32, #tpu.memory_space<hbm>>
    %dma_wait3A_44 = arith.constant 0 : i32
    %dma_wait3A_45 = arith.constant 0 : i32
    %dma_wait3A_46 = tpu.memref_slice %arg9[%dma_wait3A_37, %dma_wait3A_44, %dma_wait3A_45] : memref<2x16x16xf32, #tpu.memory_space<vmem>> -> memref<1x16x16xf32, #tpu.memory_space<vmem>>
    %dma_wait3A_47 = tpu.memref_squeeze %dma_wait3A_46 : memref<1x16x16xf32, #tpu.memory_space<vmem>> -> memref<16x16xf32, #tpu.memory_space<vmem>>
    %dma_wait3A_48 = arith.constant 0 : i32
    %dma_wait3A_49 = tpu.memref_slice %arg4[%add3A_5, %dma_wait3A_48] : memref<16384x16xf32, #tpu.memory_space<hbm>> -> memref<16x16xf32, #tpu.memory_space<hbm>>
    tpu.wait_dma2 semaphore(%arg13 : memref<!tpu.dma_semaphore, #tpu.memory_space<semaphore_mem>>) src(%dma_wait3A_49 : memref<16x16xf32, #tpu.memory_space<hbm>>) dst(%dma_wait3A_47 : memref<16x16xf32, #tpu.memory_space<vmem>>)
    %dma_start3A_50 = arith.constant 0 : i32
    %dma_start3A_51 = arith.constant 0 : i32
    %dma_start3A_52 = arith.constant 0 : i32
    %dma_start3A_53 = arith.constant 0 : i32
    %dma_start3A_54 = tpu.memref_slice %arg8[%dma_start3A_51, %dma_start3A_52, %dma_start3A_53] : memref<2x512x16xf32, #tpu.memory_space<vmem>> -> memref<1x128x16xf32, #tpu.memory_space<vmem>>
    %dma_start3A_55 = tpu.memref_squeeze %dma_start3A_54 : memref<1x128x16xf32, #tpu.memory_space<vmem>> -> memref<128x16xf32, #tpu.memory_space<vmem>>
    %dma_start3A_56 = arith.constant 0 : i32
    %dma_start3A_57 = tpu.memref_slice %arg7[%dma_start3A_50, %dma_start3A_56] : memref<2x512xi32, #tpu.memory_space<vmem>> -> memref<1x128xi32, #tpu.memory_space<vmem>>
    %dma_start3A_58 = tpu.memref_squeeze %dma_start3A_57 : memref<1x128xi32, #tpu.memory_space<vmem>> -> memref<128xi32, #tpu.memory_space<vmem>>
    %dma_start3A_59 = arith.constant 0 : i32
    %dma_start3A_60 = arith.constant 0 : i32
    %dma_start3A_61 = tpu.memref_slice %arg2[%dma_start3A_59, %dma_start3A_60] : memref<2097152x16xf32, #tpu.memory_space<hbm>> -> memref<2097152x16xf32, #tpu.memory_space<hbm>>
    tpu.enqueue_indirect_dma source(%dma_start3A_61 : memref<2097152x16xf32, #tpu.memory_space<hbm>>) target(%dma_start3A_55 : memref<128x16xf32, #tpu.memory_space<vmem>>) offsets(%dma_start3A_58 : memref<128xi32, #tpu.memory_space<vmem>>) semaphore(%arg11 : memref<!tpu.dma_semaphore, #tpu.memory_space<semaphore_mem>>)
    %dma_start3A_62 = arith.constant 0 : i32
    %dma_start3A_63 = arith.constant 0 : i32
    %dma_start3A_64 = arith.constant 128 : i32
    %dma_start3A_65 = arith.constant 0 : i32
    %dma_start3A_66 = tpu.memref_slice %arg8[%dma_start3A_63, %dma_start3A_64, %dma_start3A_65] : memref<2x512x16xf32, #tpu.memory_space<vmem>> -> memref<1x128x16xf32, #tpu.memory_space<vmem>>
    %dma_start3A_67 = tpu.memref_squeeze %dma_start3A_66 : memref<1x128x16xf32, #tpu.memory_space<vmem>> -> memref<128x16xf32, #tpu.memory_space<vmem>>
    %dma_start3A_68 = arith.constant 128 : i32
    %dma_start3A_69 = tpu.memref_slice %arg7[%dma_start3A_62, %dma_start3A_68] : memref<2x512xi32, #tpu.memory_space<vmem>> -> memref<1x128xi32, #tpu.memory_space<vmem>>
    %dma_start3A_70 = tpu.memref_squeeze %dma_start3A_69 : memref<1x128xi32, #tpu.memory_space<vmem>> -> memref<128xi32, #tpu.memory_space<vmem>>
    %dma_start3A_71 = arith.constant 0 : i32
    %dma_start3A_72 = arith.constant 0 : i32
    %dma_start3A_73 = tpu.memref_slice %arg2[%dma_start3A_71, %dma_start3A_72] : memref<2097152x16xf32, #tpu.memory_space<hbm>> -> memref<2097152x16xf32, #tpu.memory_space<hbm>>
    tpu.enqueue_indirect_dma source(%dma_start3A_73 : memref<2097152x16xf32, #tpu.memory_space<hbm>>) target(%dma_start3A_67 : memref<128x16xf32, #tpu.memory_space<vmem>>) offsets(%dma_start3A_70 : memref<128xi32, #tpu.memory_space<vmem>>) semaphore(%arg11 : memref<!tpu.dma_semaphore, #tpu.memory_space<semaphore_mem>>)
    %dma_start3A_74 = arith.constant 0 : i32
    %dma_start3A_75 = arith.constant 0 : i32
    %dma_start3A_76 = arith.constant 256 : i32
    %dma_start3A_77 = arith.constant 0 : i32
    %dma_start3A_78 = tpu.memref_slice %arg8[%dma_start3A_75, %dma_start3A_76, %dma_start3A_77] : memref<2x512x16xf32, #tpu.memory_space<vmem>> -> memref<1x128x16xf32, #tpu.memory_space<vmem>>
    %dma_start3A_79 = tpu.memref_squeeze %dma_start3A_78 : memref<1x128x16xf32, #tpu.memory_space<vmem>> -> memref<128x16xf32, #tpu.memory_space<vmem>>
    %dma_start3A_80 = arith.constant 256 : i32
    %dma_start3A_81 = tpu.memref_slice %arg7[%dma_start3A_74, %dma_start3A_80] : memref<2x512xi32, #tpu.memory_space<vmem>> -> memref<1x128xi32, #tpu.memory_space<vmem>>
    %dma_start3A_82 = tpu.memref_squeeze %dma_start3A_81 : memref<1x128xi32, #tpu.memory_space<vmem>> -> memref<128xi32, #tpu.memory_space<vmem>>
    %dma_start3A_83 = arith.constant 0 : i32
    %dma_start3A_84 = arith.constant 0 : i32
    %dma_start3A_85 = tpu.memref_slice %arg2[%dma_start3A_83, %dma_start3A_84] : memref<2097152x16xf32, #tpu.memory_space<hbm>> -> memref<2097152x16xf32, #tpu.memory_space<hbm>>
    tpu.enqueue_indirect_dma source(%dma_start3A_85 : memref<2097152x16xf32, #tpu.memory_space<hbm>>) target(%dma_start3A_79 : memref<128x16xf32, #tpu.memory_space<vmem>>) offsets(%dma_start3A_82 : memref<128xi32, #tpu.memory_space<vmem>>) semaphore(%arg11 : memref<!tpu.dma_semaphore, #tpu.memory_space<semaphore_mem>>)
    %dma_start3A_86 = arith.constant 0 : i32
    %dma_start3A_87 = arith.constant 0 : i32
    %dma_start3A_88 = arith.constant 384 : i32
    %dma_start3A_89 = arith.constant 0 : i32
    %dma_start3A_90 = tpu.memref_slice %arg8[%dma_start3A_87, %dma_start3A_88, %dma_start3A_89] : memref<2x512x16xf32, #tpu.memory_space<vmem>> -> memref<1x128x16xf32, #tpu.memory_space<vmem>>
    %dma_start3A_91 = tpu.memref_squeeze %dma_start3A_90 : memref<1x128x16xf32, #tpu.memory_space<vmem>> -> memref<128x16xf32, #tpu.memory_space<vmem>>
    %dma_start3A_92 = arith.constant 384 : i32
    %dma_start3A_93 = tpu.memref_slice %arg7[%dma_start3A_86, %dma_start3A_92] : memref<2x512xi32, #tpu.memory_space<vmem>> -> memref<1x128xi32, #tpu.memory_space<vmem>>
    %dma_start3A_94 = tpu.memref_squeeze %dma_start3A_93 : memref<1x128xi32, #tpu.memory_space<vmem>> -> memref<128xi32, #tpu.memory_space<vmem>>
    %dma_start3A_95 = arith.constant 0 : i32
    %dma_start3A_96 = arith.constant 0 : i32
    %dma_start3A_97 = tpu.memref_slice %arg2[%dma_start3A_95, %dma_start3A_96] : memref<2097152x16xf32, #tpu.memory_space<hbm>> -> memref<2097152x16xf32, #tpu.memory_space<hbm>>
    tpu.enqueue_indirect_dma source(%dma_start3A_97 : memref<2097152x16xf32, #tpu.memory_space<hbm>>) target(%dma_start3A_91 : memref<128x16xf32, #tpu.memory_space<vmem>>) offsets(%dma_start3A_94 : memref<128xi32, #tpu.memory_space<vmem>>) semaphore(%arg11 : memref<!tpu.dma_semaphore, #tpu.memory_space<semaphore_mem>>)
    %iota3A = tpu.iota {dimensions = array<i32: 0>} : vector<16xi32>
    %scan3A = arith.constant 0 : i32
    %scan3A_98 = arith.constant 16 : i32
    %scan3A_99 = arith.addi %scan3A, %scan3A_98 : i32
    %scan3A_100 = arith.constant 1 : i32
    scf.for %scan3A_102 = %scan3A to %scan3A_99 step %scan3A_100  : i32 {
      %mul3A_103 = arith.constant 1 : i32
      %mul3A_104 = arith.muli %scan3A_102, %mul3A_103 : i32
      %add3A_105 = arith.constant 0 : i32
      %add3A_106 = arith.addi %add3A_105, %mul3A_104 : i32
      %mul3A_107 = arith.constant 2 : i32
      %mul3A_108 = arith.muli %mul3A_107, %add3A_106 : i32
      %add3A_109 = arith.constant 1 : i32
      %add3A_110 = arith.addi %mul3A_108, %add3A_109 : i32
      %lt3A = arith.constant 32 : i32
      %lt3A_111 = arith.cmpi slt, %add3A_110, %lt3A : i32
      %convert_element_type3A = arith.extui %lt3A_111 : i1 to i32
      %cond3A = arith.constant 0 : i32
      %cond3A_112 = arith.cmpi ne, %convert_element_type3A, %cond3A : i32
      scf.if %cond3A_112 {
        %add3A_248 = arith.constant 1 : i32
        %add3A_249 = arith.addi %mul3A_108, %add3A_248 : i32
        %mul3A_250 = arith.constant 16 : i32
        %mul3A_251 = arith.muli %add3A_249, %mul3A_250 : i32
        %add3A_252 = arith.addi %mul3A_3, %mul3A_251 : i32
        %mul3A_253 = arith.constant 32 : i32
        %mul3A_254 = arith.muli %add3A_252, %mul3A_253 : i32
        %dma_start3A_255 = arith.constant 1 : i32
        %dma_start3A_256 = arith.constant 0 : i32
        %dma_start3A_257 = tpu.memref_slice %arg7[%dma_start3A_255, %dma_start3A_256] : memref<2x512xi32, #tpu.memory_space<vmem>> -> memref<1x512xi32, #tpu.memory_space<vmem>>
        %dma_start3A_258 = tpu.memref_squeeze %dma_start3A_257 : memref<1x512xi32, #tpu.memory_space<vmem>> -> memref<512xi32, #tpu.memory_space<vmem>>
        %dma_start3A_259 = tpu.memref_slice %arg3[%mul3A_254] : memref<524288xi32, #tpu.memory_space<hbm>> -> memref<512xi32, #tpu.memory_space<hbm>>
        %dma_start3A_260 = arith.constant 0 : i32
        %dma_start3A_261 = tpu.memref_slice %arg7[%dma_start3A_255, %dma_start3A_260] : memref<2x512xi32, #tpu.memory_space<vmem>> -> memref<1x512xi32, #tpu.memory_space<vmem>>
        %dma_start3A_262 = tpu.memref_squeeze %dma_start3A_261 : memref<1x512xi32, #tpu.memory_space<vmem>> -> memref<512xi32, #tpu.memory_space<vmem>>
        %dma_start3A_263 = tpu.memref_slice %arg3[%mul3A_254] : memref<524288xi32, #tpu.memory_space<hbm>> -> memref<512xi32, #tpu.memory_space<hbm>>
        tpu.enqueue_dma source(%dma_start3A_263 : memref<512xi32, #tpu.memory_space<hbm>>) target(%dma_start3A_262 : memref<512xi32, #tpu.memory_space<vmem>>) target_semaphore(%arg13 : memref<!tpu.dma_semaphore, #tpu.memory_space<semaphore_mem>>)
        %dma_wait3A_264 = arith.constant 1 : i32
        %dma_wait3A_265 = arith.constant 0 : i32
        %dma_wait3A_266 = tpu.memref_slice %arg7[%dma_wait3A_264, %dma_wait3A_265] : memref<2x512xi32, #tpu.memory_space<vmem>> -> memref<1x512xi32, #tpu.memory_space<vmem>>
        %dma_wait3A_267 = tpu.memref_squeeze %dma_wait3A_266 : memref<1x512xi32, #tpu.memory_space<vmem>> -> memref<512xi32, #tpu.memory_space<vmem>>
        %dma_wait3A_268 = tpu.memref_slice %arg3[%mul3A_254] : memref<524288xi32, #tpu.memory_space<hbm>> -> memref<512xi32, #tpu.memory_space<hbm>>
        %dma_wait3A_269 = arith.constant 0 : i32
        %dma_wait3A_270 = tpu.memref_slice %arg7[%dma_wait3A_264, %dma_wait3A_269] : memref<2x512xi32, #tpu.memory_space<vmem>> -> memref<1x512xi32, #tpu.memory_space<vmem>>
        %dma_wait3A_271 = tpu.memref_squeeze %dma_wait3A_270 : memref<1x512xi32, #tpu.memory_space<vmem>> -> memref<512xi32, #tpu.memory_space<vmem>>
        %dma_wait3A_272 = tpu.memref_slice %arg3[%mul3A_254] : memref<524288xi32, #tpu.memory_space<hbm>> -> memref<512xi32, #tpu.memory_space<hbm>>
        tpu.wait_dma2 semaphore(%arg13 : memref<!tpu.dma_semaphore, #tpu.memory_space<semaphore_mem>>) src(%dma_wait3A_272 : memref<512xi32, #tpu.memory_space<hbm>>) dst(%dma_wait3A_271 : memref<512xi32, #tpu.memory_space<vmem>>)
        %dma_start3A_273 = arith.constant 1 : i32
        %dma_start3A_274 = arith.constant 0 : i32
        %dma_start3A_275 = arith.constant 0 : i32
        %dma_start3A_276 = tpu.memref_slice %arg9[%dma_start3A_273, %dma_start3A_274, %dma_start3A_275] : memref<2x16x16xf32, #tpu.memory_space<vmem>> -> memref<1x16x16xf32, #tpu.memory_space<vmem>>
        %dma_start3A_277 = tpu.memref_squeeze %dma_start3A_276 : memref<1x16x16xf32, #tpu.memory_space<vmem>> -> memref<16x16xf32, #tpu.memory_space<vmem>>
        %dma_start3A_278 = arith.constant 0 : i32
        %dma_start3A_279 = tpu.memref_slice %arg4[%add3A_252, %dma_start3A_278] : memref<16384x16xf32, #tpu.memory_space<hbm>> -> memref<16x16xf32, #tpu.memory_space<hbm>>
        %dma_start3A_280 = arith.constant 0 : i32
        %dma_start3A_281 = arith.constant 0 : i32
        %dma_start3A_282 = tpu.memref_slice %arg9[%dma_start3A_273, %dma_start3A_280, %dma_start3A_281] : memref<2x16x16xf32, #tpu.memory_space<vmem>> -> memref<1x16x16xf32, #tpu.memory_space<vmem>>
        %dma_start3A_283 = tpu.memref_squeeze %dma_start3A_282 : memref<1x16x16xf32, #tpu.memory_space<vmem>> -> memref<16x16xf32, #tpu.memory_space<vmem>>
        %dma_start3A_284 = arith.constant 0 : i32
        %dma_start3A_285 = tpu.memref_slice %arg4[%add3A_252, %dma_start3A_284] : memref<16384x16xf32, #tpu.memory_space<hbm>> -> memref<16x16xf32, #tpu.memory_space<hbm>>
        tpu.enqueue_dma source(%dma_start3A_285 : memref<16x16xf32, #tpu.memory_space<hbm>>) target(%dma_start3A_283 : memref<16x16xf32, #tpu.memory_space<vmem>>) target_semaphore(%arg13 : memref<!tpu.dma_semaphore, #tpu.memory_space<semaphore_mem>>)
        %dma_wait3A_286 = arith.constant 1 : i32
        %dma_wait3A_287 = arith.constant 0 : i32
        %dma_wait3A_288 = arith.constant 0 : i32
        %dma_wait3A_289 = tpu.memref_slice %arg9[%dma_wait3A_286, %dma_wait3A_287, %dma_wait3A_288] : memref<2x16x16xf32, #tpu.memory_space<vmem>> -> memref<1x16x16xf32, #tpu.memory_space<vmem>>
        %dma_wait3A_290 = tpu.memref_squeeze %dma_wait3A_289 : memref<1x16x16xf32, #tpu.memory_space<vmem>> -> memref<16x16xf32, #tpu.memory_space<vmem>>
        %dma_wait3A_291 = arith.constant 0 : i32
        %dma_wait3A_292 = tpu.memref_slice %arg4[%add3A_252, %dma_wait3A_291] : memref<16384x16xf32, #tpu.memory_space<hbm>> -> memref<16x16xf32, #tpu.memory_space<hbm>>
        %dma_wait3A_293 = arith.constant 0 : i32
        %dma_wait3A_294 = arith.constant 0 : i32
        %dma_wait3A_295 = tpu.memref_slice %arg9[%dma_wait3A_286, %dma_wait3A_293, %dma_wait3A_294] : memref<2x16x16xf32, #tpu.memory_space<vmem>> -> memref<1x16x16xf32, #tpu.memory_space<vmem>>
        %dma_wait3A_296 = tpu.memref_squeeze %dma_wait3A_295 : memref<1x16x16xf32, #tpu.memory_space<vmem>> -> memref<16x16xf32, #tpu.memory_space<vmem>>
        %dma_wait3A_297 = arith.constant 0 : i32
        %dma_wait3A_298 = tpu.memref_slice %arg4[%add3A_252, %dma_wait3A_297] : memref<16384x16xf32, #tpu.memory_space<hbm>> -> memref<16x16xf32, #tpu.memory_space<hbm>>
        tpu.wait_dma2 semaphore(%arg13 : memref<!tpu.dma_semaphore, #tpu.memory_space<semaphore_mem>>) src(%dma_wait3A_298 : memref<16x16xf32, #tpu.memory_space<hbm>>) dst(%dma_wait3A_296 : memref<16x16xf32, #tpu.memory_space<vmem>>)
        %dma_start3A_299 = arith.constant 1 : i32
        %dma_start3A_300 = arith.constant 1 : i32
        %dma_start3A_301 = arith.constant 0 : i32
        %dma_start3A_302 = arith.constant 0 : i32
        %dma_start3A_303 = tpu.memref_slice %arg8[%dma_start3A_300, %dma_start3A_301, %dma_start3A_302] : memref<2x512x16xf32, #tpu.memory_space<vmem>> -> memref<1x128x16xf32, #tpu.memory_space<vmem>>
        %dma_start3A_304 = tpu.memref_squeeze %dma_start3A_303 : memref<1x128x16xf32, #tpu.memory_space<vmem>> -> memref<128x16xf32, #tpu.memory_space<vmem>>
        %dma_start3A_305 = arith.constant 0 : i32
        %dma_start3A_306 = tpu.memref_slice %arg7[%dma_start3A_299, %dma_start3A_305] : memref<2x512xi32, #tpu.memory_space<vmem>> -> memref<1x128xi32, #tpu.memory_space<vmem>>
        %dma_start3A_307 = tpu.memref_squeeze %dma_start3A_306 : memref<1x128xi32, #tpu.memory_space<vmem>> -> memref<128xi32, #tpu.memory_space<vmem>>
        %dma_start3A_308 = arith.constant 0 : i32
        %dma_start3A_309 = arith.constant 0 : i32
        %dma_start3A_310 = tpu.memref_slice %arg2[%dma_start3A_308, %dma_start3A_309] : memref<2097152x16xf32, #tpu.memory_space<hbm>> -> memref<2097152x16xf32, #tpu.memory_space<hbm>>
        tpu.enqueue_indirect_dma source(%dma_start3A_310 : memref<2097152x16xf32, #tpu.memory_space<hbm>>) target(%dma_start3A_304 : memref<128x16xf32, #tpu.memory_space<vmem>>) offsets(%dma_start3A_307 : memref<128xi32, #tpu.memory_space<vmem>>) semaphore(%arg12 : memref<!tpu.dma_semaphore, #tpu.memory_space<semaphore_mem>>)
        %dma_start3A_311 = arith.constant 1 : i32
        %dma_start3A_312 = arith.constant 1 : i32
        %dma_start3A_313 = arith.constant 128 : i32
        %dma_start3A_314 = arith.constant 0 : i32
        %dma_start3A_315 = tpu.memref_slice %arg8[%dma_start3A_312, %dma_start3A_313, %dma_start3A_314] : memref<2x512x16xf32, #tpu.memory_space<vmem>> -> memref<1x128x16xf32, #tpu.memory_space<vmem>>
        %dma_start3A_316 = tpu.memref_squeeze %dma_start3A_315 : memref<1x128x16xf32, #tpu.memory_space<vmem>> -> memref<128x16xf32, #tpu.memory_space<vmem>>
        %dma_start3A_317 = arith.constant 128 : i32
        %dma_start3A_318 = tpu.memref_slice %arg7[%dma_start3A_311, %dma_start3A_317] : memref<2x512xi32, #tpu.memory_space<vmem>> -> memref<1x128xi32, #tpu.memory_space<vmem>>
        %dma_start3A_319 = tpu.memref_squeeze %dma_start3A_318 : memref<1x128xi32, #tpu.memory_space<vmem>> -> memref<128xi32, #tpu.memory_space<vmem>>
        %dma_start3A_320 = arith.constant 0 : i32
        %dma_start3A_321 = arith.constant 0 : i32
        %dma_start3A_322 = tpu.memref_slice %arg2[%dma_start3A_320, %dma_start3A_321] : memref<2097152x16xf32, #tpu.memory_space<hbm>> -> memref<2097152x16xf32, #tpu.memory_space<hbm>>
        tpu.enqueue_indirect_dma source(%dma_start3A_322 : memref<2097152x16xf32, #tpu.memory_space<hbm>>) target(%dma_start3A_316 : memref<128x16xf32, #tpu.memory_space<vmem>>) offsets(%dma_start3A_319 : memref<128xi32, #tpu.memory_space<vmem>>) semaphore(%arg12 : memref<!tpu.dma_semaphore, #tpu.memory_space<semaphore_mem>>)
        %dma_start3A_323 = arith.constant 1 : i32
        %dma_start3A_324 = arith.constant 1 : i32
        %dma_start3A_325 = arith.constant 256 : i32
        %dma_start3A_326 = arith.constant 0 : i32
        %dma_start3A_327 = tpu.memref_slice %arg8[%dma_start3A_324, %dma_start3A_325, %dma_start3A_326] : memref<2x512x16xf32, #tpu.memory_space<vmem>> -> memref<1x128x16xf32, #tpu.memory_space<vmem>>
        %dma_start3A_328 = tpu.memref_squeeze %dma_start3A_327 : memref<1x128x16xf32, #tpu.memory_space<vmem>> -> memref<128x16xf32, #tpu.memory_space<vmem>>
        %dma_start3A_329 = arith.constant 256 : i32
        %dma_start3A_330 = tpu.memref_slice %arg7[%dma_start3A_323, %dma_start3A_329] : memref<2x512xi32, #tpu.memory_space<vmem>> -> memref<1x128xi32, #tpu.memory_space<vmem>>
        %dma_start3A_331 = tpu.memref_squeeze %dma_start3A_330 : memref<1x128xi32, #tpu.memory_space<vmem>> -> memref<128xi32, #tpu.memory_space<vmem>>
        %dma_start3A_332 = arith.constant 0 : i32
        %dma_start3A_333 = arith.constant 0 : i32
        %dma_start3A_334 = tpu.memref_slice %arg2[%dma_start3A_332, %dma_start3A_333] : memref<2097152x16xf32, #tpu.memory_space<hbm>> -> memref<2097152x16xf32, #tpu.memory_space<hbm>>
        tpu.enqueue_indirect_dma source(%dma_start3A_334 : memref<2097152x16xf32, #tpu.memory_space<hbm>>) target(%dma_start3A_328 : memref<128x16xf32, #tpu.memory_space<vmem>>) offsets(%dma_start3A_331 : memref<128xi32, #tpu.memory_space<vmem>>) semaphore(%arg12 : memref<!tpu.dma_semaphore, #tpu.memory_space<semaphore_mem>>)
        %dma_start3A_335 = arith.constant 1 : i32
        %dma_start3A_336 = arith.constant 1 : i32
        %dma_start3A_337 = arith.constant 384 : i32
        %dma_start3A_338 = arith.constant 0 : i32
        %dma_start3A_339 = tpu.memref_slice %arg8[%dma_start3A_336, %dma_start3A_337, %dma_start3A_338] : memref<2x512x16xf32, #tpu.memory_space<vmem>> -> memref<1x128x16xf32, #tpu.memory_space<vmem>>
        %dma_start3A_340 = tpu.memref_squeeze %dma_start3A_339 : memref<1x128x16xf32, #tpu.memory_space<vmem>> -> memref<128x16xf32, #tpu.memory_space<vmem>>
        %dma_start3A_341 = arith.constant 384 : i32
        %dma_start3A_342 = tpu.memref_slice %arg7[%dma_start3A_335, %dma_start3A_341] : memref<2x512xi32, #tpu.memory_space<vmem>> -> memref<1x128xi32, #tpu.memory_space<vmem>>
        %dma_start3A_343 = tpu.memref_squeeze %dma_start3A_342 : memref<1x128xi32, #tpu.memory_space<vmem>> -> memref<128xi32, #tpu.memory_space<vmem>>
        %dma_start3A_344 = arith.constant 0 : i32
        %dma_start3A_345 = arith.constant 0 : i32
        %dma_start3A_346 = tpu.memref_slice %arg2[%dma_start3A_344, %dma_start3A_345] : memref<2097152x16xf32, #tpu.memory_space<hbm>> -> memref<2097152x16xf32, #tpu.memory_space<hbm>>
        tpu.enqueue_indirect_dma source(%dma_start3A_346 : memref<2097152x16xf32, #tpu.memory_space<hbm>>) target(%dma_start3A_340 : memref<128x16xf32, #tpu.memory_space<vmem>>) offsets(%dma_start3A_343 : memref<128xi32, #tpu.memory_space<vmem>>) semaphore(%arg12 : memref<!tpu.dma_semaphore, #tpu.memory_space<semaphore_mem>>)
      } else {
      }
      %dma_wait3A_113 = arith.constant 0 : i32
      %dma_wait3A_114 = arith.constant 0 : i32
      %dma_wait3A_115 = arith.constant 0 : i32
      %dma_wait3A_116 = arith.constant 0 : i32
      %dma_wait3A_117 = tpu.memref_slice %arg8[%dma_wait3A_114, %dma_wait3A_115, %dma_wait3A_116] : memref<2x512x16xf32, #tpu.memory_space<vmem>> -> memref<1x128x16xf32, #tpu.memory_space<vmem>>
      %dma_wait3A_118 = tpu.memref_squeeze %dma_wait3A_117 : memref<1x128x16xf32, #tpu.memory_space<vmem>> -> memref<128x16xf32, #tpu.memory_space<vmem>>
      %dma_wait3A_119 = arith.constant 0 : i32
      %dma_wait3A_120 = tpu.memref_slice %arg7[%dma_wait3A_113, %dma_wait3A_119] : memref<2x512xi32, #tpu.memory_space<vmem>> -> memref<1x128xi32, #tpu.memory_space<vmem>>
      %dma_wait3A_121 = tpu.memref_squeeze %dma_wait3A_120 : memref<1x128xi32, #tpu.memory_space<vmem>> -> memref<128xi32, #tpu.memory_space<vmem>>
      %dma_wait3A_122 = arith.constant 0 : i32
      %dma_wait3A_123 = arith.constant 0 : i32
      %dma_wait3A_124 = tpu.memref_slice %arg2[%dma_wait3A_122, %dma_wait3A_123] : memref<2097152x16xf32, #tpu.memory_space<hbm>> -> memref<2097152x16xf32, #tpu.memory_space<hbm>>
      tpu.wait_indirect_dma semaphore(%arg11 : memref<!tpu.dma_semaphore, #tpu.memory_space<semaphore_mem>>) src(%dma_wait3A_124 : memref<2097152x16xf32, #tpu.memory_space<hbm>>) dst(%dma_wait3A_118 : memref<128x16xf32, #tpu.memory_space<vmem>>)
      %dma_wait3A_125 = arith.constant 0 : i32
      %dma_wait3A_126 = arith.constant 0 : i32
      %dma_wait3A_127 = arith.constant 128 : i32
      %dma_wait3A_128 = arith.constant 0 : i32
      %dma_wait3A_129 = tpu.memref_slice %arg8[%dma_wait3A_126, %dma_wait3A_127, %dma_wait3A_128] : memref<2x512x16xf32, #tpu.memory_space<vmem>> -> memref<1x128x16xf32, #tpu.memory_space<vmem>>
      %dma_wait3A_130 = tpu.memref_squeeze %dma_wait3A_129 : memref<1x128x16xf32, #tpu.memory_space<vmem>> -> memref<128x16xf32, #tpu.memory_space<vmem>>
      %dma_wait3A_131 = arith.constant 128 : i32
      %dma_wait3A_132 = tpu.memref_slice %arg7[%dma_wait3A_125, %dma_wait3A_131] : memref<2x512xi32, #tpu.memory_space<vmem>> -> memref<1x128xi32, #tpu.memory_space<vmem>>
      %dma_wait3A_133 = tpu.memref_squeeze %dma_wait3A_132 : memref<1x128xi32, #tpu.memory_space<vmem>> -> memref<128xi32, #tpu.memory_space<vmem>>
      %dma_wait3A_134 = arith.constant 0 : i32
      %dma_wait3A_135 = arith.constant 0 : i32
      %dma_wait3A_136 = tpu.memref_slice %arg2[%dma_wait3A_134, %dma_wait3A_135] : memref<2097152x16xf32, #tpu.memory_space<hbm>> -> memref<2097152x16xf32, #tpu.memory_space<hbm>>
      tpu.wait_indirect_dma semaphore(%arg11 : memref<!tpu.dma_semaphore, #tpu.memory_space<semaphore_mem>>) src(%dma_wait3A_136 : memref<2097152x16xf32, #tpu.memory_space<hbm>>) dst(%dma_wait3A_130 : memref<128x16xf32, #tpu.memory_space<vmem>>)
      %dma_wait3A_137 = arith.constant 0 : i32
      %dma_wait3A_138 = arith.constant 0 : i32
      %dma_wait3A_139 = arith.constant 256 : i32
      %dma_wait3A_140 = arith.constant 0 : i32
      %dma_wait3A_141 = tpu.memref_slice %arg8[%dma_wait3A_138, %dma_wait3A_139, %dma_wait3A_140] : memref<2x512x16xf32, #tpu.memory_space<vmem>> -> memref<1x128x16xf32, #tpu.memory_space<vmem>>
      %dma_wait3A_142 = tpu.memref_squeeze %dma_wait3A_141 : memref<1x128x16xf32, #tpu.memory_space<vmem>> -> memref<128x16xf32, #tpu.memory_space<vmem>>
      %dma_wait3A_143 = arith.constant 256 : i32
      %dma_wait3A_144 = tpu.memref_slice %arg7[%dma_wait3A_137, %dma_wait3A_143] : memref<2x512xi32, #tpu.memory_space<vmem>> -> memref<1x128xi32, #tpu.memory_space<vmem>>
      %dma_wait3A_145 = tpu.memref_squeeze %dma_wait3A_144 : memref<1x128xi32, #tpu.memory_space<vmem>> -> memref<128xi32, #tpu.memory_space<vmem>>
      %dma_wait3A_146 = arith.constant 0 : i32
      %dma_wait3A_147 = arith.constant 0 : i32
      %dma_wait3A_148 = tpu.memref_slice %arg2[%dma_wait3A_146, %dma_wait3A_147] : memref<2097152x16xf32, #tpu.memory_space<hbm>> -> memref<2097152x16xf32, #tpu.memory_space<hbm>>
      tpu.wait_indirect_dma semaphore(%arg11 : memref<!tpu.dma_semaphore, #tpu.memory_space<semaphore_mem>>) src(%dma_wait3A_148 : memref<2097152x16xf32, #tpu.memory_space<hbm>>) dst(%dma_wait3A_142 : memref<128x16xf32, #tpu.memory_space<vmem>>)
      %dma_wait3A_149 = arith.constant 0 : i32
      %dma_wait3A_150 = arith.constant 0 : i32
      %dma_wait3A_151 = arith.constant 384 : i32
      %dma_wait3A_152 = arith.constant 0 : i32
      %dma_wait3A_153 = tpu.memref_slice %arg8[%dma_wait3A_150, %dma_wait3A_151, %dma_wait3A_152] : memref<2x512x16xf32, #tpu.memory_space<vmem>> -> memref<1x128x16xf32, #tpu.memory_space<vmem>>
      %dma_wait3A_154 = tpu.memref_squeeze %dma_wait3A_153 : memref<1x128x16xf32, #tpu.memory_space<vmem>> -> memref<128x16xf32, #tpu.memory_space<vmem>>
      %dma_wait3A_155 = arith.constant 384 : i32
      %dma_wait3A_156 = tpu.memref_slice %arg7[%dma_wait3A_149, %dma_wait3A_155] : memref<2x512xi32, #tpu.memory_space<vmem>> -> memref<1x128xi32, #tpu.memory_space<vmem>>
      %dma_wait3A_157 = tpu.memref_squeeze %dma_wait3A_156 : memref<1x128xi32, #tpu.memory_space<vmem>> -> memref<128xi32, #tpu.memory_space<vmem>>
      %dma_wait3A_158 = arith.constant 0 : i32
      %dma_wait3A_159 = arith.constant 0 : i32
      %dma_wait3A_160 = tpu.memref_slice %arg2[%dma_wait3A_158, %dma_wait3A_159] : memref<2097152x16xf32, #tpu.memory_space<hbm>> -> memref<2097152x16xf32, #tpu.memory_space<hbm>>
      tpu.wait_indirect_dma semaphore(%arg11 : memref<!tpu.dma_semaphore, #tpu.memory_space<semaphore_mem>>) src(%dma_wait3A_160 : memref<2097152x16xf32, #tpu.memory_space<hbm>>) dst(%dma_wait3A_154 : memref<128x16xf32, #tpu.memory_space<vmem>>)
      %scan3A_161 = arith.constant 0 : i32
      %scan3A_162 = arith.constant 16 : i32
      %scan3A_163 = arith.addi %scan3A_161, %scan3A_162 : i32
      %scan3A_164 = arith.constant 1 : i32
      scf.for %scan3A_248 = %scan3A_161 to %scan3A_163 step %scan3A_164  : i32 {
        %mul3A_249 = arith.constant 1 : i32
        %mul3A_250 = arith.muli %scan3A_248, %mul3A_249 : i32
        %add3A_251 = arith.constant 0 : i32
        %add3A_252 = arith.addi %add3A_251, %mul3A_250 : i32
        %mul3A_253 = arith.constant 16 : i32
        %mul3A_254 = arith.muli %mul3A_108, %mul3A_253 : i32
        %add3A_255 = arith.addi %mul3A_3, %mul3A_254 : i32
        %add3A_256 = arith.addi %add3A_255, %add3A_252 : i32
        %get3A_257 = arith.constant 0 : i32
        %get3A_258 = arith.index_cast %get3A_257 : i32 to index
        %get3A_259 = arith.index_cast %add3A_252 : i32 to index
        %get3A_260 = arith.constant 0 : index
        %get3A_261 = tpu.vector_load %arg9[%get3A_258, %get3A_259, %get3A_260] {strides = array<i32>} : memref<2x16x16xf32, #tpu.memory_space<vmem>>, vector<16xf32>,
        %broadcast_in_dim3A = vector.broadcast %squeeze3A : f32 to vector<16xf32>
        %broadcast_in_dim3A_262 = vector.broadcast %squeeze3A : f32 to vector<16xf32>
        %scan3A_263 = arith.constant 0 : i32
        %scan3A_264 = arith.constant 32 : i32
        %scan3A_265 = arith.addi %scan3A_263, %scan3A_264 : i32
        %scan3A_266 = arith.constant 1 : i32
        %scan3A_267:2 = scf.for %scan3A_302 = %scan3A_263 to %scan3A_265 step %scan3A_266 iter_args(%scan3A_303 = %broadcast_in_dim3A, %scan3A_304 = %broadcast_in_dim3A_262) -> (vector<16xf32>, vector<16xf32>)  : i32 {
          %mul3A_305 = arith.constant 32 : i32
          %mul3A_306 = arith.muli %add3A_252, %mul3A_305 : i32
          %add3A_307 = arith.addi %mul3A_306, %scan3A_302 : i32
          %get3A_308 = arith.constant 0 : i32
          %get3A_309 = arith.index_cast %get3A_308 : i32 to index
          %get3A_310 = arith.index_cast %add3A_307 : i32 to index
          %get3A_311 = arith.constant 0 : index
          %get3A_312 = tpu.vector_load %arg8[%get3A_309, %get3A_310, %get3A_311] {strides = array<i32>} : memref<2x512x16xf32, #tpu.memory_space<vmem>>, vector<16xf32>,
          %le3A = arith.cmpf ole, %get3A_312, %get3A_261 : vector<16xf32>
          %reduce_or3A = arith.constant 1.000000e+00 : f32
          %reduce_or3A_313 = arith.constant 0.000000e+00 : f32
          %reduce_or3A_314 = vector.broadcast %reduce_or3A : f32 to vector<16xf32>
          %reduce_or3A_315 = vector.broadcast %reduce_or3A_313 : f32 to vector<16xf32>
          %reduce_or3A_316 = arith.select %le3A, %reduce_or3A_314, %reduce_or3A_315 : vector<16xi1>, vector<16xf32>
          %reduce_or3A_317 = arith.constant true
          %reduce_or3A_318 = vector.broadcast %reduce_or3A_317 : i1 to vector<16xi1>
          %reduce_or3A_319 = tpu.scan <max>, %reduce_or3A_316 masked %reduce_or3A_318 : vector<16xf32>, vector<16xi1> -> vector<16xf32>
          %reduce_or3A_320 = vector.extract %reduce_or3A_319[15] : f32 from vector<16xf32>
          %reduce_or3A_321 = arith.constant 0.000000e+00 : f32
          %reduce_or3A_322 = arith.cmpf ogt, %reduce_or3A_320, %reduce_or3A_321 : f32
          %convert_element_type3A_323 = arith.extui %reduce_or3A_322 : i1 to i32
          %cond3A_324 = arith.constant 0 : i32
          %cond3A_325 = arith.cmpi ne, %convert_element_type3A_323, %cond3A_324 : i32
          %cond3A_326:2 = scf.if %cond3A_325 -> (vector<16xf32>, vector<16xf32>) {
            %le3A_327 = arith.cmpf ole, %get3A_312, %get3A_261 : vector<16xf32>
            %broadcast_in_dim3A_328 = vector.broadcast %squeeze3A : f32 to vector<16xf32>
            %select_n3A = arith.select %le3A_327, %get3A_312, %broadcast_in_dim3A_328 : vector<16xi1>, vector<16xf32>
            %sort3A = arith.constant dense<true> : vector<16xi1>
            %sort3A_329, %sort3A_330, %sort3A_331 = tpu.sort %select_n3A, %select_n3A masked %sort3A : (vector<16xf32>, vector<16xf32>, vector<16xi1>) -> (vector<16xi1>, vector<16xf32>, vector<16xf32>)
            %rev3A = arith.constant 15 : i32
            %rev3A_332 = vector.broadcast %rev3A : i32 to vector<16xi32>
            %rev3A_333 = tpu.iota {dimensions = array<i32: 0>} : vector<16xi32>
            %rev3A_334 = arith.subi %rev3A_332, %rev3A_333 : vector<16xi32>
            %rev3A_335 = tpu.dynamic_gather %sort3A_330[%rev3A_334] in [0] : vector<16xf32>, vector<16xi32> -> vector<16xf32>
            %min3A = arith.minimumf %scan3A_304, %rev3A_335 : vector<16xf32>
            %sort3A_336 = arith.constant dense<true> : vector<16xi1>
            %sort3A_337, %sort3A_338, %sort3A_339 = tpu.sort %min3A, %min3A masked %sort3A_336 : (vector<16xf32>, vector<16xf32>, vector<16xi1>) -> (vector<16xi1>, vector<16xf32>, vector<16xf32>)
            %rev3A_340 = arith.constant 15 : i32
            %rev3A_341 = vector.broadcast %rev3A_340 : i32 to vector<16xi32>
            %rev3A_342 = tpu.iota {dimensions = array<i32: 0>} : vector<16xi32>
            %rev3A_343 = arith.subi %rev3A_341, %rev3A_342 : vector<16xi32>
            %rev3A_344 = tpu.dynamic_gather %sort3A_338[%rev3A_343] in [0] : vector<16xf32>, vector<16xi32> -> vector<16xf32>
            %min3A_345 = arith.minimumf %scan3A_303, %rev3A_344 : vector<16xf32>
            %sort3A_346 = arith.constant dense<true> : vector<16xi1>
            %sort3A_347, %sort3A_348, %sort3A_349 = tpu.sort %min3A_345, %min3A_345 masked %sort3A_346 : (vector<16xf32>, vector<16xf32>, vector<16xi1>) -> (vector<16xi1>, vector<16xf32>, vector<16xf32>)
            %max3A = arith.maximumf %scan3A_303, %rev3A_344 : vector<16xf32>
            %sort3A_350 = arith.constant dense<true> : vector<16xi1>
            %sort3A_351, %sort3A_352, %sort3A_353 = tpu.sort %max3A, %max3A masked %sort3A_350 : (vector<16xf32>, vector<16xf32>, vector<16xi1>) -> (vector<16xi1>, vector<16xf32>, vector<16xf32>)
            scf.yield %sort3A_348, %sort3A_352 : vector<16xf32>, vector<16xf32>
          } else {
            scf.yield %scan3A_303, %scan3A_304 : vector<16xf32>, vector<16xf32>
          }
          scf.yield %cond3A_326#0, %cond3A_326#1 : vector<16xf32>, vector<16xf32>
        }
        %scan3A_268 = arith.constant 32 : i32
        %reduce_max3A = arith.constant true
        %reduce_max3A_269 = vector.broadcast %reduce_max3A : i1 to vector<16xi1>
        %reduce_max3A_270 = tpu.scan <max>, %scan3A_267#1 masked %reduce_max3A_269 : vector<16xf32>, vector<16xi1> -> vector<16xf32>
        %reduce_max3A_271 = vector.extract %reduce_max3A_270[15] : f32 from vector<16xf32>
        %broadcast_in_dim3A_272 = arith.constant 0.000000e+00 : f32
        %broadcast_in_dim3A_273 = vector.broadcast %broadcast_in_dim3A_272 : f32 to vector<16xf32>
        %add3A_274 = vector.broadcast %reduce_max3A_271 : f32 to vector<16xf32>
        %add3A_275 = arith.addf %broadcast_in_dim3A_273, %add3A_274 : vector<16xf32>
        %div3A = arith.constant 2048 : i32
        %div3A_276 = arith.divsi %add3A_256, %div3A : i32
        %mul3A_277 = arith.constant 2048 : i32
        %mul3A_278 = arith.muli %div3A_276, %mul3A_277 : i32
        %mul3A_279 = arith.constant 2048 : i32
        %mul3A_280 = arith.muli %add3A_256, %mul3A_279 : i32
        %sub3A = arith.subi %mul3A_278, %mul3A_280 : i32
        %mul3A_281 = arith.constant 32 : i32
        %mul3A_282 = arith.muli %add3A_252, %mul3A_281 : i32
        %get3A_283 = arith.constant 0 : i32
        %get3A_284 = arith.index_cast %get3A_283 : i32 to index
        %get3A_285 = arith.index_cast %mul3A_282 : i32 to index
        %get3A_286 = tpu.vector_load %arg7[%get3A_284, %get3A_285] {strides = array<i32>} : memref<2x512xi32, #tpu.memory_space<vmem>>, vector<16xi32>,
        %mul3A_287 = arith.constant 32 : i32
        %mul3A_288 = arith.muli %add3A_252, %mul3A_287 : i32
        %add3A_289 = arith.constant 16 : i32
        %add3A_290 = arith.addi %mul3A_288, %add3A_289 : i32
        %get3A_291 = arith.constant 0 : i32
        %get3A_292 = arith.index_cast %get3A_291 : i32 to index
        %get3A_293 = arith.index_cast %add3A_290 : i32 to index
        %get3A_294 = tpu.vector_load %arg7[%get3A_292, %get3A_293] {strides = array<i32>} : memref<2x512xi32, #tpu.memory_space<vmem>>, vector<16xi32>,
        %scan3A_295 = arith.constant 0 : i32
        %scan3A_296 = arith.constant 0 : i32
        %scan3A_297 = arith.constant 32 : i32
        %scan3A_298 = arith.addi %scan3A_296, %scan3A_297 : i32
        %scan3A_299 = arith.constant 1 : i32
        %scan3A_300 = scf.for %scan3A_302 = %scan3A_296 to %scan3A_298 step %scan3A_299 iter_args(%scan3A_303 = %scan3A_295) -> (i32)  : i32 {
          %mul3A_304 = arith.constant 32 : i32
          %mul3A_305 = arith.muli %add3A_252, %mul3A_304 : i32
          %add3A_306 = arith.addi %mul3A_305, %scan3A_302 : i32
          %get3A_307 = arith.constant 0 : i32
          %get3A_308 = arith.index_cast %get3A_307 : i32 to index
          %get3A_309 = arith.index_cast %add3A_306 : i32 to index
          %get3A_310 = arith.constant 0 : index
          %get3A_311 = tpu.vector_load %arg8[%get3A_308, %get3A_309, %get3A_310] {strides = array<i32>} : memref<2x512x16xf32, #tpu.memory_space<vmem>>, vector<16xf32>,
          %le3A = arith.cmpf ole, %get3A_311, %add3A_275 : vector<16xf32>
          %reduce_or3A = arith.constant 1.000000e+00 : f32
          %reduce_or3A_312 = arith.constant 0.000000e+00 : f32
          %reduce_or3A_313 = vector.broadcast %reduce_or3A : f32 to vector<16xf32>
          %reduce_or3A_314 = vector.broadcast %reduce_or3A_312 : f32 to vector<16xf32>
          %reduce_or3A_315 = arith.select %le3A, %reduce_or3A_313, %reduce_or3A_314 : vector<16xi1>, vector<16xf32>
          %reduce_or3A_316 = arith.constant true
          %reduce_or3A_317 = vector.broadcast %reduce_or3A_316 : i1 to vector<16xi1>
          %reduce_or3A_318 = tpu.scan <max>, %reduce_or3A_315 masked %reduce_or3A_317 : vector<16xf32>, vector<16xi1> -> vector<16xf32>
          %reduce_or3A_319 = vector.extract %reduce_or3A_318[15] : f32 from vector<16xf32>
          %reduce_or3A_320 = arith.constant 0.000000e+00 : f32
          %reduce_or3A_321 = arith.cmpf ogt, %reduce_or3A_319, %reduce_or3A_320 : f32
          %convert_element_type3A_322 = arith.extui %reduce_or3A_321 : i1 to i32
          %cond3A_323 = arith.constant 0 : i32
          %cond3A_324 = arith.cmpi ne, %convert_element_type3A_322, %cond3A_323 : i32
          %cond3A_325 = scf.if %cond3A_324 -> (i32) {
            %lt3A_326 = arith.constant 16 : i32
            %lt3A_327 = arith.cmpi slt, %scan3A_302, %lt3A_326 : i32
            %select_n3A = arith.select %lt3A_327, %get3A_286, %get3A_294 : vector<16xi32>
            %rem3A = arith.constant 16 : i32
            %rem3A_328 = arith.remsi %scan3A_302, %rem3A : i32
            %broadcast_in_dim3A_329 = vector.broadcast %rem3A_328 : i32 to vector<16x1xi32>
            %gather3A = vector.shape_cast %broadcast_in_dim3A_329 : vector<16x1xi32> to vector<16xi32>
            %gather3A_330 = tpu.dynamic_gather %select_n3A[%gather3A] in [0] : vector<16xi32>, vector<16xi32> -> vector<16xi32>
            %mul3A_331 = arith.constant 16 : i32
            %mul3A_332 = vector.broadcast %mul3A_331 : i32 to vector<16xi32>
            %mul3A_333 = arith.muli %gather3A_330, %mul3A_332 : vector<16xi32>
            %add3A_334 = arith.addi %mul3A_333, %iota3A : vector<16xi32>
            %add3A_335 = vector.broadcast %sub3A : i32 to vector<16xi32>
            %add3A_336 = arith.addi %add3A_334, %add3A_335 : vector<16xi32>
            %mul3A_337 = arith.constant 64 : i32
            %mul3A_338 = arith.muli %add3A_252, %mul3A_337 : i32
            %add3A_339 = arith.addi %mul3A_338, %scan3A_303 : i32
            %swap3A = arith.index_cast %add3A_339 : i32 to index
            %swap3A_340 = tpu.vector_load %arg10[%swap3A] masked %le3A {strides = array<i32>} : memref<1024xi32, #tpu.memory_space<vmem>>, vector<16xi32>, vector<16xi1>
            tpu.vector_store %arg10[%swap3A], %add3A_336 masked %le3A {strides = array<i32>} : memref<1024xi32, #tpu.memory_space<vmem>>, vector<16xi32>, vector<16xi1>
            %jit3A = arith.constant 1 : i32
            %jit3A_341 = arith.constant 0 : i32
            %broadcast_in_dim3A_342 = vector.broadcast %jit3A : i32 to vector<16xi32>
            %broadcast_in_dim3A_343 = vector.broadcast %jit3A_341 : i32 to vector<16xi32>
            %select_n3A_344 = arith.select %le3A, %broadcast_in_dim3A_342, %broadcast_in_dim3A_343 : vector<16xi1>, vector<16xi32>
            %reduce_sum3A = arith.constant true
            %reduce_sum3A_345 = vector.broadcast %reduce_sum3A : i1 to vector<16xi1>
            %reduce_sum3A_346 = tpu.scan <sum>, %select_n3A_344 masked %reduce_sum3A_345 : vector<16xi32>, vector<16xi1> -> vector<16xi32>
            %reduce_sum3A_347 = vector.extract %reduce_sum3A_346[15] : i32 from vector<16xi32>
            %add3A_348 = arith.addi %scan3A_303, %reduce_sum3A_347 : i32
            %min3A = arith.constant 48 : i32
            %min3A_349 = arith.minsi %add3A_348, %min3A : i32
            scf.yield %min3A_349 : i32
          } else {
            scf.yield %scan3A_303 : i32
          }
          scf.yield %cond3A_325 : i32
        }
        %scan3A_301 = arith.constant 32 : i32
      }
      %scan3A_165 = arith.constant 16 : i32
      %mul3A_166 = arith.constant 16 : i32
      %mul3A_167 = arith.muli %mul3A_108, %mul3A_166 : i32
      %add3A_168 = arith.addi %mul3A_3, %mul3A_167 : i32
      %mul3A_169 = arith.constant 64 : i32
      %mul3A_170 = arith.muli %add3A_168, %mul3A_169 : i32
      %dma_start3A_171 = tpu.memref_slice %arg6[%mul3A_170] : memref<1048576xi32, #tpu.memory_space<hbm>> -> memref<1024xi32, #tpu.memory_space<hbm>>
      %dma_start3A_172 = tpu.memref_slice %arg6[%mul3A_170] : memref<1048576xi32, #tpu.memory_space<hbm>> -> memref<1024xi32, #tpu.memory_space<hbm>>
      tpu.enqueue_dma source(%arg10 : memref<1024xi32, #tpu.memory_space<vmem>>) target(%dma_start3A_172 : memref<1024xi32, #tpu.memory_space<hbm>>) target_semaphore(%arg14 : memref<!tpu.dma_semaphore, #tpu.memory_space<semaphore_mem>>)
      %dma_wait3A_173 = tpu.memref_slice %arg6[%mul3A_170] : memref<1048576xi32, #tpu.memory_space<hbm>> -> memref<1024xi32, #tpu.memory_space<hbm>>
      %dma_wait3A_174 = tpu.memref_slice %arg6[%mul3A_170] : memref<1048576xi32, #tpu.memory_space<hbm>> -> memref<1024xi32, #tpu.memory_space<hbm>>
      tpu.wait_dma2 semaphore(%arg14 : memref<!tpu.dma_semaphore, #tpu.memory_space<semaphore_mem>>) src(%arg10 : memref<1024xi32, #tpu.memory_space<vmem>>) dst(%dma_wait3A_174 : memref<1024xi32, #tpu.memory_space<hbm>>)
      %mul3A_175 = arith.constant 2 : i32
      %mul3A_176 = arith.muli %mul3A_175, %add3A_106 : i32
      %add3A_177 = arith.constant 1 : i32
      %add3A_178 = arith.addi %mul3A_176, %add3A_177 : i32
      %add3A_179 = arith.constant 1 : i32
      %add3A_180 = arith.addi %add3A_178, %add3A_179 : i32
      %lt3A_181 = arith.constant 32 : i32
      %lt3A_182 = arith.cmpi slt, %add3A_180, %lt3A_181 : i32
      %convert_element_type3A_183 = arith.extui %lt3A_182 : i1 to i32
      %cond3A_184 = arith.constant 0 : i32
      %cond3A_185 = arith.cmpi ne, %convert_element_type3A_183, %cond3A_184 : i32
      scf.if %cond3A_185 {
        %add3A_248 = arith.constant 1 : i32
        %add3A_249 = arith.addi %add3A_178, %add3A_248 : i32
        %mul3A_250 = arith.constant 16 : i32
        %mul3A_251 = arith.muli %add3A_249, %mul3A_250 : i32
        %add3A_252 = arith.addi %mul3A_3, %mul3A_251 : i32
        %mul3A_253 = arith.constant 32 : i32
        %mul3A_254 = arith.muli %add3A_252, %mul3A_253 : i32
        %dma_start3A_255 = arith.constant 0 : i32
        %dma_start3A_256 = arith.constant 0 : i32
        %dma_start3A_257 = tpu.memref_slice %arg7[%dma_start3A_255, %dma_start3A_256] : memref<2x512xi32, #tpu.memory_space<vmem>> -> memref<1x512xi32, #tpu.memory_space<vmem>>
        %dma_start3A_258 = tpu.memref_squeeze %dma_start3A_257 : memref<1x512xi32, #tpu.memory_space<vmem>> -> memref<512xi32, #tpu.memory_space<vmem>>
        %dma_start3A_259 = tpu.memref_slice %arg3[%mul3A_254] : memref<524288xi32, #tpu.memory_space<hbm>> -> memref<512xi32, #tpu.memory_space<hbm>>
        %dma_start3A_260 = arith.constant 0 : i32
        %dma_start3A_261 = tpu.memref_slice %arg7[%dma_start3A_255, %dma_start3A_260] : memref<2x512xi32, #tpu.memory_space<vmem>> -> memref<1x512xi32, #tpu.memory_space<vmem>>
        %dma_start3A_262 = tpu.memref_squeeze %dma_start3A_261 : memref<1x512xi32, #tpu.memory_space<vmem>> -> memref<512xi32, #tpu.memory_space<vmem>>
        %dma_start3A_263 = tpu.memref_slice %arg3[%mul3A_254] : memref<524288xi32, #tpu.memory_space<hbm>> -> memref<512xi32, #tpu.memory_space<hbm>>
        tpu.enqueue_dma source(%dma_start3A_263 : memref<512xi32, #tpu.memory_space<hbm>>) target(%dma_start3A_262 : memref<512xi32, #tpu.memory_space<vmem>>) target_semaphore(%arg13 : memref<!tpu.dma_semaphore, #tpu.memory_space<semaphore_mem>>)
        %dma_wait3A_264 = arith.constant 0 : i32
        %dma_wait3A_265 = arith.constant 0 : i32
        %dma_wait3A_266 = tpu.memref_slice %arg7[%dma_wait3A_264, %dma_wait3A_265] : memref<2x512xi32, #tpu.memory_space<vmem>> -> memref<1x512xi32, #tpu.memory_space<vmem>>
        %dma_wait3A_267 = tpu.memref_squeeze %dma_wait3A_266 : memref<1x512xi32, #tpu.memory_space<vmem>> -> memref<512xi32, #tpu.memory_space<vmem>>
        %dma_wait3A_268 = tpu.memref_slice %arg3[%mul3A_254] : memref<524288xi32, #tpu.memory_space<hbm>> -> memref<512xi32, #tpu.memory_space<hbm>>
        %dma_wait3A_269 = arith.constant 0 : i32
        %dma_wait3A_270 = tpu.memref_slice %arg7[%dma_wait3A_264, %dma_wait3A_269] : memref<2x512xi32, #tpu.memory_space<vmem>> -> memref<1x512xi32, #tpu.memory_space<vmem>>
        %dma_wait3A_271 = tpu.memref_squeeze %dma_wait3A_270 : memref<1x512xi32, #tpu.memory_space<vmem>> -> memref<512xi32, #tpu.memory_space<vmem>>
        %dma_wait3A_272 = tpu.memref_slice %arg3[%mul3A_254] : memref<524288xi32, #tpu.memory_space<hbm>> -> memref<512xi32, #tpu.memory_space<hbm>>
        tpu.wait_dma2 semaphore(%arg13 : memref<!tpu.dma_semaphore, #tpu.memory_space<semaphore_mem>>) src(%dma_wait3A_272 : memref<512xi32, #tpu.memory_space<hbm>>) dst(%dma_wait3A_271 : memref<512xi32, #tpu.memory_space<vmem>>)
        %dma_start3A_273 = arith.constant 0 : i32
        %dma_start3A_274 = arith.constant 0 : i32
        %dma_start3A_275 = arith.constant 0 : i32
        %dma_start3A_276 = tpu.memref_slice %arg9[%dma_start3A_273, %dma_start3A_274, %dma_start3A_275] : memref<2x16x16xf32, #tpu.memory_space<vmem>> -> memref<1x16x16xf32, #tpu.memory_space<vmem>>
        %dma_start3A_277 = tpu.memref_squeeze %dma_start3A_276 : memref<1x16x16xf32, #tpu.memory_space<vmem>> -> memref<16x16xf32, #tpu.memory_space<vmem>>
        %dma_start3A_278 = arith.constant 0 : i32
        %dma_start3A_279 = tpu.memref_slice %arg4[%add3A_252, %dma_start3A_278] : memref<16384x16xf32, #tpu.memory_space<hbm>> -> memref<16x16xf32, #tpu.memory_space<hbm>>
        %dma_start3A_280 = arith.constant 0 : i32
        %dma_start3A_281 = arith.constant 0 : i32
        %dma_start3A_282 = tpu.memref_slice %arg9[%dma_start3A_273, %dma_start3A_280, %dma_start3A_281] : memref<2x16x16xf32, #tpu.memory_space<vmem>> -> memref<1x16x16xf32, #tpu.memory_space<vmem>>
        %dma_start3A_283 = tpu.memref_squeeze %dma_start3A_282 : memref<1x16x16xf32, #tpu.memory_space<vmem>> -> memref<16x16xf32, #tpu.memory_space<vmem>>
        %dma_start3A_284 = arith.constant 0 : i32
        %dma_start3A_285 = tpu.memref_slice %arg4[%add3A_252, %dma_start3A_284] : memref<16384x16xf32, #tpu.memory_space<hbm>> -> memref<16x16xf32, #tpu.memory_space<hbm>>
        tpu.enqueue_dma source(%dma_start3A_285 : memref<16x16xf32, #tpu.memory_space<hbm>>) target(%dma_start3A_283 : memref<16x16xf32, #tpu.memory_space<vmem>>) target_semaphore(%arg13 : memref<!tpu.dma_semaphore, #tpu.memory_space<semaphore_mem>>)
        %dma_wait3A_286 = arith.constant 0 : i32
        %dma_wait3A_287 = arith.constant 0 : i32
        %dma_wait3A_288 = arith.constant 0 : i32
        %dma_wait3A_289 = tpu.memref_slice %arg9[%dma_wait3A_286, %dma_wait3A_287, %dma_wait3A_288] : memref<2x16x16xf32, #tpu.memory_space<vmem>> -> memref<1x16x16xf32, #tpu.memory_space<vmem>>
        %dma_wait3A_290 = tpu.memref_squeeze %dma_wait3A_289 : memref<1x16x16xf32, #tpu.memory_space<vmem>> -> memref<16x16xf32, #tpu.memory_space<vmem>>
        %dma_wait3A_291 = arith.constant 0 : i32
        %dma_wait3A_292 = tpu.memref_slice %arg4[%add3A_252, %dma_wait3A_291] : memref<16384x16xf32, #tpu.memory_space<hbm>> -> memref<16x16xf32, #tpu.memory_space<hbm>>
        %dma_wait3A_293 = arith.constant 0 : i32
        %dma_wait3A_294 = arith.constant 0 : i32
        %dma_wait3A_295 = tpu.memref_slice %arg9[%dma_wait3A_286, %dma_wait3A_293, %dma_wait3A_294] : memref<2x16x16xf32, #tpu.memory_space<vmem>> -> memref<1x16x16xf32, #tpu.memory_space<vmem>>
        %dma_wait3A_296 = tpu.memref_squeeze %dma_wait3A_295 : memref<1x16x16xf32, #tpu.memory_space<vmem>> -> memref<16x16xf32, #tpu.memory_space<vmem>>
        %dma_wait3A_297 = arith.constant 0 : i32
        %dma_wait3A_298 = tpu.memref_slice %arg4[%add3A_252, %dma_wait3A_297] : memref<16384x16xf32, #tpu.memory_space<hbm>> -> memref<16x16xf32, #tpu.memory_space<hbm>>
        tpu.wait_dma2 semaphore(%arg13 : memref<!tpu.dma_semaphore, #tpu.memory_space<semaphore_mem>>) src(%dma_wait3A_298 : memref<16x16xf32, #tpu.memory_space<hbm>>) dst(%dma_wait3A_296 : memref<16x16xf32, #tpu.memory_space<vmem>>)
        %dma_start3A_299 = arith.constant 0 : i32
        %dma_start3A_300 = arith.constant 0 : i32
        %dma_start3A_301 = arith.constant 0 : i32
        %dma_start3A_302 = arith.constant 0 : i32
        %dma_start3A_303 = tpu.memref_slice %arg8[%dma_start3A_300, %dma_start3A_301, %dma_start3A_302] : memref<2x512x16xf32, #tpu.memory_space<vmem>> -> memref<1x128x16xf32, #tpu.memory_space<vmem>>
        %dma_start3A_304 = tpu.memref_squeeze %dma_start3A_303 : memref<1x128x16xf32, #tpu.memory_space<vmem>> -> memref<128x16xf32, #tpu.memory_space<vmem>>
        %dma_start3A_305 = arith.constant 0 : i32
        %dma_start3A_306 = tpu.memref_slice %arg7[%dma_start3A_299, %dma_start3A_305] : memref<2x512xi32, #tpu.memory_space<vmem>> -> memref<1x128xi32, #tpu.memory_space<vmem>>
        %dma_start3A_307 = tpu.memref_squeeze %dma_start3A_306 : memref<1x128xi32, #tpu.memory_space<vmem>> -> memref<128xi32, #tpu.memory_space<vmem>>
        %dma_start3A_308 = arith.constant 0 : i32
        %dma_start3A_309 = arith.constant 0 : i32
        %dma_start3A_310 = tpu.memref_slice %arg2[%dma_start3A_308, %dma_start3A_309] : memref<2097152x16xf32, #tpu.memory_space<hbm>> -> memref<2097152x16xf32, #tpu.memory_space<hbm>>
        tpu.enqueue_indirect_dma source(%dma_start3A_310 : memref<2097152x16xf32, #tpu.memory_space<hbm>>) target(%dma_start3A_304 : memref<128x16xf32, #tpu.memory_space<vmem>>) offsets(%dma_start3A_307 : memref<128xi32, #tpu.memory_space<vmem>>) semaphore(%arg11 : memref<!tpu.dma_semaphore, #tpu.memory_space<semaphore_mem>>)
        %dma_start3A_311 = arith.constant 0 : i32
        %dma_start3A_312 = arith.constant 0 : i32
        %dma_start3A_313 = arith.constant 128 : i32
        %dma_start3A_314 = arith.constant 0 : i32
        %dma_start3A_315 = tpu.memref_slice %arg8[%dma_start3A_312, %dma_start3A_313, %dma_start3A_314] : memref<2x512x16xf32, #tpu.memory_space<vmem>> -> memref<1x128x16xf32, #tpu.memory_space<vmem>>
        %dma_start3A_316 = tpu.memref_squeeze %dma_start3A_315 : memref<1x128x16xf32, #tpu.memory_space<vmem>> -> memref<128x16xf32, #tpu.memory_space<vmem>>
        %dma_start3A_317 = arith.constant 128 : i32
        %dma_start3A_318 = tpu.memref_slice %arg7[%dma_start3A_311, %dma_start3A_317] : memref<2x512xi32, #tpu.memory_space<vmem>> -> memref<1x128xi32, #tpu.memory_space<vmem>>
        %dma_start3A_319 = tpu.memref_squeeze %dma_start3A_318 : memref<1x128xi32, #tpu.memory_space<vmem>> -> memref<128xi32, #tpu.memory_space<vmem>>
        %dma_start3A_320 = arith.constant 0 : i32
        %dma_start3A_321 = arith.constant 0 : i32
        %dma_start3A_322 = tpu.memref_slice %arg2[%dma_start3A_320, %dma_start3A_321] : memref<2097152x16xf32, #tpu.memory_space<hbm>> -> memref<2097152x16xf32, #tpu.memory_space<hbm>>
        tpu.enqueue_indirect_dma source(%dma_start3A_322 : memref<2097152x16xf32, #tpu.memory_space<hbm>>) target(%dma_start3A_316 : memref<128x16xf32, #tpu.memory_space<vmem>>) offsets(%dma_start3A_319 : memref<128xi32, #tpu.memory_space<vmem>>) semaphore(%arg11 : memref<!tpu.dma_semaphore, #tpu.memory_space<semaphore_mem>>)
        %dma_start3A_323 = arith.constant 0 : i32
        %dma_start3A_324 = arith.constant 0 : i32
        %dma_start3A_325 = arith.constant 256 : i32
        %dma_start3A_326 = arith.constant 0 : i32
        %dma_start3A_327 = tpu.memref_slice %arg8[%dma_start3A_324, %dma_start3A_325, %dma_start3A_326] : memref<2x512x16xf32, #tpu.memory_space<vmem>> -> memref<1x128x16xf32, #tpu.memory_space<vmem>>
        %dma_start3A_328 = tpu.memref_squeeze %dma_start3A_327 : memref<1x128x16xf32, #tpu.memory_space<vmem>> -> memref<128x16xf32, #tpu.memory_space<vmem>>
        %dma_start3A_329 = arith.constant 256 : i32
        %dma_start3A_330 = tpu.memref_slice %arg7[%dma_start3A_323, %dma_start3A_329] : memref<2x512xi32, #tpu.memory_space<vmem>> -> memref<1x128xi32, #tpu.memory_space<vmem>>
        %dma_start3A_331 = tpu.memref_squeeze %dma_start3A_330 : memref<1x128xi32, #tpu.memory_space<vmem>> -> memref<128xi32, #tpu.memory_space<vmem>>
        %dma_start3A_332 = arith.constant 0 : i32
        %dma_start3A_333 = arith.constant 0 : i32
        %dma_start3A_334 = tpu.memref_slice %arg2[%dma_start3A_332, %dma_start3A_333] : memref<2097152x16xf32, #tpu.memory_space<hbm>> -> memref<2097152x16xf32, #tpu.memory_space<hbm>>
        tpu.enqueue_indirect_dma source(%dma_start3A_334 : memref<2097152x16xf32, #tpu.memory_space<hbm>>) target(%dma_start3A_328 : memref<128x16xf32, #tpu.memory_space<vmem>>) offsets(%dma_start3A_331 : memref<128xi32, #tpu.memory_space<vmem>>) semaphore(%arg11 : memref<!tpu.dma_semaphore, #tpu.memory_space<semaphore_mem>>)
        %dma_start3A_335 = arith.constant 0 : i32
        %dma_start3A_336 = arith.constant 0 : i32
        %dma_start3A_337 = arith.constant 384 : i32
        %dma_start3A_338 = arith.constant 0 : i32
        %dma_start3A_339 = tpu.memref_slice %arg8[%dma_start3A_336, %dma_start3A_337, %dma_start3A_338] : memref<2x512x16xf32, #tpu.memory_space<vmem>> -> memref<1x128x16xf32, #tpu.memory_space<vmem>>
        %dma_start3A_340 = tpu.memref_squeeze %dma_start3A_339 : memref<1x128x16xf32, #tpu.memory_space<vmem>> -> memref<128x16xf32, #tpu.memory_space<vmem>>
        %dma_start3A_341 = arith.constant 384 : i32
        %dma_start3A_342 = tpu.memref_slice %arg7[%dma_start3A_335, %dma_start3A_341] : memref<2x512xi32, #tpu.memory_space<vmem>> -> memref<1x128xi32, #tpu.memory_space<vmem>>
        %dma_start3A_343 = tpu.memref_squeeze %dma_start3A_342 : memref<1x128xi32, #tpu.memory_space<vmem>> -> memref<128xi32, #tpu.memory_space<vmem>>
        %dma_start3A_344 = arith.constant 0 : i32
        %dma_start3A_345 = arith.constant 0 : i32
        %dma_start3A_346 = tpu.memref_slice %arg2[%dma_start3A_344, %dma_start3A_345] : memref<2097152x16xf32, #tpu.memory_space<hbm>> -> memref<2097152x16xf32, #tpu.memory_space<hbm>>
        tpu.enqueue_indirect_dma source(%dma_start3A_346 : memref<2097152x16xf32, #tpu.memory_space<hbm>>) target(%dma_start3A_340 : memref<128x16xf32, #tpu.memory_space<vmem>>) offsets(%dma_start3A_343 : memref<128xi32, #tpu.memory_space<vmem>>) semaphore(%arg11 : memref<!tpu.dma_semaphore, #tpu.memory_space<semaphore_mem>>)
      } else {
      }
      %dma_wait3A_186 = arith.constant 1 : i32
      %dma_wait3A_187 = arith.constant 1 : i32
      %dma_wait3A_188 = arith.constant 0 : i32
      %dma_wait3A_189 = arith.constant 0 : i32
      %dma_wait3A_190 = tpu.memref_slice %arg8[%dma_wait3A_187, %dma_wait3A_188, %dma_wait3A_189] : memref<2x512x16xf32, #tpu.memory_space<vmem>> -> memref<1x128x16xf32, #tpu.memory_space<vmem>>
      %dma_wait3A_191 = tpu.memref_squeeze %dma_wait3A_190 : memref<1x128x16xf32, #tpu.memory_space<vmem>> -> memref<128x16xf32, #tpu.memory_space<vmem>>
      %dma_wait3A_192 = arith.constant 0 : i32
      %dma_wait3A_193 = tpu.memref_slice %arg7[%dma_wait3A_186, %dma_wait3A_192] : memref<2x512xi32, #tpu.memory_space<vmem>> -> memref<1x128xi32, #tpu.memory_space<vmem>>
      %dma_wait3A_194 = tpu.memref_squeeze %dma_wait3A_193 : memref<1x128xi32, #tpu.memory_space<vmem>> -> memref<128xi32, #tpu.memory_space<vmem>>
      %dma_wait3A_195 = arith.constant 0 : i32
      %dma_wait3A_196 = arith.constant 0 : i32
      %dma_wait3A_197 = tpu.memref_slice %arg2[%dma_wait3A_195, %dma_wait3A_196] : memref<2097152x16xf32, #tpu.memory_space<hbm>> -> memref<2097152x16xf32, #tpu.memory_space<hbm>>
      tpu.wait_indirect_dma semaphore(%arg12 : memref<!tpu.dma_semaphore, #tpu.memory_space<semaphore_mem>>) src(%dma_wait3A_197 : memref<2097152x16xf32, #tpu.memory_space<hbm>>) dst(%dma_wait3A_191 : memref<128x16xf32, #tpu.memory_space<vmem>>)
      %dma_wait3A_198 = arith.constant 1 : i32
      %dma_wait3A_199 = arith.constant 1 : i32
      %dma_wait3A_200 = arith.constant 128 : i32
      %dma_wait3A_201 = arith.constant 0 : i32
      %dma_wait3A_202 = tpu.memref_slice %arg8[%dma_wait3A_199, %dma_wait3A_200, %dma_wait3A_201] : memref<2x512x16xf32, #tpu.memory_space<vmem>> -> memref<1x128x16xf32, #tpu.memory_space<vmem>>
      %dma_wait3A_203 = tpu.memref_squeeze %dma_wait3A_202 : memref<1x128x16xf32, #tpu.memory_space<vmem>> -> memref<128x16xf32, #tpu.memory_space<vmem>>
      %dma_wait3A_204 = arith.constant 128 : i32
      %dma_wait3A_205 = tpu.memref_slice %arg7[%dma_wait3A_198, %dma_wait3A_204] : memref<2x512xi32, #tpu.memory_space<vmem>> -> memref<1x128xi32, #tpu.memory_space<vmem>>
      %dma_wait3A_206 = tpu.memref_squeeze %dma_wait3A_205 : memref<1x128xi32, #tpu.memory_space<vmem>> -> memref<128xi32, #tpu.memory_space<vmem>>
      %dma_wait3A_207 = arith.constant 0 : i32
      %dma_wait3A_208 = arith.constant 0 : i32
      %dma_wait3A_209 = tpu.memref_slice %arg2[%dma_wait3A_207, %dma_wait3A_208] : memref<2097152x16xf32, #tpu.memory_space<hbm>> -> memref<2097152x16xf32, #tpu.memory_space<hbm>>
      tpu.wait_indirect_dma semaphore(%arg12 : memref<!tpu.dma_semaphore, #tpu.memory_space<semaphore_mem>>) src(%dma_wait3A_209 : memref<2097152x16xf32, #tpu.memory_space<hbm>>) dst(%dma_wait3A_203 : memref<128x16xf32, #tpu.memory_space<vmem>>)
      %dma_wait3A_210 = arith.constant 1 : i32
      %dma_wait3A_211 = arith.constant 1 : i32
      %dma_wait3A_212 = arith.constant 256 : i32
      %dma_wait3A_213 = arith.constant 0 : i32
      %dma_wait3A_214 = tpu.memref_slice %arg8[%dma_wait3A_211, %dma_wait3A_212, %dma_wait3A_213] : memref<2x512x16xf32, #tpu.memory_space<vmem>> -> memref<1x128x16xf32, #tpu.memory_space<vmem>>
      %dma_wait3A_215 = tpu.memref_squeeze %dma_wait3A_214 : memref<1x128x16xf32, #tpu.memory_space<vmem>> -> memref<128x16xf32, #tpu.memory_space<vmem>>
      %dma_wait3A_216 = arith.constant 256 : i32
      %dma_wait3A_217 = tpu.memref_slice %arg7[%dma_wait3A_210, %dma_wait3A_216] : memref<2x512xi32, #tpu.memory_space<vmem>> -> memref<1x128xi32, #tpu.memory_space<vmem>>
      %dma_wait3A_218 = tpu.memref_squeeze %dma_wait3A_217 : memref<1x128xi32, #tpu.memory_space<vmem>> -> memref<128xi32, #tpu.memory_space<vmem>>
      %dma_wait3A_219 = arith.constant 0 : i32
      %dma_wait3A_220 = arith.constant 0 : i32
      %dma_wait3A_221 = tpu.memref_slice %arg2[%dma_wait3A_219, %dma_wait3A_220] : memref<2097152x16xf32, #tpu.memory_space<hbm>> -> memref<2097152x16xf32, #tpu.memory_space<hbm>>
      tpu.wait_indirect_dma semaphore(%arg12 : memref<!tpu.dma_semaphore, #tpu.memory_space<semaphore_mem>>) src(%dma_wait3A_221 : memref<2097152x16xf32, #tpu.memory_space<hbm>>) dst(%dma_wait3A_215 : memref<128x16xf32, #tpu.memory_space<vmem>>)
      %dma_wait3A_222 = arith.constant 1 : i32
      %dma_wait3A_223 = arith.constant 1 : i32
      %dma_wait3A_224 = arith.constant 384 : i32
      %dma_wait3A_225 = arith.constant 0 : i32
      %dma_wait3A_226 = tpu.memref_slice %arg8[%dma_wait3A_223, %dma_wait3A_224, %dma_wait3A_225] : memref<2x512x16xf32, #tpu.memory_space<vmem>> -> memref<1x128x16xf32, #tpu.memory_space<vmem>>
      %dma_wait3A_227 = tpu.memref_squeeze %dma_wait3A_226 : memref<1x128x16xf32, #tpu.memory_space<vmem>> -> memref<128x16xf32, #tpu.memory_space<vmem>>
      %dma_wait3A_228 = arith.constant 384 : i32
      %dma_wait3A_229 = tpu.memref_slice %arg7[%dma_wait3A_222, %dma_wait3A_228] : memref<2x512xi32, #tpu.memory_space<vmem>> -> memref<1x128xi32, #tpu.memory_space<vmem>>
      %dma_wait3A_230 = tpu.memref_squeeze %dma_wait3A_229 : memref<1x128xi32, #tpu.memory_space<vmem>> -> memref<128xi32, #tpu.memory_space<vmem>>
      %dma_wait3A_231 = arith.constant 0 : i32
      %dma_wait3A_232 = arith.constant 0 : i32
      %dma_wait3A_233 = tpu.memref_slice %arg2[%dma_wait3A_231, %dma_wait3A_232] : memref<2097152x16xf32, #tpu.memory_space<hbm>> -> memref<2097152x16xf32, #tpu.memory_space<hbm>>
      tpu.wait_indirect_dma semaphore(%arg12 : memref<!tpu.dma_semaphore, #tpu.memory_space<semaphore_mem>>) src(%dma_wait3A_233 : memref<2097152x16xf32, #tpu.memory_space<hbm>>) dst(%dma_wait3A_227 : memref<128x16xf32, #tpu.memory_space<vmem>>)
      %scan3A_234 = arith.constant 0 : i32
      %scan3A_235 = arith.constant 16 : i32
      %scan3A_236 = arith.addi %scan3A_234, %scan3A_235 : i32
      %scan3A_237 = arith.constant 1 : i32
      scf.for %scan3A_248 = %scan3A_234 to %scan3A_236 step %scan3A_237  : i32 {
        %mul3A_249 = arith.constant 1 : i32
        %mul3A_250 = arith.muli %scan3A_248, %mul3A_249 : i32
        %add3A_251 = arith.constant 0 : i32
        %add3A_252 = arith.addi %add3A_251, %mul3A_250 : i32
        %mul3A_253 = arith.constant 16 : i32
        %mul3A_254 = arith.muli %add3A_178, %mul3A_253 : i32
        %add3A_255 = arith.addi %mul3A_3, %mul3A_254 : i32
        %add3A_256 = arith.addi %add3A_255, %add3A_252 : i32
        %get3A_257 = arith.constant 1 : i32
        %get3A_258 = arith.index_cast %get3A_257 : i32 to index
        %get3A_259 = arith.index_cast %add3A_252 : i32 to index
        %get3A_260 = arith.constant 0 : index
        %get3A_261 = tpu.vector_load %arg9[%get3A_258, %get3A_259, %get3A_260] {strides = array<i32>} : memref<2x16x16xf32, #tpu.memory_space<vmem>>, vector<16xf32>,
        %broadcast_in_dim3A = vector.broadcast %squeeze3A : f32 to vector<16xf32>
        %broadcast_in_dim3A_262 = vector.broadcast %squeeze3A : f32 to vector<16xf32>
        %scan3A_263 = arith.constant 0 : i32
        %scan3A_264 = arith.constant 32 : i32
        %scan3A_265 = arith.addi %scan3A_263, %scan3A_264 : i32
        %scan3A_266 = arith.constant 1 : i32
        %scan3A_267:2 = scf.for %scan3A_302 = %scan3A_263 to %scan3A_265 step %scan3A_266 iter_args(%scan3A_303 = %broadcast_in_dim3A, %scan3A_304 = %broadcast_in_dim3A_262) -> (vector<16xf32>, vector<16xf32>)  : i32 {
          %mul3A_305 = arith.constant 32 : i32
          %mul3A_306 = arith.muli %add3A_252, %mul3A_305 : i32
          %add3A_307 = arith.addi %mul3A_306, %scan3A_302 : i32
          %get3A_308 = arith.constant 1 : i32
          %get3A_309 = arith.index_cast %get3A_308 : i32 to index
          %get3A_310 = arith.index_cast %add3A_307 : i32 to index
          %get3A_311 = arith.constant 0 : index
          %get3A_312 = tpu.vector_load %arg8[%get3A_309, %get3A_310, %get3A_311] {strides = array<i32>} : memref<2x512x16xf32, #tpu.memory_space<vmem>>, vector<16xf32>,
          %le3A = arith.cmpf ole, %get3A_312, %get3A_261 : vector<16xf32>
          %reduce_or3A = arith.constant 1.000000e+00 : f32
          %reduce_or3A_313 = arith.constant 0.000000e+00 : f32
          %reduce_or3A_314 = vector.broadcast %reduce_or3A : f32 to vector<16xf32>
          %reduce_or3A_315 = vector.broadcast %reduce_or3A_313 : f32 to vector<16xf32>
          %reduce_or3A_316 = arith.select %le3A, %reduce_or3A_314, %reduce_or3A_315 : vector<16xi1>, vector<16xf32>
          %reduce_or3A_317 = arith.constant true
          %reduce_or3A_318 = vector.broadcast %reduce_or3A_317 : i1 to vector<16xi1>
          %reduce_or3A_319 = tpu.scan <max>, %reduce_or3A_316 masked %reduce_or3A_318 : vector<16xf32>, vector<16xi1> -> vector<16xf32>
          %reduce_or3A_320 = vector.extract %reduce_or3A_319[15] : f32 from vector<16xf32>
          %reduce_or3A_321 = arith.constant 0.000000e+00 : f32
          %reduce_or3A_322 = arith.cmpf ogt, %reduce_or3A_320, %reduce_or3A_321 : f32
          %convert_element_type3A_323 = arith.extui %reduce_or3A_322 : i1 to i32
          %cond3A_324 = arith.constant 0 : i32
          %cond3A_325 = arith.cmpi ne, %convert_element_type3A_323, %cond3A_324 : i32
          %cond3A_326:2 = scf.if %cond3A_325 -> (vector<16xf32>, vector<16xf32>) {
            %le3A_327 = arith.cmpf ole, %get3A_312, %get3A_261 : vector<16xf32>
            %broadcast_in_dim3A_328 = vector.broadcast %squeeze3A : f32 to vector<16xf32>
            %select_n3A = arith.select %le3A_327, %get3A_312, %broadcast_in_dim3A_328 : vector<16xi1>, vector<16xf32>
            %sort3A = arith.constant dense<true> : vector<16xi1>
            %sort3A_329, %sort3A_330, %sort3A_331 = tpu.sort %select_n3A, %select_n3A masked %sort3A : (vector<16xf32>, vector<16xf32>, vector<16xi1>) -> (vector<16xi1>, vector<16xf32>, vector<16xf32>)
            %rev3A = arith.constant 15 : i32
            %rev3A_332 = vector.broadcast %rev3A : i32 to vector<16xi32>
            %rev3A_333 = tpu.iota {dimensions = array<i32: 0>} : vector<16xi32>
            %rev3A_334 = arith.subi %rev3A_332, %rev3A_333 : vector<16xi32>
            %rev3A_335 = tpu.dynamic_gather %sort3A_330[%rev3A_334] in [0] : vector<16xf32>, vector<16xi32> -> vector<16xf32>
            %min3A = arith.minimumf %scan3A_304, %rev3A_335 : vector<16xf32>
            %sort3A_336 = arith.constant dense<true> : vector<16xi1>
            %sort3A_337, %sort3A_338, %sort3A_339 = tpu.sort %min3A, %min3A masked %sort3A_336 : (vector<16xf32>, vector<16xf32>, vector<16xi1>) -> (vector<16xi1>, vector<16xf32>, vector<16xf32>)
            %rev3A_340 = arith.constant 15 : i32
            %rev3A_341 = vector.broadcast %rev3A_340 : i32 to vector<16xi32>
            %rev3A_342 = tpu.iota {dimensions = array<i32: 0>} : vector<16xi32>
            %rev3A_343 = arith.subi %rev3A_341, %rev3A_342 : vector<16xi32>
            %rev3A_344 = tpu.dynamic_gather %sort3A_338[%rev3A_343] in [0] : vector<16xf32>, vector<16xi32> -> vector<16xf32>
            %min3A_345 = arith.minimumf %scan3A_303, %rev3A_344 : vector<16xf32>
            %sort3A_346 = arith.constant dense<true> : vector<16xi1>
            %sort3A_347, %sort3A_348, %sort3A_349 = tpu.sort %min3A_345, %min3A_345 masked %sort3A_346 : (vector<16xf32>, vector<16xf32>, vector<16xi1>) -> (vector<16xi1>, vector<16xf32>, vector<16xf32>)
            %max3A = arith.maximumf %scan3A_303, %rev3A_344 : vector<16xf32>
            %sort3A_350 = arith.constant dense<true> : vector<16xi1>
            %sort3A_351, %sort3A_352, %sort3A_353 = tpu.sort %max3A, %max3A masked %sort3A_350 : (vector<16xf32>, vector<16xf32>, vector<16xi1>) -> (vector<16xi1>, vector<16xf32>, vector<16xf32>)
            scf.yield %sort3A_348, %sort3A_352 : vector<16xf32>, vector<16xf32>
          } else {
            scf.yield %scan3A_303, %scan3A_304 : vector<16xf32>, vector<16xf32>
          }
          scf.yield %cond3A_326#0, %cond3A_326#1 : vector<16xf32>, vector<16xf32>
        }
        %scan3A_268 = arith.constant 32 : i32
        %reduce_max3A = arith.constant true
        %reduce_max3A_269 = vector.broadcast %reduce_max3A : i1 to vector<16xi1>
        %reduce_max3A_270 = tpu.scan <max>, %scan3A_267#1 masked %reduce_max3A_269 : vector<16xf32>, vector<16xi1> -> vector<16xf32>
        %reduce_max3A_271 = vector.extract %reduce_max3A_270[15] : f32 from vector<16xf32>
        %broadcast_in_dim3A_272 = arith.constant 0.000000e+00 : f32
        %broadcast_in_dim3A_273 = vector.broadcast %broadcast_in_dim3A_272 : f32 to vector<16xf32>
        %add3A_274 = vector.broadcast %reduce_max3A_271 : f32 to vector<16xf32>
        %add3A_275 = arith.addf %broadcast_in_dim3A_273, %add3A_274 : vector<16xf32>
        %div3A = arith.constant 2048 : i32
        %div3A_276 = arith.divsi %add3A_256, %div3A : i32
        %mul3A_277 = arith.constant 2048 : i32
        %mul3A_278 = arith.muli %div3A_276, %mul3A_277 : i32
        %mul3A_279 = arith.constant 2048 : i32
        %mul3A_280 = arith.muli %add3A_256, %mul3A_279 : i32
        %sub3A = arith.subi %mul3A_278, %mul3A_280 : i32
        %mul3A_281 = arith.constant 32 : i32
        %mul3A_282 = arith.muli %add3A_252, %mul3A_281 : i32
        %get3A_283 = arith.constant 1 : i32
        %get3A_284 = arith.index_cast %get3A_283 : i32 to index
        %get3A_285 = arith.index_cast %mul3A_282 : i32 to index
        %get3A_286 = tpu.vector_load %arg7[%get3A_284, %get3A_285] {strides = array<i32>} : memref<2x512xi32, #tpu.memory_space<vmem>>, vector<16xi32>,
        %mul3A_287 = arith.constant 32 : i32
        %mul3A_288 = arith.muli %add3A_252, %mul3A_287 : i32
        %add3A_289 = arith.constant 16 : i32
        %add3A_290 = arith.addi %mul3A_288, %add3A_289 : i32
        %get3A_291 = arith.constant 1 : i32
        %get3A_292 = arith.index_cast %get3A_291 : i32 to index
        %get3A_293 = arith.index_cast %add3A_290 : i32 to index
        %get3A_294 = tpu.vector_load %arg7[%get3A_292, %get3A_293] {strides = array<i32>} : memref<2x512xi32, #tpu.memory_space<vmem>>, vector<16xi32>,
        %scan3A_295 = arith.constant 0 : i32
        %scan3A_296 = arith.constant 0 : i32
        %scan3A_297 = arith.constant 32 : i32
        %scan3A_298 = arith.addi %scan3A_296, %scan3A_297 : i32
        %scan3A_299 = arith.constant 1 : i32
        %scan3A_300 = scf.for %scan3A_302 = %scan3A_296 to %scan3A_298 step %scan3A_299 iter_args(%scan3A_303 = %scan3A_295) -> (i32)  : i32 {
          %mul3A_304 = arith.constant 32 : i32
          %mul3A_305 = arith.muli %add3A_252, %mul3A_304 : i32
          %add3A_306 = arith.addi %mul3A_305, %scan3A_302 : i32
          %get3A_307 = arith.constant 1 : i32
          %get3A_308 = arith.index_cast %get3A_307 : i32 to index
          %get3A_309 = arith.index_cast %add3A_306 : i32 to index
          %get3A_310 = arith.constant 0 : index
          %get3A_311 = tpu.vector_load %arg8[%get3A_308, %get3A_309, %get3A_310] {strides = array<i32>} : memref<2x512x16xf32, #tpu.memory_space<vmem>>, vector<16xf32>,
          %le3A = arith.cmpf ole, %get3A_311, %add3A_275 : vector<16xf32>
          %reduce_or3A = arith.constant 1.000000e+00 : f32
          %reduce_or3A_312 = arith.constant 0.000000e+00 : f32
          %reduce_or3A_313 = vector.broadcast %reduce_or3A : f32 to vector<16xf32>
          %reduce_or3A_314 = vector.broadcast %reduce_or3A_312 : f32 to vector<16xf32>
          %reduce_or3A_315 = arith.select %le3A, %reduce_or3A_313, %reduce_or3A_314 : vector<16xi1>, vector<16xf32>
          %reduce_or3A_316 = arith.constant true
          %reduce_or3A_317 = vector.broadcast %reduce_or3A_316 : i1 to vector<16xi1>
          %reduce_or3A_318 = tpu.scan <max>, %reduce_or3A_315 masked %reduce_or3A_317 : vector<16xf32>, vector<16xi1> -> vector<16xf32>
          %reduce_or3A_319 = vector.extract %reduce_or3A_318[15] : f32 from vector<16xf32>
          %reduce_or3A_320 = arith.constant 0.000000e+00 : f32
          %reduce_or3A_321 = arith.cmpf ogt, %reduce_or3A_319, %reduce_or3A_320 : f32
          %convert_element_type3A_322 = arith.extui %reduce_or3A_321 : i1 to i32
          %cond3A_323 = arith.constant 0 : i32
          %cond3A_324 = arith.cmpi ne, %convert_element_type3A_322, %cond3A_323 : i32
          %cond3A_325 = scf.if %cond3A_324 -> (i32) {
            %lt3A_326 = arith.constant 16 : i32
            %lt3A_327 = arith.cmpi slt, %scan3A_302, %lt3A_326 : i32
            %select_n3A = arith.select %lt3A_327, %get3A_286, %get3A_294 : vector<16xi32>
            %rem3A = arith.constant 16 : i32
            %rem3A_328 = arith.remsi %scan3A_302, %rem3A : i32
            %broadcast_in_dim3A_329 = vector.broadcast %rem3A_328 : i32 to vector<16x1xi32>
            %gather3A = vector.shape_cast %broadcast_in_dim3A_329 : vector<16x1xi32> to vector<16xi32>
            %gather3A_330 = tpu.dynamic_gather %select_n3A[%gather3A] in [0] : vector<16xi32>, vector<16xi32> -> vector<16xi32>
            %mul3A_331 = arith.constant 16 : i32
            %mul3A_332 = vector.broadcast %mul3A_331 : i32 to vector<16xi32>
            %mul3A_333 = arith.muli %gather3A_330, %mul3A_332 : vector<16xi32>
            %add3A_334 = arith.addi %mul3A_333, %iota3A : vector<16xi32>
            %add3A_335 = vector.broadcast %sub3A : i32 to vector<16xi32>
            %add3A_336 = arith.addi %add3A_334, %add3A_335 : vector<16xi32>
            %mul3A_337 = arith.constant 64 : i32
            %mul3A_338 = arith.muli %add3A_252, %mul3A_337 : i32
            %add3A_339 = arith.addi %mul3A_338, %scan3A_303 : i32
            %swap3A = arith.index_cast %add3A_339 : i32 to index
            %swap3A_340 = tpu.vector_load %arg10[%swap3A] masked %le3A {strides = array<i32>} : memref<1024xi32, #tpu.memory_space<vmem>>, vector<16xi32>, vector<16xi1>
            tpu.vector_store %arg10[%swap3A], %add3A_336 masked %le3A {strides = array<i32>} : memref<1024xi32, #tpu.memory_space<vmem>>, vector<16xi32>, vector<16xi1>
            %jit3A = arith.constant 1 : i32
            %jit3A_341 = arith.constant 0 : i32
            %broadcast_in_dim3A_342 = vector.broadcast %jit3A : i32 to vector<16xi32>
            %broadcast_in_dim3A_343 = vector.broadcast %jit3A_341 : i32 to vector<16xi32>
            %select_n3A_344 = arith.select %le3A, %broadcast_in_dim3A_342, %broadcast_in_dim3A_343 : vector<16xi1>, vector<16xi32>
            %reduce_sum3A = arith.constant true
            %reduce_sum3A_345 = vector.broadcast %reduce_sum3A : i1 to vector<16xi1>
            %reduce_sum3A_346 = tpu.scan <sum>, %select_n3A_344 masked %reduce_sum3A_345 : vector<16xi32>, vector<16xi1> -> vector<16xi32>
            %reduce_sum3A_347 = vector.extract %reduce_sum3A_346[15] : i32 from vector<16xi32>
            %add3A_348 = arith.addi %scan3A_303, %reduce_sum3A_347 : i32
            %min3A = arith.constant 48 : i32
            %min3A_349 = arith.minsi %add3A_348, %min3A : i32
            scf.yield %min3A_349 : i32
          } else {
            scf.yield %scan3A_303 : i32
          }
          scf.yield %cond3A_325 : i32
        }
        %scan3A_301 = arith.constant 32 : i32
      }
      %scan3A_238 = arith.constant 16 : i32
      %mul3A_239 = arith.constant 16 : i32
      %mul3A_240 = arith.muli %add3A_178, %mul3A_239 : i32
      %add3A_241 = arith.addi %mul3A_3, %mul3A_240 : i32
      %mul3A_242 = arith.constant 64 : i32
      %mul3A_243 = arith.muli %add3A_241, %mul3A_242 : i32
      %dma_start3A_244 = tpu.memref_slice %arg6[%mul3A_243] : memref<1048576xi32, #tpu.memory_space<hbm>> -> memref<1024xi32, #tpu.memory_space<hbm>>
      %dma_start3A_245 = tpu.memref_slice %arg6[%mul3A_243] : memref<1048576xi32, #tpu.memory_space<hbm>> -> memref<1024xi32, #tpu.memory_space<hbm>>
      tpu.enqueue_dma source(%arg10 : memref<1024xi32, #tpu.memory_space<vmem>>) target(%dma_start3A_245 : memref<1024xi32, #tpu.memory_space<hbm>>) target_semaphore(%arg14 : memref<!tpu.dma_semaphore, #tpu.memory_space<semaphore_mem>>)
      %dma_wait3A_246 = tpu.memref_slice %arg6[%mul3A_243] : memref<1048576xi32, #tpu.memory_space<hbm>> -> memref<1024xi32, #tpu.memory_space<hbm>>
      %dma_wait3A_247 = tpu.memref_slice %arg6[%mul3A_243] : memref<1048576xi32, #tpu.memory_space<hbm>> -> memref<1024xi32, #tpu.memory_space<hbm>>
      tpu.wait_dma2 semaphore(%arg14 : memref<!tpu.dma_semaphore, #tpu.memory_space<semaphore_mem>>) src(%arg10 : memref<1024xi32, #tpu.memory_space<vmem>>) dst(%dma_wait3A_247 : memref<1024xi32, #tpu.memory_space<hbm>>)
    }
    %scan3A_101 = arith.constant 16 : i32
    return
  }
}

#map = affine_map<(d0, d1) -> (0, 0)>
module attributes {stable_mosaic.version = 14 : i64} {
  func.func @gather_kernel(%arg0: i32, %arg1: i32, %arg2: memref<16384x128xf32, #tpu.memory_space<hbm>>, %arg3: memref<1x524288xi32, #tpu.memory_space<hbm>>, %arg4: memref<524288x128xf32, #tpu.memory_space<hbm>>) attributes {dimension_semantics = [#tpu.dimension_semantics<core_parallel>, #tpu.dimension_semantics<subcore_parallel>], iteration_bounds = array<i64: 2, 16>, scalar_prefetch = 0 : i64, scratch_operands = 0 : i64, tpu.core_type = #tpu.core_type<sc_vector_subcore>, window_params = [{transform_indices = #map}, {transform_indices = #map}, {transform_indices = #map}]} {
    %mul3A = arith.constant 1 : i32
    %mul3A_0 = arith.muli %arg1, %mul3A : i32
    %add3A = arith.constant 0 : i32
    %add3A_1 = arith.addi %add3A, %mul3A_0 : i32
    %mul3A_2 = arith.constant 16 : i32
    %mul3A_3 = arith.muli %arg0, %mul3A_2 : i32
    %add3A_4 = arith.addi %add3A_1, %mul3A_3 : i32
    %mul3A_5 = arith.constant 64 : i32
    %mul3A_6 = arith.muli %add3A_4, %mul3A_5 : i32
    "tpu.region"() ({
      %run_scoped3A = memref.alloca() : memref<2x1x256xi32, #tpu.memory_space<vmem>>
      %run_scoped3A_7 = tpu.sem_alloc : memref<2x!tpu.dma_semaphore, #tpu.memory_space<semaphore_mem>>
      %run_scoped3A_8 = memref.alloca() : memref<2x256x128xf32, #tpu.memory_space<vmem>>
      %run_scoped3A_9 = tpu.sem_alloc : memref<2x!tpu.dma_semaphore, #tpu.memory_space<semaphore_mem>>
      %add3A_10 = arith.constant 0 : i32
      %add3A_11 = arith.addi %add3A_10, %mul3A_6 : i32
      %select_n3A = arith.constant true
      %select_n3A_12 = arith.constant 0 : i32
      %select_n3A_13 = arith.constant -1 : i32
      %select_n3A_14 = arith.select %select_n3A, %select_n3A_13, %select_n3A_12 : i32
      %eq3A = arith.constant -1 : i32
      %eq3A_15 = arith.cmpi eq, %select_n3A_14, %eq3A : i32
      %select_n3A_16 = arith.constant 63 : i32
      %select_n3A_17 = arith.select %eq3A_15, %select_n3A_16, %select_n3A_14 : i32
      %add3A_18 = arith.addi %select_n3A_17, %mul3A_6 : i32
      %select_n3A_19 = arith.constant true
      %select_n3A_20 = arith.constant 0 : i32
      %select_n3A_21 = arith.constant 1 : i32
      %select_n3A_22 = arith.select %select_n3A_19, %select_n3A_21, %select_n3A_20 : i32
      %eq3A_23 = arith.constant 64 : i32
      %eq3A_24 = arith.cmpi eq, %select_n3A_22, %eq3A_23 : i32
      %select_n3A_25 = arith.constant 0 : i32
      %select_n3A_26 = arith.select %eq3A_24, %select_n3A_25, %select_n3A_22 : i32
      %add3A_27 = arith.addi %select_n3A_26, %mul3A_6 : i32
      %add3A_28 = arith.constant 1 : i32
      %add3A_29 = arith.addi %select_n3A_26, %add3A_28 : i32
      %select_n3A_30 = arith.constant true
      %select_n3A_31 = arith.select %select_n3A_30, %add3A_29, %select_n3A_26 : i32
      %eq3A_32 = arith.constant 64 : i32
      %eq3A_33 = arith.cmpi eq, %select_n3A_31, %eq3A_32 : i32
      %select_n3A_34 = arith.constant 0 : i32
      %select_n3A_35 = arith.select %eq3A_33, %select_n3A_34, %select_n3A_31 : i32
      %add3A_36 = arith.addi %select_n3A_35, %mul3A_6 : i32
      "tpu.trace_start"() <{level = 10 : i32, message = "ep_initialize_0"}> : () -> ()
      %rem3A = arith.constant 0 : i32
      %rem3A_37 = arith.constant 2 : i32
      %rem3A_38 = arith.remui %rem3A, %rem3A_37 : i32
      %mul3A_39 = arith.constant 256 : i32
      %mul3A_40 = arith.muli %mul3A_39, %add3A_11 : i32
      %dma_start3A = arith.constant 0 : i32
      %dma_start3A_41 = arith.constant 0 : i32
      %dma_start3A_42 = tpu.memref_slice %run_scoped3A[%rem3A_38, %dma_start3A, %dma_start3A_41] : memref<2x1x256xi32, #tpu.memory_space<vmem>> -> memref<1x1x256xi32, #tpu.memory_space<vmem>>
      %dma_start3A_43 = tpu.memref_squeeze %dma_start3A_42 : memref<1x1x256xi32, #tpu.memory_space<vmem>> -> memref<1x256xi32, #tpu.memory_space<vmem>>
      %dma_start3A_44 = arith.constant 0 : i32
      %dma_start3A_45 = tpu.memref_slice %arg3[%dma_start3A_44, %mul3A_40] : memref<1x524288xi32, #tpu.memory_space<hbm>> -> memref<1x256xi32, #tpu.memory_space<hbm>>
      %dma_start3A_46 = tpu.memref_slice %run_scoped3A_7[%rem3A_38] : memref<2x!tpu.dma_semaphore, #tpu.memory_space<semaphore_mem>> -> memref<1x!tpu.dma_semaphore, #tpu.memory_space<semaphore_mem>>
      %dma_start3A_47 = tpu.memref_squeeze %dma_start3A_46 : memref<1x!tpu.dma_semaphore, #tpu.memory_space<semaphore_mem>> -> memref<!tpu.dma_semaphore, #tpu.memory_space<semaphore_mem>>
      %dma_start3A_48 = arith.constant 0 : i32
      %dma_start3A_49 = arith.constant 0 : i32
      %dma_start3A_50 = tpu.memref_slice %run_scoped3A[%rem3A_38, %dma_start3A_48, %dma_start3A_49] : memref<2x1x256xi32, #tpu.memory_space<vmem>> -> memref<1x1x256xi32, #tpu.memory_space<vmem>>
      %dma_start3A_51 = tpu.memref_squeeze %dma_start3A_50 : memref<1x1x256xi32, #tpu.memory_space<vmem>> -> memref<1x256xi32, #tpu.memory_space<vmem>>
      %dma_start3A_52 = arith.constant 0 : i32
      %dma_start3A_53 = tpu.memref_slice %arg3[%dma_start3A_52, %mul3A_40] : memref<1x524288xi32, #tpu.memory_space<hbm>> -> memref<1x256xi32, #tpu.memory_space<hbm>>
      tpu.enqueue_dma source(%dma_start3A_53 : memref<1x256xi32, #tpu.memory_space<hbm>>) target(%dma_start3A_51 : memref<1x256xi32, #tpu.memory_space<vmem>>) target_semaphore(%dma_start3A_47 : memref<!tpu.dma_semaphore, #tpu.memory_space<semaphore_mem>>)
      %add3A_54 = arith.constant 0 : i32
      %add3A_55 = arith.constant 1 : i32
      %add3A_56 = arith.addi %add3A_54, %add3A_55 : i32
      %select_n3A_57 = arith.constant true
      %select_n3A_58 = arith.constant 0 : i32
      %select_n3A_59 = arith.select %select_n3A_57, %add3A_56, %select_n3A_58 : i32
      "tpu.trace_stop"() : () -> ()
      %scan3A = arith.constant 0 : i32
      %scan3A_60 = arith.constant 0 : i32
      %scan3A_61 = arith.constant 0 : i32
      %scan3A_62 = arith.constant 0 : i32
      %scan3A_63 = arith.constant 0 : i32
      %scan3A_64 = arith.constant 64 : i32
      %scan3A_65 = arith.addi %scan3A_63, %scan3A_64 : i32
      %scan3A_66 = arith.constant 1 : i32
      %scan3A_67:5 = scf.for %scan3A_121 = %scan3A_63 to %scan3A_65 step %scan3A_66 iter_args(%scan3A_122 = %select_n3A_59, %scan3A_123 = %scan3A, %scan3A_124 = %scan3A_60, %scan3A_125 = %scan3A_61, %scan3A_126 = %scan3A_62) -> (i32, i32, i32, i32, i32)  : i32 {
        %eq3A_127 = arith.constant 0 : i32
        %eq3A_128 = arith.cmpi eq, %scan3A_121, %eq3A_127 : i32
        %eq3A_129 = arith.constant 63 : i32
        %eq3A_130 = arith.cmpi eq, %scan3A_121, %eq3A_129 : i32
        %add3A_131 = arith.addi %scan3A_126, %mul3A_6 : i32
        %sub3A_132 = arith.constant 1 : i32
        %sub3A_133 = arith.subi %scan3A_126, %sub3A_132 : i32
        %select_n3A_134 = arith.constant true
        %select_n3A_135 = arith.select %select_n3A_134, %sub3A_133, %scan3A_126 : i32
        %eq3A_136 = arith.constant -1 : i32
        %eq3A_137 = arith.cmpi eq, %select_n3A_135, %eq3A_136 : i32
        %select_n3A_138 = arith.constant 63 : i32
        %select_n3A_139 = arith.select %eq3A_137, %select_n3A_138, %select_n3A_135 : i32
        %add3A_140 = arith.addi %select_n3A_139, %mul3A_6 : i32
        %add3A_141 = arith.constant 1 : i32
        %add3A_142 = arith.addi %scan3A_126, %add3A_141 : i32
        %select_n3A_143 = arith.constant true
        %select_n3A_144 = arith.select %select_n3A_143, %add3A_142, %scan3A_126 : i32
        %eq3A_145 = arith.constant 64 : i32
        %eq3A_146 = arith.cmpi eq, %select_n3A_144, %eq3A_145 : i32
        %select_n3A_147 = arith.constant 0 : i32
        %select_n3A_148 = arith.select %eq3A_146, %select_n3A_147, %select_n3A_144 : i32
        %add3A_149 = arith.addi %select_n3A_148, %mul3A_6 : i32
        %add3A_150 = arith.constant 1 : i32
        %add3A_151 = arith.addi %select_n3A_148, %add3A_150 : i32
        %select_n3A_152 = arith.constant true
        %select_n3A_153 = arith.select %select_n3A_152, %add3A_151, %select_n3A_148 : i32
        %eq3A_154 = arith.constant 64 : i32
        %eq3A_155 = arith.cmpi eq, %select_n3A_153, %eq3A_154 : i32
        %select_n3A_156 = arith.constant 0 : i32
        %select_n3A_157 = arith.select %eq3A_155, %select_n3A_156, %select_n3A_153 : i32
        %add3A_158 = arith.addi %select_n3A_157, %mul3A_6 : i32
        %ne3A = arith.cmpi ne, %add3A_131, %add3A_149 : i32
        %or3A = arith.constant false
        %or3A_159 = arith.ori %or3A, %ne3A : i1
        %ge3A = arith.constant 63 : i32
        %ge3A_160 = arith.cmpi sge, %scan3A_121, %ge3A : i32
        %not3A = arith.constant true
        %not3A_161 = arith.xori %ge3A_160, %not3A : i1
        %and3A = arith.andi %or3A_159, %not3A_161 : i1
        %convert_element_type3A = arith.extui %and3A : i1 to i32
        %cond3A = arith.constant 0 : i32
        %cond3A_162 = arith.cmpi ne, %convert_element_type3A, %cond3A : i32
        scf.if %cond3A_162 {
          "tpu.trace_start"() <{level = 10 : i32, message = "ep_copy_in"}> : () -> ()
          %rem3A_264 = arith.constant 2 : i32
          %rem3A_265 = arith.remui %scan3A_122, %rem3A_264 : i32
          %mul3A_266 = arith.constant 256 : i32
          %mul3A_267 = arith.muli %mul3A_266, %add3A_149 : i32
          %dma_start3A_268 = arith.constant 0 : i32
          %dma_start3A_269 = arith.constant 0 : i32
          %dma_start3A_270 = tpu.memref_slice %run_scoped3A[%rem3A_265, %dma_start3A_268, %dma_start3A_269] : memref<2x1x256xi32, #tpu.memory_space<vmem>> -> memref<1x1x256xi32, #tpu.memory_space<vmem>>
          %dma_start3A_271 = tpu.memref_squeeze %dma_start3A_270 : memref<1x1x256xi32, #tpu.memory_space<vmem>> -> memref<1x256xi32, #tpu.memory_space<vmem>>
          %dma_start3A_272 = arith.constant 0 : i32
          %dma_start3A_273 = tpu.memref_slice %arg3[%dma_start3A_272, %mul3A_267] : memref<1x524288xi32, #tpu.memory_space<hbm>> -> memref<1x256xi32, #tpu.memory_space<hbm>>
          %dma_start3A_274 = tpu.memref_slice %run_scoped3A_7[%rem3A_265] : memref<2x!tpu.dma_semaphore, #tpu.memory_space<semaphore_mem>> -> memref<1x!tpu.dma_semaphore, #tpu.memory_space<semaphore_mem>>
          %dma_start3A_275 = tpu.memref_squeeze %dma_start3A_274 : memref<1x!tpu.dma_semaphore, #tpu.memory_space<semaphore_mem>> -> memref<!tpu.dma_semaphore, #tpu.memory_space<semaphore_mem>>
          %dma_start3A_276 = arith.constant 0 : i32
          %dma_start3A_277 = arith.constant 0 : i32
          %dma_start3A_278 = tpu.memref_slice %run_scoped3A[%rem3A_265, %dma_start3A_276, %dma_start3A_277] : memref<2x1x256xi32, #tpu.memory_space<vmem>> -> memref<1x1x256xi32, #tpu.memory_space<vmem>>
          %dma_start3A_279 = tpu.memref_squeeze %dma_start3A_278 : memref<1x1x256xi32, #tpu.memory_space<vmem>> -> memref<1x256xi32, #tpu.memory_space<vmem>>
          %dma_start3A_280 = arith.constant 0 : i32
          %dma_start3A_281 = tpu.memref_slice %arg3[%dma_start3A_280, %mul3A_267] : memref<1x524288xi32, #tpu.memory_space<hbm>> -> memref<1x256xi32, #tpu.memory_space<hbm>>
          tpu.enqueue_dma source(%dma_start3A_281 : memref<1x256xi32, #tpu.memory_space<hbm>>) target(%dma_start3A_279 : memref<1x256xi32, #tpu.memory_space<vmem>>) target_semaphore(%dma_start3A_275 : memref<!tpu.dma_semaphore, #tpu.memory_space<semaphore_mem>>)
          "tpu.trace_stop"() : () -> ()
        } else {
        }
        %and3A_163 = arith.constant true
        %and3A_164 = arith.andi %and3A, %and3A_163 : i1
        %add3A_165 = arith.constant 1 : i32
        %add3A_166 = arith.addi %scan3A_122, %add3A_165 : i32
        %select_n3A_167 = arith.select %and3A_164, %add3A_166, %scan3A_122 : i32
        %ne3A_168 = arith.cmpi ne, %add3A_131, %add3A_149 : i32
        %or3A_169 = arith.constant false
        %or3A_170 = arith.ori %or3A_169, %ne3A_168 : i1
        %or3A_171 = arith.constant false
        %or3A_172 = arith.ori %or3A_170, %or3A_171 : i1
        %ge3A_173 = arith.constant 63 : i32
        %ge3A_174 = arith.cmpi sge, %scan3A_121, %ge3A_173 : i32
        %not3A_175 = arith.constant true
        %not3A_176 = arith.xori %ge3A_174, %not3A_175 : i1
        %and3A_177 = arith.andi %or3A_172, %not3A_176 : i1
        %ne3A_178 = arith.cmpi ne, %add3A_131, %add3A_140 : i32
        %or3A_179 = arith.constant false
        %or3A_180 = arith.ori %or3A_179, %ne3A_178 : i1
        %or3A_181 = arith.ori %or3A_180, %eq3A_128 : i1
        %convert_element_type3A_182 = arith.extui %or3A_181 : i1 to i32
        %cond3A_183 = arith.constant 0 : i32
        %cond3A_184 = arith.cmpi ne, %convert_element_type3A_182, %cond3A_183 : i32
        scf.if %cond3A_184 {
          "tpu.trace_start"() <{level = 10 : i32, message = "ep_wait_in"}> : () -> ()
          %mul3A_264 = arith.constant 256 : i32
          %mul3A_265 = arith.muli %mul3A_264, %add3A_131 : i32
          %rem3A_266 = arith.constant 2 : i32
          %rem3A_267 = arith.remui %scan3A_123, %rem3A_266 : i32
          %dma_wait3A_268 = arith.constant 0 : i32
          %dma_wait3A_269 = arith.constant 0 : i32
          %dma_wait3A_270 = tpu.memref_slice %run_scoped3A[%rem3A_267, %dma_wait3A_268, %dma_wait3A_269] : memref<2x1x256xi32, #tpu.memory_space<vmem>> -> memref<1x1x256xi32, #tpu.memory_space<vmem>>
          %dma_wait3A_271 = tpu.memref_squeeze %dma_wait3A_270 : memref<1x1x256xi32, #tpu.memory_space<vmem>> -> memref<1x256xi32, #tpu.memory_space<vmem>>
          %dma_wait3A_272 = arith.constant 0 : i32
          %dma_wait3A_273 = tpu.memref_slice %arg3[%dma_wait3A_272, %mul3A_265] : memref<1x524288xi32, #tpu.memory_space<hbm>> -> memref<1x256xi32, #tpu.memory_space<hbm>>
          %dma_wait3A_274 = tpu.memref_slice %run_scoped3A_7[%rem3A_267] : memref<2x!tpu.dma_semaphore, #tpu.memory_space<semaphore_mem>> -> memref<1x!tpu.dma_semaphore, #tpu.memory_space<semaphore_mem>>
          %dma_wait3A_275 = tpu.memref_squeeze %dma_wait3A_274 : memref<1x!tpu.dma_semaphore, #tpu.memory_space<semaphore_mem>> -> memref<!tpu.dma_semaphore, #tpu.memory_space<semaphore_mem>>
          %dma_wait3A_276 = arith.constant 0 : i32
          %dma_wait3A_277 = arith.constant 0 : i32
          %dma_wait3A_278 = tpu.memref_slice %run_scoped3A[%rem3A_267, %dma_wait3A_276, %dma_wait3A_277] : memref<2x1x256xi32, #tpu.memory_space<vmem>> -> memref<1x1x256xi32, #tpu.memory_space<vmem>>
          %dma_wait3A_279 = tpu.memref_squeeze %dma_wait3A_278 : memref<1x1x256xi32, #tpu.memory_space<vmem>> -> memref<1x256xi32, #tpu.memory_space<vmem>>
          %dma_wait3A_280 = arith.constant 0 : i32
          %dma_wait3A_281 = tpu.memref_slice %arg3[%dma_wait3A_280, %mul3A_265] : memref<1x524288xi32, #tpu.memory_space<hbm>> -> memref<1x256xi32, #tpu.memory_space<hbm>>
          tpu.wait_dma2 semaphore(%dma_wait3A_275 : memref<!tpu.dma_semaphore, #tpu.memory_space<semaphore_mem>>) src(%dma_wait3A_281 : memref<1x256xi32, #tpu.memory_space<hbm>>) dst(%dma_wait3A_279 : memref<1x256xi32, #tpu.memory_space<vmem>>)
          "tpu.trace_stop"() : () -> ()
        } else {
        }
        %ne3A_185 = arith.cmpi ne, %add3A_131, %add3A_140 : i32
        %or3A_186 = arith.constant false
        %or3A_187 = arith.ori %or3A_186, %ne3A_185 : i1
        %or3A_188 = arith.constant false
        %or3A_189 = arith.ori %or3A_187, %or3A_188 : i1
        %or3A_190 = arith.ori %or3A_189, %eq3A_128 : i1
        %convert_element_type3A_191 = arith.extui %or3A_190 : i1 to i32
        %cond3A_192 = arith.constant 0 : i32
        %cond3A_193 = arith.cmpi ne, %convert_element_type3A_191, %cond3A_192 : i32
        scf.if %cond3A_193 {
        } else {
        }
        %rem3A_194 = arith.constant 2 : i32
        %rem3A_195 = arith.remui %scan3A_123, %rem3A_194 : i32
        %rem3A_196 = arith.constant 2 : i32
        %rem3A_197 = arith.remui %scan3A_124, %rem3A_196 : i32
        %run_scoped3A_198 = arith.constant 0 : i32
        "tpu.trace_start"() <{level = 10 : i32, message = "ep_run_kernel"}> : () -> ()
        "tpu.region"() ({
          %run_scoped3A_264 = tpu.sem_alloc : memref<!tpu.dma_semaphore, #tpu.memory_space<semaphore_mem>>
          %dma_start3A_265 = arith.constant 0 : i32
          %dma_start3A_266 = arith.constant 0 : i32
          %dma_start3A_267 = tpu.memref_slice %run_scoped3A_8[%rem3A_197, %dma_start3A_265, %dma_start3A_266] : memref<2x256x128xf32, #tpu.memory_space<vmem>> -> memref<1x256x128xf32, #tpu.memory_space<vmem>>
          %dma_start3A_268 = tpu.memref_squeeze %dma_start3A_267 : memref<1x256x128xf32, #tpu.memory_space<vmem>> -> memref<256x128xf32, #tpu.memory_space<vmem>>
          %dma_start3A_269 = arith.constant 0 : i32
          %dma_start3A_270 = arith.constant 0 : i32
          %dma_start3A_271 = tpu.memref_slice %run_scoped3A[%rem3A_195, %dma_start3A_269, %dma_start3A_270] : memref<2x1x256xi32, #tpu.memory_space<vmem>> -> memref<1x1x256xi32, #tpu.memory_space<vmem>>
          %dma_start3A_272 = tpu.memref_squeeze %dma_start3A_271 : memref<1x1x256xi32, #tpu.memory_space<vmem>> -> memref<1x256xi32, #tpu.memory_space<vmem>>
          %dma_start3A_273 = arith.constant 0 : i32
          %dma_start3A_274 = tpu.memref_slice %dma_start3A_272[%run_scoped3A_198, %dma_start3A_273] : memref<1x256xi32, #tpu.memory_space<vmem>> -> memref<1x256xi32, #tpu.memory_space<vmem>>
          %dma_start3A_275 = tpu.memref_squeeze %dma_start3A_274 : memref<1x256xi32, #tpu.memory_space<vmem>> -> memref<256xi32, #tpu.memory_space<vmem>>
          %dma_start3A_276 = arith.constant 0 : i32
          %dma_start3A_277 = arith.constant 0 : i32
          %dma_start3A_278 = tpu.memref_slice %arg2[%dma_start3A_276, %dma_start3A_277] : memref<16384x128xf32, #tpu.memory_space<hbm>> -> memref<16384x128xf32, #tpu.memory_space<hbm>>
          tpu.enqueue_indirect_dma source(%dma_start3A_278 : memref<16384x128xf32, #tpu.memory_space<hbm>>) target(%dma_start3A_268 : memref<256x128xf32, #tpu.memory_space<vmem>>) offsets(%dma_start3A_275 : memref<256xi32, #tpu.memory_space<vmem>>) semaphore(%run_scoped3A_264 : memref<!tpu.dma_semaphore, #tpu.memory_space<semaphore_mem>>)
          %dma_wait3A_279 = arith.constant 0 : i32
          %dma_wait3A_280 = arith.constant 0 : i32
          %dma_wait3A_281 = tpu.memref_slice %run_scoped3A_8[%rem3A_197, %dma_wait3A_279, %dma_wait3A_280] : memref<2x256x128xf32, #tpu.memory_space<vmem>> -> memref<1x256x128xf32, #tpu.memory_space<vmem>>
          %dma_wait3A_282 = tpu.memref_squeeze %dma_wait3A_281 : memref<1x256x128xf32, #tpu.memory_space<vmem>> -> memref<256x128xf32, #tpu.memory_space<vmem>>
          %dma_wait3A_283 = arith.constant 0 : i32
          %dma_wait3A_284 = arith.constant 0 : i32
          %dma_wait3A_285 = tpu.memref_slice %run_scoped3A[%rem3A_195, %dma_wait3A_283, %dma_wait3A_284] : memref<2x1x256xi32, #tpu.memory_space<vmem>> -> memref<1x1x256xi32, #tpu.memory_space<vmem>>
          %dma_wait3A_286 = tpu.memref_squeeze %dma_wait3A_285 : memref<1x1x256xi32, #tpu.memory_space<vmem>> -> memref<1x256xi32, #tpu.memory_space<vmem>>
          %dma_wait3A_287 = arith.constant 0 : i32
          %dma_wait3A_288 = tpu.memref_slice %dma_wait3A_286[%run_scoped3A_198, %dma_wait3A_287] : memref<1x256xi32, #tpu.memory_space<vmem>> -> memref<1x256xi32, #tpu.memory_space<vmem>>
          %dma_wait3A_289 = tpu.memref_squeeze %dma_wait3A_288 : memref<1x256xi32, #tpu.memory_space<vmem>> -> memref<256xi32, #tpu.memory_space<vmem>>
          %dma_wait3A_290 = arith.constant 0 : i32
          %dma_wait3A_291 = arith.constant 0 : i32
          %dma_wait3A_292 = tpu.memref_slice %arg2[%dma_wait3A_290, %dma_wait3A_291] : memref<16384x128xf32, #tpu.memory_space<hbm>> -> memref<16384x128xf32, #tpu.memory_space<hbm>>
          tpu.wait_indirect_dma semaphore(%run_scoped3A_264 : memref<!tpu.dma_semaphore, #tpu.memory_space<semaphore_mem>>) src(%dma_wait3A_292 : memref<16384x128xf32, #tpu.memory_space<hbm>>) dst(%dma_wait3A_282 : memref<256x128xf32, #tpu.memory_space<vmem>>)
          tpu.yield
        }) : () -> ()
        "tpu.trace_stop"() : () -> ()
        %ne3A_199 = arith.cmpi ne, %add3A_131, %add3A_149 : i32
        %or3A_200 = arith.constant false
        %or3A_201 = arith.ori %or3A_200, %ne3A_199 : i1
        %or3A_202 = arith.ori %or3A_201, %eq3A_130 : i1
        %convert_element_type3A_203 = arith.extui %or3A_202 : i1 to i32
        %cond3A_204 = arith.constant 0 : i32
        %cond3A_205 = arith.cmpi ne, %convert_element_type3A_203, %cond3A_204 : i32
        scf.if %cond3A_205 {
        } else {
        }
        %and3A_206 = arith.constant false
        %and3A_207 = arith.andi %or3A_202, %and3A_206 : i1
        %ne3A_208 = arith.cmpi ne, %add3A_131, %add3A_149 : i32
        %or3A_209 = arith.constant false
        %or3A_210 = arith.ori %or3A_209, %ne3A_208 : i1
        %or3A_211 = arith.constant false
        %or3A_212 = arith.ori %or3A_210, %or3A_211 : i1
        %or3A_213 = arith.ori %or3A_212, %eq3A_130 : i1
        %convert_element_type3A_214 = arith.extui %or3A_213 : i1 to i32
        %cond3A_215 = arith.constant 0 : i32
        %cond3A_216 = arith.cmpi ne, %convert_element_type3A_214, %cond3A_215 : i32
        scf.if %cond3A_216 {
          "tpu.trace_start"() <{level = 10 : i32, message = "ep_copy_out"}> : () -> ()
          %rem3A_264 = arith.constant 2 : i32
          %rem3A_265 = arith.remui %scan3A_124, %rem3A_264 : i32
          %mul3A_266 = arith.constant 256 : i32
          %mul3A_267 = arith.muli %mul3A_266, %add3A_131 : i32
          %dma_start3A_268 = arith.constant 0 : i32
          %dma_start3A_269 = arith.constant 0 : i32
          %dma_start3A_270 = tpu.memref_slice %run_scoped3A_8[%rem3A_265, %dma_start3A_268, %dma_start3A_269] : memref<2x256x128xf32, #tpu.memory_space<vmem>> -> memref<1x256x128xf32, #tpu.memory_space<vmem>>
          %dma_start3A_271 = tpu.memref_squeeze %dma_start3A_270 : memref<1x256x128xf32, #tpu.memory_space<vmem>> -> memref<256x128xf32, #tpu.memory_space<vmem>>
          %dma_start3A_272 = arith.constant 0 : i32
          %dma_start3A_273 = tpu.memref_slice %arg4[%mul3A_267, %dma_start3A_272] : memref<524288x128xf32, #tpu.memory_space<hbm>> -> memref<256x128xf32, #tpu.memory_space<hbm>>
          %dma_start3A_274 = tpu.memref_slice %run_scoped3A_9[%rem3A_265] : memref<2x!tpu.dma_semaphore, #tpu.memory_space<semaphore_mem>> -> memref<1x!tpu.dma_semaphore, #tpu.memory_space<semaphore_mem>>
          %dma_start3A_275 = tpu.memref_squeeze %dma_start3A_274 : memref<1x!tpu.dma_semaphore, #tpu.memory_space<semaphore_mem>> -> memref<!tpu.dma_semaphore, #tpu.memory_space<semaphore_mem>>
          %dma_start3A_276 = arith.constant 0 : i32
          %dma_start3A_277 = tpu.memref_slice %arg4[%mul3A_267, %dma_start3A_276] : memref<524288x128xf32, #tpu.memory_space<hbm>> -> memref<256x128xf32, #tpu.memory_space<hbm>>
          %dma_start3A_278 = arith.constant 0 : i32
          %dma_start3A_279 = arith.constant 0 : i32
          %dma_start3A_280 = tpu.memref_slice %run_scoped3A_8[%rem3A_265, %dma_start3A_278, %dma_start3A_279] : memref<2x256x128xf32, #tpu.memory_space<vmem>> -> memref<1x256x128xf32, #tpu.memory_space<vmem>>
          %dma_start3A_281 = tpu.memref_squeeze %dma_start3A_280 : memref<1x256x128xf32, #tpu.memory_space<vmem>> -> memref<256x128xf32, #tpu.memory_space<vmem>>
          tpu.enqueue_dma source(%dma_start3A_281 : memref<256x128xf32, #tpu.memory_space<vmem>>) target(%dma_start3A_277 : memref<256x128xf32, #tpu.memory_space<hbm>>) target_semaphore(%dma_start3A_275 : memref<!tpu.dma_semaphore, #tpu.memory_space<semaphore_mem>>)
          "tpu.trace_stop"() : () -> ()
        } else {
        }
        %and3A_217 = arith.constant true
        %and3A_218 = arith.andi %or3A_213, %and3A_217 : i1
        %add3A_219 = arith.constant 1 : i32
        %add3A_220 = arith.addi %scan3A_124, %add3A_219 : i32
        %select_n3A_221 = arith.select %and3A_218, %add3A_220, %scan3A_124 : i32
        %ne3A_222 = arith.cmpi ne, %add3A_131, %add3A_140 : i32
        %or3A_223 = arith.constant false
        %or3A_224 = arith.ori %or3A_223, %ne3A_222 : i1
        %not3A_225 = arith.constant true
        %not3A_226 = arith.xori %eq3A_128, %not3A_225 : i1
        %and3A_227 = arith.andi %or3A_224, %not3A_226 : i1
        %convert_element_type3A_228 = arith.extui %and3A_227 : i1 to i32
        %cond3A_229 = arith.constant 0 : i32
        %cond3A_230 = arith.cmpi ne, %convert_element_type3A_228, %cond3A_229 : i32
        scf.if %cond3A_230 {
        } else {
        }
        %and3A_231 = arith.constant false
        %and3A_232 = arith.andi %and3A_227, %and3A_231 : i1
        %ne3A_233 = arith.cmpi ne, %add3A_131, %add3A_140 : i32
        %or3A_234 = arith.constant false
        %or3A_235 = arith.ori %or3A_234, %ne3A_233 : i1
        %or3A_236 = arith.constant false
        %or3A_237 = arith.ori %or3A_235, %or3A_236 : i1
        %not3A_238 = arith.constant true
        %not3A_239 = arith.xori %eq3A_128, %not3A_238 : i1
        %and3A_240 = arith.andi %or3A_237, %not3A_239 : i1
        %convert_element_type3A_241 = arith.extui %and3A_240 : i1 to i32
        %cond3A_242 = arith.constant 0 : i32
        %cond3A_243 = arith.cmpi ne, %convert_element_type3A_241, %cond3A_242 : i32
        scf.if %cond3A_243 {
          "tpu.trace_start"() <{level = 10 : i32, message = "ep_wait_out"}> : () -> ()
          %rem3A_264 = arith.constant 2 : i32
          %rem3A_265 = arith.remui %scan3A_125, %rem3A_264 : i32
          %mul3A_266 = arith.constant 256 : i32
          %mul3A_267 = arith.muli %mul3A_266, %add3A_140 : i32
          %dma_wait3A_268 = arith.constant 0 : i32
          %dma_wait3A_269 = arith.constant 0 : i32
          %dma_wait3A_270 = tpu.memref_slice %run_scoped3A_8[%rem3A_265, %dma_wait3A_268, %dma_wait3A_269] : memref<2x256x128xf32, #tpu.memory_space<vmem>> -> memref<1x256x128xf32, #tpu.memory_space<vmem>>
          %dma_wait3A_271 = tpu.memref_squeeze %dma_wait3A_270 : memref<1x256x128xf32, #tpu.memory_space<vmem>> -> memref<256x128xf32, #tpu.memory_space<vmem>>
          %dma_wait3A_272 = arith.constant 0 : i32
          %dma_wait3A_273 = tpu.memref_slice %arg4[%mul3A_267, %dma_wait3A_272] : memref<524288x128xf32, #tpu.memory_space<hbm>> -> memref<256x128xf32, #tpu.memory_space<hbm>>
          %dma_wait3A_274 = tpu.memref_slice %run_scoped3A_9[%rem3A_265] : memref<2x!tpu.dma_semaphore, #tpu.memory_space<semaphore_mem>> -> memref<1x!tpu.dma_semaphore, #tpu.memory_space<semaphore_mem>>
          %dma_wait3A_275 = tpu.memref_squeeze %dma_wait3A_274 : memref<1x!tpu.dma_semaphore, #tpu.memory_space<semaphore_mem>> -> memref<!tpu.dma_semaphore, #tpu.memory_space<semaphore_mem>>
          %dma_wait3A_276 = arith.constant 0 : i32
          %dma_wait3A_277 = tpu.memref_slice %arg4[%mul3A_267, %dma_wait3A_276] : memref<524288x128xf32, #tpu.memory_space<hbm>> -> memref<256x128xf32, #tpu.memory_space<hbm>>
          %dma_wait3A_278 = arith.constant 0 : i32
          %dma_wait3A_279 = arith.constant 0 : i32
          %dma_wait3A_280 = tpu.memref_slice %run_scoped3A_8[%rem3A_265, %dma_wait3A_278, %dma_wait3A_279] : memref<2x256x128xf32, #tpu.memory_space<vmem>> -> memref<1x256x128xf32, #tpu.memory_space<vmem>>
          %dma_wait3A_281 = tpu.memref_squeeze %dma_wait3A_280 : memref<1x256x128xf32, #tpu.memory_space<vmem>> -> memref<256x128xf32, #tpu.memory_space<vmem>>
          tpu.wait_dma2 semaphore(%dma_wait3A_275 : memref<!tpu.dma_semaphore, #tpu.memory_space<semaphore_mem>>) src(%dma_wait3A_281 : memref<256x128xf32, #tpu.memory_space<vmem>>) dst(%dma_wait3A_277 : memref<256x128xf32, #tpu.memory_space<hbm>>)
          "tpu.trace_stop"() : () -> ()
        } else {
        }
        %and3A_244 = arith.constant true
        %and3A_245 = arith.andi %and3A_240, %and3A_244 : i1
        %add3A_246 = arith.constant 1 : i32
        %add3A_247 = arith.addi %scan3A_125, %add3A_246 : i32
        %select_n3A_248 = arith.select %and3A_245, %add3A_247, %scan3A_125 : i32
        %ne3A_249 = arith.cmpi ne, %add3A_131, %add3A_149 : i32
        %or3A_250 = arith.constant false
        %or3A_251 = arith.ori %or3A_250, %ne3A_249 : i1
        %or3A_252 = arith.ori %or3A_251, %eq3A_130 : i1
        %add3A_253 = arith.constant 1 : i32
        %add3A_254 = arith.addi %scan3A_123, %add3A_253 : i32
        %select_n3A_255 = arith.select %or3A_252, %add3A_254, %scan3A_123 : i32
        %add3A_256 = arith.constant 1 : i32
        %add3A_257 = arith.addi %scan3A_126, %add3A_256 : i32
        %select_n3A_258 = arith.constant true
        %select_n3A_259 = arith.select %select_n3A_258, %add3A_257, %scan3A_126 : i32
        %eq3A_260 = arith.constant 64 : i32
        %eq3A_261 = arith.cmpi eq, %select_n3A_259, %eq3A_260 : i32
        %select_n3A_262 = arith.constant 0 : i32
        %select_n3A_263 = arith.select %eq3A_261, %select_n3A_262, %select_n3A_259 : i32
        scf.yield %select_n3A_167, %select_n3A_255, %select_n3A_221, %select_n3A_248, %select_n3A_263 : i32, i32, i32, i32, i32
      }
      %scan3A_68 = arith.constant 64 : i32
      %sub3A = arith.constant 1 : i32
      %sub3A_69 = arith.subi %scan3A_67#4, %sub3A : i32
      %select_n3A_70 = arith.constant true
      %select_n3A_71 = arith.select %select_n3A_70, %sub3A_69, %scan3A_67#4 : i32
      %eq3A_72 = arith.constant -1 : i32
      %eq3A_73 = arith.cmpi eq, %select_n3A_71, %eq3A_72 : i32
      %select_n3A_74 = arith.constant 63 : i32
      %select_n3A_75 = arith.select %eq3A_73, %select_n3A_74, %select_n3A_71 : i32
      %add3A_76 = arith.addi %select_n3A_75, %mul3A_6 : i32
      %sub3A_77 = arith.constant 1 : i32
      %sub3A_78 = arith.subi %select_n3A_75, %sub3A_77 : i32
      %select_n3A_79 = arith.constant true
      %select_n3A_80 = arith.select %select_n3A_79, %sub3A_78, %select_n3A_75 : i32
      %eq3A_81 = arith.constant -1 : i32
      %eq3A_82 = arith.cmpi eq, %select_n3A_80, %eq3A_81 : i32
      %select_n3A_83 = arith.constant 63 : i32
      %select_n3A_84 = arith.select %eq3A_82, %select_n3A_83, %select_n3A_80 : i32
      %add3A_85 = arith.addi %select_n3A_84, %mul3A_6 : i32
      %add3A_86 = arith.constant 1 : i32
      %add3A_87 = arith.addi %select_n3A_75, %add3A_86 : i32
      %select_n3A_88 = arith.constant true
      %select_n3A_89 = arith.select %select_n3A_88, %add3A_87, %select_n3A_75 : i32
      %eq3A_90 = arith.constant 64 : i32
      %eq3A_91 = arith.cmpi eq, %select_n3A_89, %eq3A_90 : i32
      %select_n3A_92 = arith.constant 0 : i32
      %select_n3A_93 = arith.select %eq3A_91, %select_n3A_92, %select_n3A_89 : i32
      %add3A_94 = arith.addi %select_n3A_93, %mul3A_6 : i32
      %add3A_95 = arith.constant 1 : i32
      %add3A_96 = arith.addi %select_n3A_93, %add3A_95 : i32
      %select_n3A_97 = arith.constant true
      %select_n3A_98 = arith.select %select_n3A_97, %add3A_96, %select_n3A_93 : i32
      %eq3A_99 = arith.constant 64 : i32
      %eq3A_100 = arith.cmpi eq, %select_n3A_98, %eq3A_99 : i32
      %select_n3A_101 = arith.constant 0 : i32
      %select_n3A_102 = arith.select %eq3A_100, %select_n3A_101, %select_n3A_98 : i32
      %add3A_103 = arith.addi %select_n3A_102, %mul3A_6 : i32
      "tpu.trace_start"() <{level = 10 : i32, message = "ep_finalize"}> : () -> ()
      %rem3A_104 = arith.constant 2 : i32
      %rem3A_105 = arith.remui %scan3A_67#3, %rem3A_104 : i32
      %mul3A_106 = arith.constant 256 : i32
      %mul3A_107 = arith.muli %mul3A_106, %add3A_76 : i32
      %dma_wait3A = arith.constant 0 : i32
      %dma_wait3A_108 = arith.constant 0 : i32
      %dma_wait3A_109 = tpu.memref_slice %run_scoped3A_8[%rem3A_105, %dma_wait3A, %dma_wait3A_108] : memref<2x256x128xf32, #tpu.memory_space<vmem>> -> memref<1x256x128xf32, #tpu.memory_space<vmem>>
      %dma_wait3A_110 = tpu.memref_squeeze %dma_wait3A_109 : memref<1x256x128xf32, #tpu.memory_space<vmem>> -> memref<256x128xf32, #tpu.memory_space<vmem>>
      %dma_wait3A_111 = arith.constant 0 : i32
      %dma_wait3A_112 = tpu.memref_slice %arg4[%mul3A_107, %dma_wait3A_111] : memref<524288x128xf32, #tpu.memory_space<hbm>> -> memref<256x128xf32, #tpu.memory_space<hbm>>
      %dma_wait3A_113 = tpu.memref_slice %run_scoped3A_9[%rem3A_105] : memref<2x!tpu.dma_semaphore, #tpu.memory_space<semaphore_mem>> -> memref<1x!tpu.dma_semaphore, #tpu.memory_space<semaphore_mem>>
      %dma_wait3A_114 = tpu.memref_squeeze %dma_wait3A_113 : memref<1x!tpu.dma_semaphore, #tpu.memory_space<semaphore_mem>> -> memref<!tpu.dma_semaphore, #tpu.memory_space<semaphore_mem>>
      %dma_wait3A_115 = arith.constant 0 : i32
      %dma_wait3A_116 = tpu.memref_slice %arg4[%mul3A_107, %dma_wait3A_115] : memref<524288x128xf32, #tpu.memory_space<hbm>> -> memref<256x128xf32, #tpu.memory_space<hbm>>
      %dma_wait3A_117 = arith.constant 0 : i32
      %dma_wait3A_118 = arith.constant 0 : i32
      %dma_wait3A_119 = tpu.memref_slice %run_scoped3A_8[%rem3A_105, %dma_wait3A_117, %dma_wait3A_118] : memref<2x256x128xf32, #tpu.memory_space<vmem>> -> memref<1x256x128xf32, #tpu.memory_space<vmem>>
      %dma_wait3A_120 = tpu.memref_squeeze %dma_wait3A_119 : memref<1x256x128xf32, #tpu.memory_space<vmem>> -> memref<256x128xf32, #tpu.memory_space<vmem>>
      tpu.wait_dma2 semaphore(%dma_wait3A_114 : memref<!tpu.dma_semaphore, #tpu.memory_space<semaphore_mem>>) src(%dma_wait3A_120 : memref<256x128xf32, #tpu.memory_space<vmem>>) dst(%dma_wait3A_116 : memref<256x128xf32, #tpu.memory_space<hbm>>)
      "tpu.trace_stop"() : () -> ()
      tpu.yield
    }) : () -> ()
    return
  }
}

module attributes {stable_mosaic.version = 14 : i64} {
  func.func @_knn_chunk_body(%arg0: i32, %arg1: i32, %arg2: memref<1x3x2048xf32, #tpu.memory_space<vmem>>, %arg3: memref<1x256x3xf32, #tpu.memory_space<vmem>>, %arg4: memref<1x256x2048xf32, #tpu.memory_space<vmem>>, %arg5: memref<1x32x256xi32, #tpu.memory_space<vmem>>, %arg6: memref<1x1x256xf32, #tpu.memory_space<vmem>>) attributes {dimension_semantics = [#tpu.dimension_semantics<arbitrary>, #tpu.dimension_semantics<arbitrary>], iteration_bounds = array<i64: 8, 8>, scalar_prefetch = 0 : i64, scratch_operands = 0 : i64, tpu.core_type = #tpu.core_type<tc>, window_params = [{transform_indices = @transform_0, window_bounds = array<i64: 1, 3, 2048>}, {transform_indices = @transform_1, window_bounds = array<i64: 1, 256, 3>}, {transform_indices = @transform_2, window_bounds = array<i64: 1, 256, 2048>}, {transform_indices = @transform_3, window_bounds = array<i64: 1, 32, 256>}, {transform_indices = @transform_4, window_bounds = array<i64: 1, 1, 256>}]} {
    %get3A = arith.constant 0 : index
    %get3A_0 = arith.constant 0 : index
    %get3A_1 = arith.constant 0 : index
    %get3A_2 = vector.load %arg2[%get3A, %get3A_0, %get3A_1] : memref<1x3x2048xf32, #tpu.memory_space<vmem>>, vector<1x3x2048xf32>
    %get3A_3 = vector.shape_cast %get3A_2 : vector<1x3x2048xf32> to vector<3x2048xf32>
    %get3A_4 = arith.constant 0 : index
    %get3A_5 = arith.constant 0 : index
    %get3A_6 = arith.constant 0 : index
    %get3A_7 = vector.load %arg3[%get3A_4, %get3A_5, %get3A_6] : memref<1x256x3xf32, #tpu.memory_space<vmem>>, vector<1x256x3xf32>
    %get3A_8 = vector.shape_cast %get3A_7 : vector<1x256x3xf32> to vector<256x3xf32>
    %mul3A = arith.mulf %get3A_3, %get3A_3 : vector<3x2048xf32>
    %reduce_sum3A = arith.constant dense<0.000000e+00> : vector<2048xf32>
    %reduce_sum3A_9 = vector.multi_reduction <add>, %mul3A, %reduce_sum3A [0] : vector<3x2048xf32> to vector<2048xf32>
    %broadcast_in_dim3A = vector.shape_cast %reduce_sum3A_9 : vector<2048xf32> to vector<1x2048xf32>
    %mul3A_10 = arith.mulf %get3A_8, %get3A_8 : vector<256x3xf32>
    %reduce_sum3A_11 = arith.constant dense<0.000000e+00> : vector<256xf32>
    %reduce_sum3A_12 = vector.multi_reduction <add>, %mul3A_10, %reduce_sum3A_11 [1] : vector<256x3xf32> to vector<256xf32>
    %broadcast_in_dim3A_13 = vector.shape_cast %reduce_sum3A_12 : vector<256xf32> to vector<256x1xf32>
    %dot_general3A = arith.constant dense<0.000000e+00> : vector<256x2048xf32>
    %dot_general3A_14 = tpu.matmul %get3A_8, %get3A_3, %dot_general3A {dimension_numbers = #tpu.dot_dimension_numbers<[1], [0], [0], [1], [0, 0, 1, 1], [], []>, transpose_lhs_hint = false} : vector<256x3xf32>, vector<3x2048xf32>, vector<256x2048xf32> -> vector<256x2048xf32>
    %add3A = vector.broadcast %broadcast_in_dim3A_13 : vector<256x1xf32> to vector<256x2048xf32>
    %add3A_15 = vector.broadcast %broadcast_in_dim3A : vector<1x2048xf32> to vector<256x2048xf32>
    %add3A_16 = arith.addf %add3A, %add3A_15 : vector<256x2048xf32>
    %mul3A_17 = arith.constant 2.000000e+00 : f32
    %mul3A_18 = vector.broadcast %mul3A_17 : f32 to vector<256x2048xf32>
    %mul3A_19 = arith.mulf %mul3A_18, %dot_general3A_14 : vector<256x2048xf32>
    %sub3A = arith.subf %add3A_16, %mul3A_19 : vector<256x2048xf32>
    %swap3A = arith.constant 0 : index
    %swap3A_20 = arith.constant 0 : index
    %swap3A_21 = arith.constant 0 : index
    %swap3A_22 = vector.load %arg4[%swap3A, %swap3A_20, %swap3A_21] : memref<1x256x2048xf32, #tpu.memory_space<vmem>>, vector<1x256x2048xf32>
    %swap3A_23 = vector.shape_cast %swap3A_22 : vector<1x256x2048xf32> to vector<256x2048xf32>
    %swap3A_24 = vector.shape_cast %sub3A : vector<256x2048xf32> to vector<1x256x2048xf32>
    tpu.vector_store %arg4[%swap3A, %swap3A_20, %swap3A_21], %swap3A_24 {strides = array<i32>} : memref<1x256x2048xf32, #tpu.memory_space<vmem>>, vector<1x256x2048xf32>,
    %reshape3A = vector.shape_cast %sub3A : vector<256x2048xf32> to vector<256x128x16xf32>
    %reduce_min3A = arith.constant dense<0x7F800000> : vector<256x128xf32>
    %reduce_min3A_25 = vector.multi_reduction <minimumf>, %reshape3A, %reduce_min3A [2] : vector<256x128x16xf32> to vector<256x128xf32>
    %transpose3A = tpu.transpose %reduce_min3A_25, [1, 0] : vector<256x128xf32> -> vector<128x256xf32>
    %iota3A = tpu.iota {dimensions = array<i32: 0>} : vector<128x256xi32>
    %reduce_min3A_26 = arith.constant dense<0x7F800000> : vector<256xf32>
    %reduce_min3A_27 = vector.multi_reduction <minimumf>, %transpose3A, %reduce_min3A_26 [0] : vector<128x256xf32> to vector<256xf32>
    %broadcast_in_dim3A_28 = vector.shape_cast %reduce_min3A_27 : vector<256xf32> to vector<1x256xf32>
    %eq3A = vector.broadcast %broadcast_in_dim3A_28 : vector<1x256xf32> to vector<128x256xf32>
    %eq3A_29 = arith.cmpf oeq, %transpose3A, %eq3A : vector<128x256xf32>
    %jit3A = arith.constant 128 : i32
    %broadcast_in_dim3A_30 = vector.broadcast %jit3A : i32 to vector<128x256xi32>
    %select_n3A = arith.select %eq3A_29, %iota3A, %broadcast_in_dim3A_30 : vector<128x256xi1>, vector<128x256xi32>
    %reduce_min3A_31 = arith.constant dense<2147483647> : vector<256xi32>
    %reduce_min3A_32 = vector.multi_reduction <minsi>, %select_n3A, %reduce_min3A_31 [0] : vector<128x256xi32> to vector<256xi32>
    %broadcast_in_dim3A_33 = vector.shape_cast %reduce_min3A_32 : vector<256xi32> to vector<1x256xi32>
    %squeeze3A = vector.shape_cast %broadcast_in_dim3A_33 : vector<1x256xi32> to vector<256xi32>
    %swap3A_34 = arith.constant 0 : index
    %swap3A_35 = arith.constant 0 : index
    %swap3A_36 = arith.constant 0 : index
    %swap3A_37 = vector.load %arg5[%swap3A_34, %swap3A_35, %swap3A_36] : memref<1x32x256xi32, #tpu.memory_space<vmem>>, vector<1x1x256xi32>
    %swap3A_38 = vector.shape_cast %swap3A_37 : vector<1x1x256xi32> to vector<256xi32>
    %swap3A_39 = vector.shape_cast %squeeze3A : vector<256xi32> to vector<1x1x256xi32>
    tpu.vector_store %arg5[%swap3A_34, %swap3A_35, %swap3A_36], %swap3A_39 {strides = array<i32>} : memref<1x32x256xi32, #tpu.memory_space<vmem>>, vector<1x1x256xi32>,
    %eq3A_40 = vector.broadcast %broadcast_in_dim3A_33 : vector<1x256xi32> to vector<128x256xi32>
    %eq3A_41 = arith.cmpi eq, %iota3A, %eq3A_40 : vector<128x256xi32>
    %jit3A_42 = arith.constant 0x7F800000 : f32
    %broadcast_in_dim3A_43 = vector.broadcast %jit3A_42 : f32 to vector<128x256xf32>
    %select_n3A_44 = arith.select %eq3A_41, %broadcast_in_dim3A_43, %transpose3A : vector<128x256xi1>, vector<128x256xf32>
    %reduce_min3A_45 = arith.constant dense<0x7F800000> : vector<256xf32>
    %reduce_min3A_46 = vector.multi_reduction <minimumf>, %select_n3A_44, %reduce_min3A_45 [0] : vector<128x256xf32> to vector<256xf32>
    %broadcast_in_dim3A_47 = vector.shape_cast %reduce_min3A_46 : vector<256xf32> to vector<1x256xf32>
    %eq3A_48 = vector.broadcast %broadcast_in_dim3A_47 : vector<1x256xf32> to vector<128x256xf32>
    %eq3A_49 = arith.cmpf oeq, %select_n3A_44, %eq3A_48 : vector<128x256xf32>
    %jit3A_50 = arith.constant 128 : i32
    %broadcast_in_dim3A_51 = vector.broadcast %jit3A_50 : i32 to vector<128x256xi32>
    %select_n3A_52 = arith.select %eq3A_49, %iota3A, %broadcast_in_dim3A_51 : vector<128x256xi1>, vector<128x256xi32>
    %reduce_min3A_53 = arith.constant dense<2147483647> : vector<256xi32>
    %reduce_min3A_54 = vector.multi_reduction <minsi>, %select_n3A_52, %reduce_min3A_53 [0] : vector<128x256xi32> to vector<256xi32>
    %broadcast_in_dim3A_55 = vector.shape_cast %reduce_min3A_54 : vector<256xi32> to vector<1x256xi32>
    %squeeze3A_56 = vector.shape_cast %broadcast_in_dim3A_55 : vector<1x256xi32> to vector<256xi32>
    %swap3A_57 = arith.constant 0 : index
    %swap3A_58 = arith.constant 1 : index
    %swap3A_59 = arith.constant 0 : index
    %swap3A_60 = vector.load %arg5[%swap3A_57, %swap3A_58, %swap3A_59] : memref<1x32x256xi32, #tpu.memory_space<vmem>>, vector<1x1x256xi32>
    %swap3A_61 = vector.shape_cast %swap3A_60 : vector<1x1x256xi32> to vector<256xi32>
    %swap3A_62 = vector.shape_cast %squeeze3A_56 : vector<256xi32> to vector<1x1x256xi32>
    tpu.vector_store %arg5[%swap3A_57, %swap3A_58, %swap3A_59], %swap3A_62 {strides = array<i32>} : memref<1x32x256xi32, #tpu.memory_space<vmem>>, vector<1x1x256xi32>,
    %eq3A_63 = vector.broadcast %broadcast_in_dim3A_55 : vector<1x256xi32> to vector<128x256xi32>
    %eq3A_64 = arith.cmpi eq, %iota3A, %eq3A_63 : vector<128x256xi32>
    %jit3A_65 = arith.constant 0x7F800000 : f32
    %broadcast_in_dim3A_66 = vector.broadcast %jit3A_65 : f32 to vector<128x256xf32>
    %select_n3A_67 = arith.select %eq3A_64, %broadcast_in_dim3A_66, %select_n3A_44 : vector<128x256xi1>, vector<128x256xf32>
    %reduce_min3A_68 = arith.constant dense<0x7F800000> : vector<256xf32>
    %reduce_min3A_69 = vector.multi_reduction <minimumf>, %select_n3A_67, %reduce_min3A_68 [0] : vector<128x256xf32> to vector<256xf32>
    %broadcast_in_dim3A_70 = vector.shape_cast %reduce_min3A_69 : vector<256xf32> to vector<1x256xf32>
    %eq3A_71 = vector.broadcast %broadcast_in_dim3A_70 : vector<1x256xf32> to vector<128x256xf32>
    %eq3A_72 = arith.cmpf oeq, %select_n3A_67, %eq3A_71 : vector<128x256xf32>
    %jit3A_73 = arith.constant 128 : i32
    %broadcast_in_dim3A_74 = vector.broadcast %jit3A_73 : i32 to vector<128x256xi32>
    %select_n3A_75 = arith.select %eq3A_72, %iota3A, %broadcast_in_dim3A_74 : vector<128x256xi1>, vector<128x256xi32>
    %reduce_min3A_76 = arith.constant dense<2147483647> : vector<256xi32>
    %reduce_min3A_77 = vector.multi_reduction <minsi>, %select_n3A_75, %reduce_min3A_76 [0] : vector<128x256xi32> to vector<256xi32>
    %broadcast_in_dim3A_78 = vector.shape_cast %reduce_min3A_77 : vector<256xi32> to vector<1x256xi32>
    %squeeze3A_79 = vector.shape_cast %broadcast_in_dim3A_78 : vector<1x256xi32> to vector<256xi32>
    %swap3A_80 = arith.constant 0 : index
    %swap3A_81 = arith.constant 2 : index
    %swap3A_82 = arith.constant 0 : index
    %swap3A_83 = vector.load %arg5[%swap3A_80, %swap3A_81, %swap3A_82] : memref<1x32x256xi32, #tpu.memory_space<vmem>>, vector<1x1x256xi32>
    %swap3A_84 = vector.shape_cast %swap3A_83 : vector<1x1x256xi32> to vector<256xi32>
    %swap3A_85 = vector.shape_cast %squeeze3A_79 : vector<256xi32> to vector<1x1x256xi32>
    tpu.vector_store %arg5[%swap3A_80, %swap3A_81, %swap3A_82], %swap3A_85 {strides = array<i32>} : memref<1x32x256xi32, #tpu.memory_space<vmem>>, vector<1x1x256xi32>,
    %eq3A_86 = vector.broadcast %broadcast_in_dim3A_78 : vector<1x256xi32> to vector<128x256xi32>
    %eq3A_87 = arith.cmpi eq, %iota3A, %eq3A_86 : vector<128x256xi32>
    %jit3A_88 = arith.constant 0x7F800000 : f32
    %broadcast_in_dim3A_89 = vector.broadcast %jit3A_88 : f32 to vector<128x256xf32>
    %select_n3A_90 = arith.select %eq3A_87, %broadcast_in_dim3A_89, %select_n3A_67 : vector<128x256xi1>, vector<128x256xf32>
    %reduce_min3A_91 = arith.constant dense<0x7F800000> : vector<256xf32>
    %reduce_min3A_92 = vector.multi_reduction <minimumf>, %select_n3A_90, %reduce_min3A_91 [0] : vector<128x256xf32> to vector<256xf32>
    %broadcast_in_dim3A_93 = vector.shape_cast %reduce_min3A_92 : vector<256xf32> to vector<1x256xf32>
    %eq3A_94 = vector.broadcast %broadcast_in_dim3A_93 : vector<1x256xf32> to vector<128x256xf32>
    %eq3A_95 = arith.cmpf oeq, %select_n3A_90, %eq3A_94 : vector<128x256xf32>
    %jit3A_96 = arith.constant 128 : i32
    %broadcast_in_dim3A_97 = vector.broadcast %jit3A_96 : i32 to vector<128x256xi32>
    %select_n3A_98 = arith.select %eq3A_95, %iota3A, %broadcast_in_dim3A_97 : vector<128x256xi1>, vector<128x256xi32>
    %reduce_min3A_99 = arith.constant dense<2147483647> : vector<256xi32>
    %reduce_min3A_100 = vector.multi_reduction <minsi>, %select_n3A_98, %reduce_min3A_99 [0] : vector<128x256xi32> to vector<256xi32>
    %broadcast_in_dim3A_101 = vector.shape_cast %reduce_min3A_100 : vector<256xi32> to vector<1x256xi32>
    %squeeze3A_102 = vector.shape_cast %broadcast_in_dim3A_101 : vector<1x256xi32> to vector<256xi32>
    %swap3A_103 = arith.constant 0 : index
    %swap3A_104 = arith.constant 3 : index
    %swap3A_105 = arith.constant 0 : index
    %swap3A_106 = vector.load %arg5[%swap3A_103, %swap3A_104, %swap3A_105] : memref<1x32x256xi32, #tpu.memory_space<vmem>>, vector<1x1x256xi32>
    %swap3A_107 = vector.shape_cast %swap3A_106 : vector<1x1x256xi32> to vector<256xi32>
    %swap3A_108 = vector.shape_cast %squeeze3A_102 : vector<256xi32> to vector<1x1x256xi32>
    tpu.vector_store %arg5[%swap3A_103, %swap3A_104, %swap3A_105], %swap3A_108 {strides = array<i32>} : memref<1x32x256xi32, #tpu.memory_space<vmem>>, vector<1x1x256xi32>,
    %eq3A_109 = vector.broadcast %broadcast_in_dim3A_101 : vector<1x256xi32> to vector<128x256xi32>
    %eq3A_110 = arith.cmpi eq, %iota3A, %eq3A_109 : vector<128x256xi32>
    %jit3A_111 = arith.constant 0x7F800000 : f32
    %broadcast_in_dim3A_112 = vector.broadcast %jit3A_111 : f32 to vector<128x256xf32>
    %select_n3A_113 = arith.select %eq3A_110, %broadcast_in_dim3A_112, %select_n3A_90 : vector<128x256xi1>, vector<128x256xf32>
    %reduce_min3A_114 = arith.constant dense<0x7F800000> : vector<256xf32>
    %reduce_min3A_115 = vector.multi_reduction <minimumf>, %select_n3A_113, %reduce_min3A_114 [0] : vector<128x256xf32> to vector<256xf32>
    %broadcast_in_dim3A_116 = vector.shape_cast %reduce_min3A_115 : vector<256xf32> to vector<1x256xf32>
    %eq3A_117 = vector.broadcast %broadcast_in_dim3A_116 : vector<1x256xf32> to vector<128x256xf32>
    %eq3A_118 = arith.cmpf oeq, %select_n3A_113, %eq3A_117 : vector<128x256xf32>
    %jit3A_119 = arith.constant 128 : i32
    %broadcast_in_dim3A_120 = vector.broadcast %jit3A_119 : i32 to vector<128x256xi32>
    %select_n3A_121 = arith.select %eq3A_118, %iota3A, %broadcast_in_dim3A_120 : vector<128x256xi1>, vector<128x256xi32>
    %reduce_min3A_122 = arith.constant dense<2147483647> : vector<256xi32>
    %reduce_min3A_123 = vector.multi_reduction <minsi>, %select_n3A_121, %reduce_min3A_122 [0] : vector<128x256xi32> to vector<256xi32>
    %broadcast_in_dim3A_124 = vector.shape_cast %reduce_min3A_123 : vector<256xi32> to vector<1x256xi32>
    %squeeze3A_125 = vector.shape_cast %broadcast_in_dim3A_124 : vector<1x256xi32> to vector<256xi32>
    %swap3A_126 = arith.constant 0 : index
    %swap3A_127 = arith.constant 4 : index
    %swap3A_128 = arith.constant 0 : index
    %swap3A_129 = vector.load %arg5[%swap3A_126, %swap3A_127, %swap3A_128] : memref<1x32x256xi32, #tpu.memory_space<vmem>>, vector<1x1x256xi32>
    %swap3A_130 = vector.shape_cast %swap3A_129 : vector<1x1x256xi32> to vector<256xi32>
    %swap3A_131 = vector.shape_cast %squeeze3A_125 : vector<256xi32> to vector<1x1x256xi32>
    tpu.vector_store %arg5[%swap3A_126, %swap3A_127, %swap3A_128], %swap3A_131 {strides = array<i32>} : memref<1x32x256xi32, #tpu.memory_space<vmem>>, vector<1x1x256xi32>,
    %eq3A_132 = vector.broadcast %broadcast_in_dim3A_124 : vector<1x256xi32> to vector<128x256xi32>
    %eq3A_133 = arith.cmpi eq, %iota3A, %eq3A_132 : vector<128x256xi32>
    %jit3A_134 = arith.constant 0x7F800000 : f32
    %broadcast_in_dim3A_135 = vector.broadcast %jit3A_134 : f32 to vector<128x256xf32>
    %select_n3A_136 = arith.select %eq3A_133, %broadcast_in_dim3A_135, %select_n3A_113 : vector<128x256xi1>, vector<128x256xf32>
    %reduce_min3A_137 = arith.constant dense<0x7F800000> : vector<256xf32>
    %reduce_min3A_138 = vector.multi_reduction <minimumf>, %select_n3A_136, %reduce_min3A_137 [0] : vector<128x256xf32> to vector<256xf32>
    %broadcast_in_dim3A_139 = vector.shape_cast %reduce_min3A_138 : vector<256xf32> to vector<1x256xf32>
    %eq3A_140 = vector.broadcast %broadcast_in_dim3A_139 : vector<1x256xf32> to vector<128x256xf32>
    %eq3A_141 = arith.cmpf oeq, %select_n3A_136, %eq3A_140 : vector<128x256xf32>
    %jit3A_142 = arith.constant 128 : i32
    %broadcast_in_dim3A_143 = vector.broadcast %jit3A_142 : i32 to vector<128x256xi32>
    %select_n3A_144 = arith.select %eq3A_141, %iota3A, %broadcast_in_dim3A_143 : vector<128x256xi1>, vector<128x256xi32>
    %reduce_min3A_145 = arith.constant dense<2147483647> : vector<256xi32>
    %reduce_min3A_146 = vector.multi_reduction <minsi>, %select_n3A_144, %reduce_min3A_145 [0] : vector<128x256xi32> to vector<256xi32>
    %broadcast_in_dim3A_147 = vector.shape_cast %reduce_min3A_146 : vector<256xi32> to vector<1x256xi32>
    %squeeze3A_148 = vector.shape_cast %broadcast_in_dim3A_147 : vector<1x256xi32> to vector<256xi32>
    %swap3A_149 = arith.constant 0 : index
    %swap3A_150 = arith.constant 5 : index
    %swap3A_151 = arith.constant 0 : index
    %swap3A_152 = vector.load %arg5[%swap3A_149, %swap3A_150, %swap3A_151] : memref<1x32x256xi32, #tpu.memory_space<vmem>>, vector<1x1x256xi32>
    %swap3A_153 = vector.shape_cast %swap3A_152 : vector<1x1x256xi32> to vector<256xi32>
    %swap3A_154 = vector.shape_cast %squeeze3A_148 : vector<256xi32> to vector<1x1x256xi32>
    tpu.vector_store %arg5[%swap3A_149, %swap3A_150, %swap3A_151], %swap3A_154 {strides = array<i32>} : memref<1x32x256xi32, #tpu.memory_space<vmem>>, vector<1x1x256xi32>,
    %eq3A_155 = vector.broadcast %broadcast_in_dim3A_147 : vector<1x256xi32> to vector<128x256xi32>
    %eq3A_156 = arith.cmpi eq, %iota3A, %eq3A_155 : vector<128x256xi32>
    %jit3A_157 = arith.constant 0x7F800000 : f32
    %broadcast_in_dim3A_158 = vector.broadcast %jit3A_157 : f32 to vector<128x256xf32>
    %select_n3A_159 = arith.select %eq3A_156, %broadcast_in_dim3A_158, %select_n3A_136 : vector<128x256xi1>, vector<128x256xf32>
    %reduce_min3A_160 = arith.constant dense<0x7F800000> : vector<256xf32>
    %reduce_min3A_161 = vector.multi_reduction <minimumf>, %select_n3A_159, %reduce_min3A_160 [0] : vector<128x256xf32> to vector<256xf32>
    %broadcast_in_dim3A_162 = vector.shape_cast %reduce_min3A_161 : vector<256xf32> to vector<1x256xf32>
    %eq3A_163 = vector.broadcast %broadcast_in_dim3A_162 : vector<1x256xf32> to vector<128x256xf32>
    %eq3A_164 = arith.cmpf oeq, %select_n3A_159, %eq3A_163 : vector<128x256xf32>
    %jit3A_165 = arith.constant 128 : i32
    %broadcast_in_dim3A_166 = vector.broadcast %jit3A_165 : i32 to vector<128x256xi32>
    %select_n3A_167 = arith.select %eq3A_164, %iota3A, %broadcast_in_dim3A_166 : vector<128x256xi1>, vector<128x256xi32>
    %reduce_min3A_168 = arith.constant dense<2147483647> : vector<256xi32>
    %reduce_min3A_169 = vector.multi_reduction <minsi>, %select_n3A_167, %reduce_min3A_168 [0] : vector<128x256xi32> to vector<256xi32>
    %broadcast_in_dim3A_170 = vector.shape_cast %reduce_min3A_169 : vector<256xi32> to vector<1x256xi32>
    %squeeze3A_171 = vector.shape_cast %broadcast_in_dim3A_170 : vector<1x256xi32> to vector<256xi32>
    %swap3A_172 = arith.constant 0 : index
    %swap3A_173 = arith.constant 6 : index
    %swap3A_174 = arith.constant 0 : index
    %swap3A_175 = vector.load %arg5[%swap3A_172, %swap3A_173, %swap3A_174] : memref<1x32x256xi32, #tpu.memory_space<vmem>>, vector<1x1x256xi32>
    %swap3A_176 = vector.shape_cast %swap3A_175 : vector<1x1x256xi32> to vector<256xi32>
    %swap3A_177 = vector.shape_cast %squeeze3A_171 : vector<256xi32> to vector<1x1x256xi32>
    tpu.vector_store %arg5[%swap3A_172, %swap3A_173, %swap3A_174], %swap3A_177 {strides = array<i32>} : memref<1x32x256xi32, #tpu.memory_space<vmem>>, vector<1x1x256xi32>,
    %eq3A_178 = vector.broadcast %broadcast_in_dim3A_170 : vector<1x256xi32> to vector<128x256xi32>
    %eq3A_179 = arith.cmpi eq, %iota3A, %eq3A_178 : vector<128x256xi32>
    %jit3A_180 = arith.constant 0x7F800000 : f32
    %broadcast_in_dim3A_181 = vector.broadcast %jit3A_180 : f32 to vector<128x256xf32>
    %select_n3A_182 = arith.select %eq3A_179, %broadcast_in_dim3A_181, %select_n3A_159 : vector<128x256xi1>, vector<128x256xf32>
    %reduce_min3A_183 = arith.constant dense<0x7F800000> : vector<256xf32>
    %reduce_min3A_184 = vector.multi_reduction <minimumf>, %select_n3A_182, %reduce_min3A_183 [0] : vector<128x256xf32> to vector<256xf32>
    %broadcast_in_dim3A_185 = vector.shape_cast %reduce_min3A_184 : vector<256xf32> to vector<1x256xf32>
    %eq3A_186 = vector.broadcast %broadcast_in_dim3A_185 : vector<1x256xf32> to vector<128x256xf32>
    %eq3A_187 = arith.cmpf oeq, %select_n3A_182, %eq3A_186 : vector<128x256xf32>
    %jit3A_188 = arith.constant 128 : i32
    %broadcast_in_dim3A_189 = vector.broadcast %jit3A_188 : i32 to vector<128x256xi32>
    %select_n3A_190 = arith.select %eq3A_187, %iota3A, %broadcast_in_dim3A_189 : vector<128x256xi1>, vector<128x256xi32>
    %reduce_min3A_191 = arith.constant dense<2147483647> : vector<256xi32>
    %reduce_min3A_192 = vector.multi_reduction <minsi>, %select_n3A_190, %reduce_min3A_191 [0] : vector<128x256xi32> to vector<256xi32>
    %broadcast_in_dim3A_193 = vector.shape_cast %reduce_min3A_192 : vector<256xi32> to vector<1x256xi32>
    %squeeze3A_194 = vector.shape_cast %broadcast_in_dim3A_193 : vector<1x256xi32> to vector<256xi32>
    %swap3A_195 = arith.constant 0 : index
    %swap3A_196 = arith.constant 7 : index
    %swap3A_197 = arith.constant 0 : index
    %swap3A_198 = vector.load %arg5[%swap3A_195, %swap3A_196, %swap3A_197] : memref<1x32x256xi32, #tpu.memory_space<vmem>>, vector<1x1x256xi32>
    %swap3A_199 = vector.shape_cast %swap3A_198 : vector<1x1x256xi32> to vector<256xi32>
    %swap3A_200 = vector.shape_cast %squeeze3A_194 : vector<256xi32> to vector<1x1x256xi32>
    tpu.vector_store %arg5[%swap3A_195, %swap3A_196, %swap3A_197], %swap3A_200 {strides = array<i32>} : memref<1x32x256xi32, #tpu.memory_space<vmem>>, vector<1x1x256xi32>,
    %eq3A_201 = vector.broadcast %broadcast_in_dim3A_193 : vector<1x256xi32> to vector<128x256xi32>
    %eq3A_202 = arith.cmpi eq, %iota3A, %eq3A_201 : vector<128x256xi32>
    %jit3A_203 = arith.constant 0x7F800000 : f32
    %broadcast_in_dim3A_204 = vector.broadcast %jit3A_203 : f32 to vector<128x256xf32>
    %select_n3A_205 = arith.select %eq3A_202, %broadcast_in_dim3A_204, %select_n3A_182 : vector<128x256xi1>, vector<128x256xf32>
    %reduce_min3A_206 = arith.constant dense<0x7F800000> : vector<256xf32>
    %reduce_min3A_207 = vector.multi_reduction <minimumf>, %select_n3A_205, %reduce_min3A_206 [0] : vector<128x256xf32> to vector<256xf32>
    %broadcast_in_dim3A_208 = vector.shape_cast %reduce_min3A_207 : vector<256xf32> to vector<1x256xf32>
    %eq3A_209 = vector.broadcast %broadcast_in_dim3A_208 : vector<1x256xf32> to vector<128x256xf32>
    %eq3A_210 = arith.cmpf oeq, %select_n3A_205, %eq3A_209 : vector<128x256xf32>
    %jit3A_211 = arith.constant 128 : i32
    %broadcast_in_dim3A_212 = vector.broadcast %jit3A_211 : i32 to vector<128x256xi32>
    %select_n3A_213 = arith.select %eq3A_210, %iota3A, %broadcast_in_dim3A_212 : vector<128x256xi1>, vector<128x256xi32>
    %reduce_min3A_214 = arith.constant dense<2147483647> : vector<256xi32>
    %reduce_min3A_215 = vector.multi_reduction <minsi>, %select_n3A_213, %reduce_min3A_214 [0] : vector<128x256xi32> to vector<256xi32>
    %broadcast_in_dim3A_216 = vector.shape_cast %reduce_min3A_215 : vector<256xi32> to vector<1x256xi32>
    %squeeze3A_217 = vector.shape_cast %broadcast_in_dim3A_216 : vector<1x256xi32> to vector<256xi32>
    %swap3A_218 = arith.constant 0 : index
    %swap3A_219 = arith.constant 8 : index
    %swap3A_220 = arith.constant 0 : index
    %swap3A_221 = vector.load %arg5[%swap3A_218, %swap3A_219, %swap3A_220] : memref<1x32x256xi32, #tpu.memory_space<vmem>>, vector<1x1x256xi32>
    %swap3A_222 = vector.shape_cast %swap3A_221 : vector<1x1x256xi32> to vector<256xi32>
    %swap3A_223 = vector.shape_cast %squeeze3A_217 : vector<256xi32> to vector<1x1x256xi32>
    tpu.vector_store %arg5[%swap3A_218, %swap3A_219, %swap3A_220], %swap3A_223 {strides = array<i32>} : memref<1x32x256xi32, #tpu.memory_space<vmem>>, vector<1x1x256xi32>,
    %eq3A_224 = vector.broadcast %broadcast_in_dim3A_216 : vector<1x256xi32> to vector<128x256xi32>
    %eq3A_225 = arith.cmpi eq, %iota3A, %eq3A_224 : vector<128x256xi32>
    %jit3A_226 = arith.constant 0x7F800000 : f32
    %broadcast_in_dim3A_227 = vector.broadcast %jit3A_226 : f32 to vector<128x256xf32>
    %select_n3A_228 = arith.select %eq3A_225, %broadcast_in_dim3A_227, %select_n3A_205 : vector<128x256xi1>, vector<128x256xf32>
    %reduce_min3A_229 = arith.constant dense<0x7F800000> : vector<256xf32>
    %reduce_min3A_230 = vector.multi_reduction <minimumf>, %select_n3A_228, %reduce_min3A_229 [0] : vector<128x256xf32> to vector<256xf32>
    %broadcast_in_dim3A_231 = vector.shape_cast %reduce_min3A_230 : vector<256xf32> to vector<1x256xf32>
    %eq3A_232 = vector.broadcast %broadcast_in_dim3A_231 : vector<1x256xf32> to vector<128x256xf32>
    %eq3A_233 = arith.cmpf oeq, %select_n3A_228, %eq3A_232 : vector<128x256xf32>
    %jit3A_234 = arith.constant 128 : i32
    %broadcast_in_dim3A_235 = vector.broadcast %jit3A_234 : i32 to vector<128x256xi32>
    %select_n3A_236 = arith.select %eq3A_233, %iota3A, %broadcast_in_dim3A_235 : vector<128x256xi1>, vector<128x256xi32>
    %reduce_min3A_237 = arith.constant dense<2147483647> : vector<256xi32>
    %reduce_min3A_238 = vector.multi_reduction <minsi>, %select_n3A_236, %reduce_min3A_237 [0] : vector<128x256xi32> to vector<256xi32>
    %broadcast_in_dim3A_239 = vector.shape_cast %reduce_min3A_238 : vector<256xi32> to vector<1x256xi32>
    %squeeze3A_240 = vector.shape_cast %broadcast_in_dim3A_239 : vector<1x256xi32> to vector<256xi32>
    %swap3A_241 = arith.constant 0 : index
    %swap3A_242 = arith.constant 9 : index
    %swap3A_243 = arith.constant 0 : index
    %swap3A_244 = vector.load %arg5[%swap3A_241, %swap3A_242, %swap3A_243] : memref<1x32x256xi32, #tpu.memory_space<vmem>>, vector<1x1x256xi32>
    %swap3A_245 = vector.shape_cast %swap3A_244 : vector<1x1x256xi32> to vector<256xi32>
    %swap3A_246 = vector.shape_cast %squeeze3A_240 : vector<256xi32> to vector<1x1x256xi32>
    tpu.vector_store %arg5[%swap3A_241, %swap3A_242, %swap3A_243], %swap3A_246 {strides = array<i32>} : memref<1x32x256xi32, #tpu.memory_space<vmem>>, vector<1x1x256xi32>,
    %eq3A_247 = vector.broadcast %broadcast_in_dim3A_239 : vector<1x256xi32> to vector<128x256xi32>
    %eq3A_248 = arith.cmpi eq, %iota3A, %eq3A_247 : vector<128x256xi32>
    %jit3A_249 = arith.constant 0x7F800000 : f32
    %broadcast_in_dim3A_250 = vector.broadcast %jit3A_249 : f32 to vector<128x256xf32>
    %select_n3A_251 = arith.select %eq3A_248, %broadcast_in_dim3A_250, %select_n3A_228 : vector<128x256xi1>, vector<128x256xf32>
    %reduce_min3A_252 = arith.constant dense<0x7F800000> : vector<256xf32>
    %reduce_min3A_253 = vector.multi_reduction <minimumf>, %select_n3A_251, %reduce_min3A_252 [0] : vector<128x256xf32> to vector<256xf32>
    %broadcast_in_dim3A_254 = vector.shape_cast %reduce_min3A_253 : vector<256xf32> to vector<1x256xf32>
    %eq3A_255 = vector.broadcast %broadcast_in_dim3A_254 : vector<1x256xf32> to vector<128x256xf32>
    %eq3A_256 = arith.cmpf oeq, %select_n3A_251, %eq3A_255 : vector<128x256xf32>
    %jit3A_257 = arith.constant 128 : i32
    %broadcast_in_dim3A_258 = vector.broadcast %jit3A_257 : i32 to vector<128x256xi32>
    %select_n3A_259 = arith.select %eq3A_256, %iota3A, %broadcast_in_dim3A_258 : vector<128x256xi1>, vector<128x256xi32>
    %reduce_min3A_260 = arith.constant dense<2147483647> : vector<256xi32>
    %reduce_min3A_261 = vector.multi_reduction <minsi>, %select_n3A_259, %reduce_min3A_260 [0] : vector<128x256xi32> to vector<256xi32>
    %broadcast_in_dim3A_262 = vector.shape_cast %reduce_min3A_261 : vector<256xi32> to vector<1x256xi32>
    %squeeze3A_263 = vector.shape_cast %broadcast_in_dim3A_262 : vector<1x256xi32> to vector<256xi32>
    %swap3A_264 = arith.constant 0 : index
    %swap3A_265 = arith.constant 10 : index
    %swap3A_266 = arith.constant 0 : index
    %swap3A_267 = vector.load %arg5[%swap3A_264, %swap3A_265, %swap3A_266] : memref<1x32x256xi32, #tpu.memory_space<vmem>>, vector<1x1x256xi32>
    %swap3A_268 = vector.shape_cast %swap3A_267 : vector<1x1x256xi32> to vector<256xi32>
    %swap3A_269 = vector.shape_cast %squeeze3A_263 : vector<256xi32> to vector<1x1x256xi32>
    tpu.vector_store %arg5[%swap3A_264, %swap3A_265, %swap3A_266], %swap3A_269 {strides = array<i32>} : memref<1x32x256xi32, #tpu.memory_space<vmem>>, vector<1x1x256xi32>,
    %eq3A_270 = vector.broadcast %broadcast_in_dim3A_262 : vector<1x256xi32> to vector<128x256xi32>
    %eq3A_271 = arith.cmpi eq, %iota3A, %eq3A_270 : vector<128x256xi32>
    %jit3A_272 = arith.constant 0x7F800000 : f32
    %broadcast_in_dim3A_273 = vector.broadcast %jit3A_272 : f32 to vector<128x256xf32>
    %select_n3A_274 = arith.select %eq3A_271, %broadcast_in_dim3A_273, %select_n3A_251 : vector<128x256xi1>, vector<128x256xf32>
    %reduce_min3A_275 = arith.constant dense<0x7F800000> : vector<256xf32>
    %reduce_min3A_276 = vector.multi_reduction <minimumf>, %select_n3A_274, %reduce_min3A_275 [0] : vector<128x256xf32> to vector<256xf32>
    %broadcast_in_dim3A_277 = vector.shape_cast %reduce_min3A_276 : vector<256xf32> to vector<1x256xf32>
    %eq3A_278 = vector.broadcast %broadcast_in_dim3A_277 : vector<1x256xf32> to vector<128x256xf32>
    %eq3A_279 = arith.cmpf oeq, %select_n3A_274, %eq3A_278 : vector<128x256xf32>
    %jit3A_280 = arith.constant 128 : i32
    %broadcast_in_dim3A_281 = vector.broadcast %jit3A_280 : i32 to vector<128x256xi32>
    %select_n3A_282 = arith.select %eq3A_279, %iota3A, %broadcast_in_dim3A_281 : vector<128x256xi1>, vector<128x256xi32>
    %reduce_min3A_283 = arith.constant dense<2147483647> : vector<256xi32>
    %reduce_min3A_284 = vector.multi_reduction <minsi>, %select_n3A_282, %reduce_min3A_283 [0] : vector<128x256xi32> to vector<256xi32>
    %broadcast_in_dim3A_285 = vector.shape_cast %reduce_min3A_284 : vector<256xi32> to vector<1x256xi32>
    %squeeze3A_286 = vector.shape_cast %broadcast_in_dim3A_285 : vector<1x256xi32> to vector<256xi32>
    %swap3A_287 = arith.constant 0 : index
    %swap3A_288 = arith.constant 11 : index
    %swap3A_289 = arith.constant 0 : index
    %swap3A_290 = vector.load %arg5[%swap3A_287, %swap3A_288, %swap3A_289] : memref<1x32x256xi32, #tpu.memory_space<vmem>>, vector<1x1x256xi32>
    %swap3A_291 = vector.shape_cast %swap3A_290 : vector<1x1x256xi32> to vector<256xi32>
    %swap3A_292 = vector.shape_cast %squeeze3A_286 : vector<256xi32> to vector<1x1x256xi32>
    tpu.vector_store %arg5[%swap3A_287, %swap3A_288, %swap3A_289], %swap3A_292 {strides = array<i32>} : memref<1x32x256xi32, #tpu.memory_space<vmem>>, vector<1x1x256xi32>,
    %eq3A_293 = vector.broadcast %broadcast_in_dim3A_285 : vector<1x256xi32> to vector<128x256xi32>
    %eq3A_294 = arith.cmpi eq, %iota3A, %eq3A_293 : vector<128x256xi32>
    %jit3A_295 = arith.constant 0x7F800000 : f32
    %broadcast_in_dim3A_296 = vector.broadcast %jit3A_295 : f32 to vector<128x256xf32>
    %select_n3A_297 = arith.select %eq3A_294, %broadcast_in_dim3A_296, %select_n3A_274 : vector<128x256xi1>, vector<128x256xf32>
    %reduce_min3A_298 = arith.constant dense<0x7F800000> : vector<256xf32>
    %reduce_min3A_299 = vector.multi_reduction <minimumf>, %select_n3A_297, %reduce_min3A_298 [0] : vector<128x256xf32> to vector<256xf32>
    %broadcast_in_dim3A_300 = vector.shape_cast %reduce_min3A_299 : vector<256xf32> to vector<1x256xf32>
    %eq3A_301 = vector.broadcast %broadcast_in_dim3A_300 : vector<1x256xf32> to vector<128x256xf32>
    %eq3A_302 = arith.cmpf oeq, %select_n3A_297, %eq3A_301 : vector<128x256xf32>
    %jit3A_303 = arith.constant 128 : i32
    %broadcast_in_dim3A_304 = vector.broadcast %jit3A_303 : i32 to vector<128x256xi32>
    %select_n3A_305 = arith.select %eq3A_302, %iota3A, %broadcast_in_dim3A_304 : vector<128x256xi1>, vector<128x256xi32>
    %reduce_min3A_306 = arith.constant dense<2147483647> : vector<256xi32>
    %reduce_min3A_307 = vector.multi_reduction <minsi>, %select_n3A_305, %reduce_min3A_306 [0] : vector<128x256xi32> to vector<256xi32>
    %broadcast_in_dim3A_308 = vector.shape_cast %reduce_min3A_307 : vector<256xi32> to vector<1x256xi32>
    %squeeze3A_309 = vector.shape_cast %broadcast_in_dim3A_308 : vector<1x256xi32> to vector<256xi32>
    %swap3A_310 = arith.constant 0 : index
    %swap3A_311 = arith.constant 12 : index
    %swap3A_312 = arith.constant 0 : index
    %swap3A_313 = vector.load %arg5[%swap3A_310, %swap3A_311, %swap3A_312] : memref<1x32x256xi32, #tpu.memory_space<vmem>>, vector<1x1x256xi32>
    %swap3A_314 = vector.shape_cast %swap3A_313 : vector<1x1x256xi32> to vector<256xi32>
    %swap3A_315 = vector.shape_cast %squeeze3A_309 : vector<256xi32> to vector<1x1x256xi32>
    tpu.vector_store %arg5[%swap3A_310, %swap3A_311, %swap3A_312], %swap3A_315 {strides = array<i32>} : memref<1x32x256xi32, #tpu.memory_space<vmem>>, vector<1x1x256xi32>,
    %eq3A_316 = vector.broadcast %broadcast_in_dim3A_308 : vector<1x256xi32> to vector<128x256xi32>
    %eq3A_317 = arith.cmpi eq, %iota3A, %eq3A_316 : vector<128x256xi32>
    %jit3A_318 = arith.constant 0x7F800000 : f32
    %broadcast_in_dim3A_319 = vector.broadcast %jit3A_318 : f32 to vector<128x256xf32>
    %select_n3A_320 = arith.select %eq3A_317, %broadcast_in_dim3A_319, %select_n3A_297 : vector<128x256xi1>, vector<128x256xf32>
    %reduce_min3A_321 = arith.constant dense<0x7F800000> : vector<256xf32>
    %reduce_min3A_322 = vector.multi_reduction <minimumf>, %select_n3A_320, %reduce_min3A_321 [0] : vector<128x256xf32> to vector<256xf32>
    %broadcast_in_dim3A_323 = vector.shape_cast %reduce_min3A_322 : vector<256xf32> to vector<1x256xf32>
    %eq3A_324 = vector.broadcast %broadcast_in_dim3A_323 : vector<1x256xf32> to vector<128x256xf32>
    %eq3A_325 = arith.cmpf oeq, %select_n3A_320, %eq3A_324 : vector<128x256xf32>
    %jit3A_326 = arith.constant 128 : i32
    %broadcast_in_dim3A_327 = vector.broadcast %jit3A_326 : i32 to vector<128x256xi32>
    %select_n3A_328 = arith.select %eq3A_325, %iota3A, %broadcast_in_dim3A_327 : vector<128x256xi1>, vector<128x256xi32>
    %reduce_min3A_329 = arith.constant dense<2147483647> : vector<256xi32>
    %reduce_min3A_330 = vector.multi_reduction <minsi>, %select_n3A_328, %reduce_min3A_329 [0] : vector<128x256xi32> to vector<256xi32>
    %broadcast_in_dim3A_331 = vector.shape_cast %reduce_min3A_330 : vector<256xi32> to vector<1x256xi32>
    %squeeze3A_332 = vector.shape_cast %broadcast_in_dim3A_331 : vector<1x256xi32> to vector<256xi32>
    %swap3A_333 = arith.constant 0 : index
    %swap3A_334 = arith.constant 13 : index
    %swap3A_335 = arith.constant 0 : index
    %swap3A_336 = vector.load %arg5[%swap3A_333, %swap3A_334, %swap3A_335] : memref<1x32x256xi32, #tpu.memory_space<vmem>>, vector<1x1x256xi32>
    %swap3A_337 = vector.shape_cast %swap3A_336 : vector<1x1x256xi32> to vector<256xi32>
    %swap3A_338 = vector.shape_cast %squeeze3A_332 : vector<256xi32> to vector<1x1x256xi32>
    tpu.vector_store %arg5[%swap3A_333, %swap3A_334, %swap3A_335], %swap3A_338 {strides = array<i32>} : memref<1x32x256xi32, #tpu.memory_space<vmem>>, vector<1x1x256xi32>,
    %eq3A_339 = vector.broadcast %broadcast_in_dim3A_331 : vector<1x256xi32> to vector<128x256xi32>
    %eq3A_340 = arith.cmpi eq, %iota3A, %eq3A_339 : vector<128x256xi32>
    %jit3A_341 = arith.constant 0x7F800000 : f32
    %broadcast_in_dim3A_342 = vector.broadcast %jit3A_341 : f32 to vector<128x256xf32>
    %select_n3A_343 = arith.select %eq3A_340, %broadcast_in_dim3A_342, %select_n3A_320 : vector<128x256xi1>, vector<128x256xf32>
    %reduce_min3A_344 = arith.constant dense<0x7F800000> : vector<256xf32>
    %reduce_min3A_345 = vector.multi_reduction <minimumf>, %select_n3A_343, %reduce_min3A_344 [0] : vector<128x256xf32> to vector<256xf32>
    %broadcast_in_dim3A_346 = vector.shape_cast %reduce_min3A_345 : vector<256xf32> to vector<1x256xf32>
    %eq3A_347 = vector.broadcast %broadcast_in_dim3A_346 : vector<1x256xf32> to vector<128x256xf32>
    %eq3A_348 = arith.cmpf oeq, %select_n3A_343, %eq3A_347 : vector<128x256xf32>
    %jit3A_349 = arith.constant 128 : i32
    %broadcast_in_dim3A_350 = vector.broadcast %jit3A_349 : i32 to vector<128x256xi32>
    %select_n3A_351 = arith.select %eq3A_348, %iota3A, %broadcast_in_dim3A_350 : vector<128x256xi1>, vector<128x256xi32>
    %reduce_min3A_352 = arith.constant dense<2147483647> : vector<256xi32>
    %reduce_min3A_353 = vector.multi_reduction <minsi>, %select_n3A_351, %reduce_min3A_352 [0] : vector<128x256xi32> to vector<256xi32>
    %broadcast_in_dim3A_354 = vector.shape_cast %reduce_min3A_353 : vector<256xi32> to vector<1x256xi32>
    %squeeze3A_355 = vector.shape_cast %broadcast_in_dim3A_354 : vector<1x256xi32> to vector<256xi32>
    %swap3A_356 = arith.constant 0 : index
    %swap3A_357 = arith.constant 14 : index
    %swap3A_358 = arith.constant 0 : index
    %swap3A_359 = vector.load %arg5[%swap3A_356, %swap3A_357, %swap3A_358] : memref<1x32x256xi32, #tpu.memory_space<vmem>>, vector<1x1x256xi32>
    %swap3A_360 = vector.shape_cast %swap3A_359 : vector<1x1x256xi32> to vector<256xi32>
    %swap3A_361 = vector.shape_cast %squeeze3A_355 : vector<256xi32> to vector<1x1x256xi32>
    tpu.vector_store %arg5[%swap3A_356, %swap3A_357, %swap3A_358], %swap3A_361 {strides = array<i32>} : memref<1x32x256xi32, #tpu.memory_space<vmem>>, vector<1x1x256xi32>,
    %eq3A_362 = vector.broadcast %broadcast_in_dim3A_354 : vector<1x256xi32> to vector<128x256xi32>
    %eq3A_363 = arith.cmpi eq, %iota3A, %eq3A_362 : vector<128x256xi32>
    %jit3A_364 = arith.constant 0x7F800000 : f32
    %broadcast_in_dim3A_365 = vector.broadcast %jit3A_364 : f32 to vector<128x256xf32>
    %select_n3A_366 = arith.select %eq3A_363, %broadcast_in_dim3A_365, %select_n3A_343 : vector<128x256xi1>, vector<128x256xf32>
    %reduce_min3A_367 = arith.constant dense<0x7F800000> : vector<256xf32>
    %reduce_min3A_368 = vector.multi_reduction <minimumf>, %select_n3A_366, %reduce_min3A_367 [0] : vector<128x256xf32> to vector<256xf32>
    %broadcast_in_dim3A_369 = vector.shape_cast %reduce_min3A_368 : vector<256xf32> to vector<1x256xf32>
    %eq3A_370 = vector.broadcast %broadcast_in_dim3A_369 : vector<1x256xf32> to vector<128x256xf32>
    %eq3A_371 = arith.cmpf oeq, %select_n3A_366, %eq3A_370 : vector<128x256xf32>
    %jit3A_372 = arith.constant 128 : i32
    %broadcast_in_dim3A_373 = vector.broadcast %jit3A_372 : i32 to vector<128x256xi32>
    %select_n3A_374 = arith.select %eq3A_371, %iota3A, %broadcast_in_dim3A_373 : vector<128x256xi1>, vector<128x256xi32>
    %reduce_min3A_375 = arith.constant dense<2147483647> : vector<256xi32>
    %reduce_min3A_376 = vector.multi_reduction <minsi>, %select_n3A_374, %reduce_min3A_375 [0] : vector<128x256xi32> to vector<256xi32>
    %broadcast_in_dim3A_377 = vector.shape_cast %reduce_min3A_376 : vector<256xi32> to vector<1x256xi32>
    %squeeze3A_378 = vector.shape_cast %broadcast_in_dim3A_377 : vector<1x256xi32> to vector<256xi32>
    %swap3A_379 = arith.constant 0 : index
    %swap3A_380 = arith.constant 15 : index
    %swap3A_381 = arith.constant 0 : index
    %swap3A_382 = vector.load %arg5[%swap3A_379, %swap3A_380, %swap3A_381] : memref<1x32x256xi32, #tpu.memory_space<vmem>>, vector<1x1x256xi32>
    %swap3A_383 = vector.shape_cast %swap3A_382 : vector<1x1x256xi32> to vector<256xi32>
    %swap3A_384 = vector.shape_cast %squeeze3A_378 : vector<256xi32> to vector<1x1x256xi32>
    tpu.vector_store %arg5[%swap3A_379, %swap3A_380, %swap3A_381], %swap3A_384 {strides = array<i32>} : memref<1x32x256xi32, #tpu.memory_space<vmem>>, vector<1x1x256xi32>,
    %eq3A_385 = vector.broadcast %broadcast_in_dim3A_377 : vector<1x256xi32> to vector<128x256xi32>
    %eq3A_386 = arith.cmpi eq, %iota3A, %eq3A_385 : vector<128x256xi32>
    %jit3A_387 = arith.constant 0x7F800000 : f32
    %broadcast_in_dim3A_388 = vector.broadcast %jit3A_387 : f32 to vector<128x256xf32>
    %select_n3A_389 = arith.select %eq3A_386, %broadcast_in_dim3A_388, %select_n3A_366 : vector<128x256xi1>, vector<128x256xf32>
    %reduce_min3A_390 = arith.constant dense<0x7F800000> : vector<256xf32>
    %reduce_min3A_391 = vector.multi_reduction <minimumf>, %select_n3A_389, %reduce_min3A_390 [0] : vector<128x256xf32> to vector<256xf32>
    %broadcast_in_dim3A_392 = vector.shape_cast %reduce_min3A_391 : vector<256xf32> to vector<1x256xf32>
    %eq3A_393 = vector.broadcast %broadcast_in_dim3A_392 : vector<1x256xf32> to vector<128x256xf32>
    %eq3A_394 = arith.cmpf oeq, %select_n3A_389, %eq3A_393 : vector<128x256xf32>
    %jit3A_395 = arith.constant 128 : i32
    %broadcast_in_dim3A_396 = vector.broadcast %jit3A_395 : i32 to vector<128x256xi32>
    %select_n3A_397 = arith.select %eq3A_394, %iota3A, %broadcast_in_dim3A_396 : vector<128x256xi1>, vector<128x256xi32>
    %reduce_min3A_398 = arith.constant dense<2147483647> : vector<256xi32>
    %reduce_min3A_399 = vector.multi_reduction <minsi>, %select_n3A_397, %reduce_min3A_398 [0] : vector<128x256xi32> to vector<256xi32>
    %broadcast_in_dim3A_400 = vector.shape_cast %reduce_min3A_399 : vector<256xi32> to vector<1x256xi32>
    %squeeze3A_401 = vector.shape_cast %broadcast_in_dim3A_400 : vector<1x256xi32> to vector<256xi32>
    %swap3A_402 = arith.constant 0 : index
    %swap3A_403 = arith.constant 16 : index
    %swap3A_404 = arith.constant 0 : index
    %swap3A_405 = vector.load %arg5[%swap3A_402, %swap3A_403, %swap3A_404] : memref<1x32x256xi32, #tpu.memory_space<vmem>>, vector<1x1x256xi32>
    %swap3A_406 = vector.shape_cast %swap3A_405 : vector<1x1x256xi32> to vector<256xi32>
    %swap3A_407 = vector.shape_cast %squeeze3A_401 : vector<256xi32> to vector<1x1x256xi32>
    tpu.vector_store %arg5[%swap3A_402, %swap3A_403, %swap3A_404], %swap3A_407 {strides = array<i32>} : memref<1x32x256xi32, #tpu.memory_space<vmem>>, vector<1x1x256xi32>,
    %eq3A_408 = vector.broadcast %broadcast_in_dim3A_400 : vector<1x256xi32> to vector<128x256xi32>
    %eq3A_409 = arith.cmpi eq, %iota3A, %eq3A_408 : vector<128x256xi32>
    %jit3A_410 = arith.constant 0x7F800000 : f32
    %broadcast_in_dim3A_411 = vector.broadcast %jit3A_410 : f32 to vector<128x256xf32>
    %select_n3A_412 = arith.select %eq3A_409, %broadcast_in_dim3A_411, %select_n3A_389 : vector<128x256xi1>, vector<128x256xf32>
    %reduce_min3A_413 = arith.constant dense<0x7F800000> : vector<256xf32>
    %reduce_min3A_414 = vector.multi_reduction <minimumf>, %select_n3A_412, %reduce_min3A_413 [0] : vector<128x256xf32> to vector<256xf32>
    %broadcast_in_dim3A_415 = vector.shape_cast %reduce_min3A_414 : vector<256xf32> to vector<1x256xf32>
    %eq3A_416 = vector.broadcast %broadcast_in_dim3A_415 : vector<1x256xf32> to vector<128x256xf32>
    %eq3A_417 = arith.cmpf oeq, %select_n3A_412, %eq3A_416 : vector<128x256xf32>
    %jit3A_418 = arith.constant 128 : i32
    %broadcast_in_dim3A_419 = vector.broadcast %jit3A_418 : i32 to vector<128x256xi32>
    %select_n3A_420 = arith.select %eq3A_417, %iota3A, %broadcast_in_dim3A_419 : vector<128x256xi1>, vector<128x256xi32>
    %reduce_min3A_421 = arith.constant dense<2147483647> : vector<256xi32>
    %reduce_min3A_422 = vector.multi_reduction <minsi>, %select_n3A_420, %reduce_min3A_421 [0] : vector<128x256xi32> to vector<256xi32>
    %broadcast_in_dim3A_423 = vector.shape_cast %reduce_min3A_422 : vector<256xi32> to vector<1x256xi32>
    %squeeze3A_424 = vector.shape_cast %broadcast_in_dim3A_423 : vector<1x256xi32> to vector<256xi32>
    %swap3A_425 = arith.constant 0 : index
    %swap3A_426 = arith.constant 17 : index
    %swap3A_427 = arith.constant 0 : index
    %swap3A_428 = vector.load %arg5[%swap3A_425, %swap3A_426, %swap3A_427] : memref<1x32x256xi32, #tpu.memory_space<vmem>>, vector<1x1x256xi32>
    %swap3A_429 = vector.shape_cast %swap3A_428 : vector<1x1x256xi32> to vector<256xi32>
    %swap3A_430 = vector.shape_cast %squeeze3A_424 : vector<256xi32> to vector<1x1x256xi32>
    tpu.vector_store %arg5[%swap3A_425, %swap3A_426, %swap3A_427], %swap3A_430 {strides = array<i32>} : memref<1x32x256xi32, #tpu.memory_space<vmem>>, vector<1x1x256xi32>,
    %eq3A_431 = vector.broadcast %broadcast_in_dim3A_423 : vector<1x256xi32> to vector<128x256xi32>
    %eq3A_432 = arith.cmpi eq, %iota3A, %eq3A_431 : vector<128x256xi32>
    %jit3A_433 = arith.constant 0x7F800000 : f32
    %broadcast_in_dim3A_434 = vector.broadcast %jit3A_433 : f32 to vector<128x256xf32>
    %select_n3A_435 = arith.select %eq3A_432, %broadcast_in_dim3A_434, %select_n3A_412 : vector<128x256xi1>, vector<128x256xf32>
    %reduce_min3A_436 = arith.constant dense<0x7F800000> : vector<256xf32>
    %reduce_min3A_437 = vector.multi_reduction <minimumf>, %select_n3A_435, %reduce_min3A_436 [0] : vector<128x256xf32> to vector<256xf32>
    %broadcast_in_dim3A_438 = vector.shape_cast %reduce_min3A_437 : vector<256xf32> to vector<1x256xf32>
    %eq3A_439 = vector.broadcast %broadcast_in_dim3A_438 : vector<1x256xf32> to vector<128x256xf32>
    %eq3A_440 = arith.cmpf oeq, %select_n3A_435, %eq3A_439 : vector<128x256xf32>
    %jit3A_441 = arith.constant 128 : i32
    %broadcast_in_dim3A_442 = vector.broadcast %jit3A_441 : i32 to vector<128x256xi32>
    %select_n3A_443 = arith.select %eq3A_440, %iota3A, %broadcast_in_dim3A_442 : vector<128x256xi1>, vector<128x256xi32>
    %reduce_min3A_444 = arith.constant dense<2147483647> : vector<256xi32>
    %reduce_min3A_445 = vector.multi_reduction <minsi>, %select_n3A_443, %reduce_min3A_444 [0] : vector<128x256xi32> to vector<256xi32>
    %broadcast_in_dim3A_446 = vector.shape_cast %reduce_min3A_445 : vector<256xi32> to vector<1x256xi32>
    %squeeze3A_447 = vector.shape_cast %broadcast_in_dim3A_446 : vector<1x256xi32> to vector<256xi32>
    %swap3A_448 = arith.constant 0 : index
    %swap3A_449 = arith.constant 18 : index
    %swap3A_450 = arith.constant 0 : index
    %swap3A_451 = vector.load %arg5[%swap3A_448, %swap3A_449, %swap3A_450] : memref<1x32x256xi32, #tpu.memory_space<vmem>>, vector<1x1x256xi32>
    %swap3A_452 = vector.shape_cast %swap3A_451 : vector<1x1x256xi32> to vector<256xi32>
    %swap3A_453 = vector.shape_cast %squeeze3A_447 : vector<256xi32> to vector<1x1x256xi32>
    tpu.vector_store %arg5[%swap3A_448, %swap3A_449, %swap3A_450], %swap3A_453 {strides = array<i32>} : memref<1x32x256xi32, #tpu.memory_space<vmem>>, vector<1x1x256xi32>,
    %eq3A_454 = vector.broadcast %broadcast_in_dim3A_446 : vector<1x256xi32> to vector<128x256xi32>
    %eq3A_455 = arith.cmpi eq, %iota3A, %eq3A_454 : vector<128x256xi32>
    %jit3A_456 = arith.constant 0x7F800000 : f32
    %broadcast_in_dim3A_457 = vector.broadcast %jit3A_456 : f32 to vector<128x256xf32>
    %select_n3A_458 = arith.select %eq3A_455, %broadcast_in_dim3A_457, %select_n3A_435 : vector<128x256xi1>, vector<128x256xf32>
    %reduce_min3A_459 = arith.constant dense<0x7F800000> : vector<256xf32>
    %reduce_min3A_460 = vector.multi_reduction <minimumf>, %select_n3A_458, %reduce_min3A_459 [0] : vector<128x256xf32> to vector<256xf32>
    %broadcast_in_dim3A_461 = vector.shape_cast %reduce_min3A_460 : vector<256xf32> to vector<1x256xf32>
    %eq3A_462 = vector.broadcast %broadcast_in_dim3A_461 : vector<1x256xf32> to vector<128x256xf32>
    %eq3A_463 = arith.cmpf oeq, %select_n3A_458, %eq3A_462 : vector<128x256xf32>
    %jit3A_464 = arith.constant 128 : i32
    %broadcast_in_dim3A_465 = vector.broadcast %jit3A_464 : i32 to vector<128x256xi32>
    %select_n3A_466 = arith.select %eq3A_463, %iota3A, %broadcast_in_dim3A_465 : vector<128x256xi1>, vector<128x256xi32>
    %reduce_min3A_467 = arith.constant dense<2147483647> : vector<256xi32>
    %reduce_min3A_468 = vector.multi_reduction <minsi>, %select_n3A_466, %reduce_min3A_467 [0] : vector<128x256xi32> to vector<256xi32>
    %broadcast_in_dim3A_469 = vector.shape_cast %reduce_min3A_468 : vector<256xi32> to vector<1x256xi32>
    %squeeze3A_470 = vector.shape_cast %broadcast_in_dim3A_469 : vector<1x256xi32> to vector<256xi32>
    %swap3A_471 = arith.constant 0 : index
    %swap3A_472 = arith.constant 19 : index
    %swap3A_473 = arith.constant 0 : index
    %swap3A_474 = vector.load %arg5[%swap3A_471, %swap3A_472, %swap3A_473] : memref<1x32x256xi32, #tpu.memory_space<vmem>>, vector<1x1x256xi32>
    %swap3A_475 = vector.shape_cast %swap3A_474 : vector<1x1x256xi32> to vector<256xi32>
    %swap3A_476 = vector.shape_cast %squeeze3A_470 : vector<256xi32> to vector<1x1x256xi32>
    tpu.vector_store %arg5[%swap3A_471, %swap3A_472, %swap3A_473], %swap3A_476 {strides = array<i32>} : memref<1x32x256xi32, #tpu.memory_space<vmem>>, vector<1x1x256xi32>,
    %eq3A_477 = vector.broadcast %broadcast_in_dim3A_469 : vector<1x256xi32> to vector<128x256xi32>
    %eq3A_478 = arith.cmpi eq, %iota3A, %eq3A_477 : vector<128x256xi32>
    %jit3A_479 = arith.constant 0x7F800000 : f32
    %broadcast_in_dim3A_480 = vector.broadcast %jit3A_479 : f32 to vector<128x256xf32>
    %select_n3A_481 = arith.select %eq3A_478, %broadcast_in_dim3A_480, %select_n3A_458 : vector<128x256xi1>, vector<128x256xf32>
    %reduce_min3A_482 = arith.constant dense<0x7F800000> : vector<256xf32>
    %reduce_min3A_483 = vector.multi_reduction <minimumf>, %select_n3A_481, %reduce_min3A_482 [0] : vector<128x256xf32> to vector<256xf32>
    %broadcast_in_dim3A_484 = vector.shape_cast %reduce_min3A_483 : vector<256xf32> to vector<1x256xf32>
    %eq3A_485 = vector.broadcast %broadcast_in_dim3A_484 : vector<1x256xf32> to vector<128x256xf32>
    %eq3A_486 = arith.cmpf oeq, %select_n3A_481, %eq3A_485 : vector<128x256xf32>
    %jit3A_487 = arith.constant 128 : i32
    %broadcast_in_dim3A_488 = vector.broadcast %jit3A_487 : i32 to vector<128x256xi32>
    %select_n3A_489 = arith.select %eq3A_486, %iota3A, %broadcast_in_dim3A_488 : vector<128x256xi1>, vector<128x256xi32>
    %reduce_min3A_490 = arith.constant dense<2147483647> : vector<256xi32>
    %reduce_min3A_491 = vector.multi_reduction <minsi>, %select_n3A_489, %reduce_min3A_490 [0] : vector<128x256xi32> to vector<256xi32>
    %broadcast_in_dim3A_492 = vector.shape_cast %reduce_min3A_491 : vector<256xi32> to vector<1x256xi32>
    %squeeze3A_493 = vector.shape_cast %broadcast_in_dim3A_492 : vector<1x256xi32> to vector<256xi32>
    %swap3A_494 = arith.constant 0 : index
    %swap3A_495 = arith.constant 20 : index
    %swap3A_496 = arith.constant 0 : index
    %swap3A_497 = vector.load %arg5[%swap3A_494, %swap3A_495, %swap3A_496] : memref<1x32x256xi32, #tpu.memory_space<vmem>>, vector<1x1x256xi32>
    %swap3A_498 = vector.shape_cast %swap3A_497 : vector<1x1x256xi32> to vector<256xi32>
    %swap3A_499 = vector.shape_cast %squeeze3A_493 : vector<256xi32> to vector<1x1x256xi32>
    tpu.vector_store %arg5[%swap3A_494, %swap3A_495, %swap3A_496], %swap3A_499 {strides = array<i32>} : memref<1x32x256xi32, #tpu.memory_space<vmem>>, vector<1x1x256xi32>,
    %eq3A_500 = vector.broadcast %broadcast_in_dim3A_492 : vector<1x256xi32> to vector<128x256xi32>
    %eq3A_501 = arith.cmpi eq, %iota3A, %eq3A_500 : vector<128x256xi32>
    %jit3A_502 = arith.constant 0x7F800000 : f32
    %broadcast_in_dim3A_503 = vector.broadcast %jit3A_502 : f32 to vector<128x256xf32>
    %select_n3A_504 = arith.select %eq3A_501, %broadcast_in_dim3A_503, %select_n3A_481 : vector<128x256xi1>, vector<128x256xf32>
    %reduce_min3A_505 = arith.constant dense<0x7F800000> : vector<256xf32>
    %reduce_min3A_506 = vector.multi_reduction <minimumf>, %select_n3A_504, %reduce_min3A_505 [0] : vector<128x256xf32> to vector<256xf32>
    %broadcast_in_dim3A_507 = vector.shape_cast %reduce_min3A_506 : vector<256xf32> to vector<1x256xf32>
    %eq3A_508 = vector.broadcast %broadcast_in_dim3A_507 : vector<1x256xf32> to vector<128x256xf32>
    %eq3A_509 = arith.cmpf oeq, %select_n3A_504, %eq3A_508 : vector<128x256xf32>
    %jit3A_510 = arith.constant 128 : i32
    %broadcast_in_dim3A_511 = vector.broadcast %jit3A_510 : i32 to vector<128x256xi32>
    %select_n3A_512 = arith.select %eq3A_509, %iota3A, %broadcast_in_dim3A_511 : vector<128x256xi1>, vector<128x256xi32>
    %reduce_min3A_513 = arith.constant dense<2147483647> : vector<256xi32>
    %reduce_min3A_514 = vector.multi_reduction <minsi>, %select_n3A_512, %reduce_min3A_513 [0] : vector<128x256xi32> to vector<256xi32>
    %broadcast_in_dim3A_515 = vector.shape_cast %reduce_min3A_514 : vector<256xi32> to vector<1x256xi32>
    %squeeze3A_516 = vector.shape_cast %broadcast_in_dim3A_515 : vector<1x256xi32> to vector<256xi32>
    %swap3A_517 = arith.constant 0 : index
    %swap3A_518 = arith.constant 21 : index
    %swap3A_519 = arith.constant 0 : index
    %swap3A_520 = vector.load %arg5[%swap3A_517, %swap3A_518, %swap3A_519] : memref<1x32x256xi32, #tpu.memory_space<vmem>>, vector<1x1x256xi32>
    %swap3A_521 = vector.shape_cast %swap3A_520 : vector<1x1x256xi32> to vector<256xi32>
    %swap3A_522 = vector.shape_cast %squeeze3A_516 : vector<256xi32> to vector<1x1x256xi32>
    tpu.vector_store %arg5[%swap3A_517, %swap3A_518, %swap3A_519], %swap3A_522 {strides = array<i32>} : memref<1x32x256xi32, #tpu.memory_space<vmem>>, vector<1x1x256xi32>,
    %eq3A_523 = vector.broadcast %broadcast_in_dim3A_515 : vector<1x256xi32> to vector<128x256xi32>
    %eq3A_524 = arith.cmpi eq, %iota3A, %eq3A_523 : vector<128x256xi32>
    %jit3A_525 = arith.constant 0x7F800000 : f32
    %broadcast_in_dim3A_526 = vector.broadcast %jit3A_525 : f32 to vector<128x256xf32>
    %select_n3A_527 = arith.select %eq3A_524, %broadcast_in_dim3A_526, %select_n3A_504 : vector<128x256xi1>, vector<128x256xf32>
    %reduce_min3A_528 = arith.constant dense<0x7F800000> : vector<256xf32>
    %reduce_min3A_529 = vector.multi_reduction <minimumf>, %select_n3A_527, %reduce_min3A_528 [0] : vector<128x256xf32> to vector<256xf32>
    %broadcast_in_dim3A_530 = vector.shape_cast %reduce_min3A_529 : vector<256xf32> to vector<1x256xf32>
    %eq3A_531 = vector.broadcast %broadcast_in_dim3A_530 : vector<1x256xf32> to vector<128x256xf32>
    %eq3A_532 = arith.cmpf oeq, %select_n3A_527, %eq3A_531 : vector<128x256xf32>
    %jit3A_533 = arith.constant 128 : i32
    %broadcast_in_dim3A_534 = vector.broadcast %jit3A_533 : i32 to vector<128x256xi32>
    %select_n3A_535 = arith.select %eq3A_532, %iota3A, %broadcast_in_dim3A_534 : vector<128x256xi1>, vector<128x256xi32>
    %reduce_min3A_536 = arith.constant dense<2147483647> : vector<256xi32>
    %reduce_min3A_537 = vector.multi_reduction <minsi>, %select_n3A_535, %reduce_min3A_536 [0] : vector<128x256xi32> to vector<256xi32>
    %broadcast_in_dim3A_538 = vector.shape_cast %reduce_min3A_537 : vector<256xi32> to vector<1x256xi32>
    %squeeze3A_539 = vector.shape_cast %broadcast_in_dim3A_538 : vector<1x256xi32> to vector<256xi32>
    %swap3A_540 = arith.constant 0 : index
    %swap3A_541 = arith.constant 22 : index
    %swap3A_542 = arith.constant 0 : index
    %swap3A_543 = vector.load %arg5[%swap3A_540, %swap3A_541, %swap3A_542] : memref<1x32x256xi32, #tpu.memory_space<vmem>>, vector<1x1x256xi32>
    %swap3A_544 = vector.shape_cast %swap3A_543 : vector<1x1x256xi32> to vector<256xi32>
    %swap3A_545 = vector.shape_cast %squeeze3A_539 : vector<256xi32> to vector<1x1x256xi32>
    tpu.vector_store %arg5[%swap3A_540, %swap3A_541, %swap3A_542], %swap3A_545 {strides = array<i32>} : memref<1x32x256xi32, #tpu.memory_space<vmem>>, vector<1x1x256xi32>,
    %eq3A_546 = vector.broadcast %broadcast_in_dim3A_538 : vector<1x256xi32> to vector<128x256xi32>
    %eq3A_547 = arith.cmpi eq, %iota3A, %eq3A_546 : vector<128x256xi32>
    %jit3A_548 = arith.constant 0x7F800000 : f32
    %broadcast_in_dim3A_549 = vector.broadcast %jit3A_548 : f32 to vector<128x256xf32>
    %select_n3A_550 = arith.select %eq3A_547, %broadcast_in_dim3A_549, %select_n3A_527 : vector<128x256xi1>, vector<128x256xf32>
    %reduce_min3A_551 = arith.constant dense<0x7F800000> : vector<256xf32>
    %reduce_min3A_552 = vector.multi_reduction <minimumf>, %select_n3A_550, %reduce_min3A_551 [0] : vector<128x256xf32> to vector<256xf32>
    %broadcast_in_dim3A_553 = vector.shape_cast %reduce_min3A_552 : vector<256xf32> to vector<1x256xf32>
    %eq3A_554 = vector.broadcast %broadcast_in_dim3A_553 : vector<1x256xf32> to vector<128x256xf32>
    %eq3A_555 = arith.cmpf oeq, %select_n3A_550, %eq3A_554 : vector<128x256xf32>
    %jit3A_556 = arith.constant 128 : i32
    %broadcast_in_dim3A_557 = vector.broadcast %jit3A_556 : i32 to vector<128x256xi32>
    %select_n3A_558 = arith.select %eq3A_555, %iota3A, %broadcast_in_dim3A_557 : vector<128x256xi1>, vector<128x256xi32>
    %reduce_min3A_559 = arith.constant dense<2147483647> : vector<256xi32>
    %reduce_min3A_560 = vector.multi_reduction <minsi>, %select_n3A_558, %reduce_min3A_559 [0] : vector<128x256xi32> to vector<256xi32>
    %broadcast_in_dim3A_561 = vector.shape_cast %reduce_min3A_560 : vector<256xi32> to vector<1x256xi32>
    %squeeze3A_562 = vector.shape_cast %broadcast_in_dim3A_561 : vector<1x256xi32> to vector<256xi32>
    %swap3A_563 = arith.constant 0 : index
    %swap3A_564 = arith.constant 23 : index
    %swap3A_565 = arith.constant 0 : index
    %swap3A_566 = vector.load %arg5[%swap3A_563, %swap3A_564, %swap3A_565] : memref<1x32x256xi32, #tpu.memory_space<vmem>>, vector<1x1x256xi32>
    %swap3A_567 = vector.shape_cast %swap3A_566 : vector<1x1x256xi32> to vector<256xi32>
    %swap3A_568 = vector.shape_cast %squeeze3A_562 : vector<256xi32> to vector<1x1x256xi32>
    tpu.vector_store %arg5[%swap3A_563, %swap3A_564, %swap3A_565], %swap3A_568 {strides = array<i32>} : memref<1x32x256xi32, #tpu.memory_space<vmem>>, vector<1x1x256xi32>,
    %eq3A_569 = vector.broadcast %broadcast_in_dim3A_561 : vector<1x256xi32> to vector<128x256xi32>
    %eq3A_570 = arith.cmpi eq, %iota3A, %eq3A_569 : vector<128x256xi32>
    %jit3A_571 = arith.constant 0x7F800000 : f32
    %broadcast_in_dim3A_572 = vector.broadcast %jit3A_571 : f32 to vector<128x256xf32>
    %select_n3A_573 = arith.select %eq3A_570, %broadcast_in_dim3A_572, %select_n3A_550 : vector<128x256xi1>, vector<128x256xf32>
    %reduce_min3A_574 = arith.constant dense<0x7F800000> : vector<256xf32>
    %reduce_min3A_575 = vector.multi_reduction <minimumf>, %select_n3A_573, %reduce_min3A_574 [0] : vector<128x256xf32> to vector<256xf32>
    %broadcast_in_dim3A_576 = vector.shape_cast %reduce_min3A_575 : vector<256xf32> to vector<1x256xf32>
    %eq3A_577 = vector.broadcast %broadcast_in_dim3A_576 : vector<1x256xf32> to vector<128x256xf32>
    %eq3A_578 = arith.cmpf oeq, %select_n3A_573, %eq3A_577 : vector<128x256xf32>
    %jit3A_579 = arith.constant 128 : i32
    %broadcast_in_dim3A_580 = vector.broadcast %jit3A_579 : i32 to vector<128x256xi32>
    %select_n3A_581 = arith.select %eq3A_578, %iota3A, %broadcast_in_dim3A_580 : vector<128x256xi1>, vector<128x256xi32>
    %reduce_min3A_582 = arith.constant dense<2147483647> : vector<256xi32>
    %reduce_min3A_583 = vector.multi_reduction <minsi>, %select_n3A_581, %reduce_min3A_582 [0] : vector<128x256xi32> to vector<256xi32>
    %broadcast_in_dim3A_584 = vector.shape_cast %reduce_min3A_583 : vector<256xi32> to vector<1x256xi32>
    %squeeze3A_585 = vector.shape_cast %broadcast_in_dim3A_584 : vector<1x256xi32> to vector<256xi32>
    %swap3A_586 = arith.constant 0 : index
    %swap3A_587 = arith.constant 24 : index
    %swap3A_588 = arith.constant 0 : index
    %swap3A_589 = vector.load %arg5[%swap3A_586, %swap3A_587, %swap3A_588] : memref<1x32x256xi32, #tpu.memory_space<vmem>>, vector<1x1x256xi32>
    %swap3A_590 = vector.shape_cast %swap3A_589 : vector<1x1x256xi32> to vector<256xi32>
    %swap3A_591 = vector.shape_cast %squeeze3A_585 : vector<256xi32> to vector<1x1x256xi32>
    tpu.vector_store %arg5[%swap3A_586, %swap3A_587, %swap3A_588], %swap3A_591 {strides = array<i32>} : memref<1x32x256xi32, #tpu.memory_space<vmem>>, vector<1x1x256xi32>,
    %eq3A_592 = vector.broadcast %broadcast_in_dim3A_584 : vector<1x256xi32> to vector<128x256xi32>
    %eq3A_593 = arith.cmpi eq, %iota3A, %eq3A_592 : vector<128x256xi32>
    %jit3A_594 = arith.constant 0x7F800000 : f32
    %broadcast_in_dim3A_595 = vector.broadcast %jit3A_594 : f32 to vector<128x256xf32>
    %select_n3A_596 = arith.select %eq3A_593, %broadcast_in_dim3A_595, %select_n3A_573 : vector<128x256xi1>, vector<128x256xf32>
    %reduce_min3A_597 = arith.constant dense<0x7F800000> : vector<256xf32>
    %reduce_min3A_598 = vector.multi_reduction <minimumf>, %select_n3A_596, %reduce_min3A_597 [0] : vector<128x256xf32> to vector<256xf32>
    %broadcast_in_dim3A_599 = vector.shape_cast %reduce_min3A_598 : vector<256xf32> to vector<1x256xf32>
    %eq3A_600 = vector.broadcast %broadcast_in_dim3A_599 : vector<1x256xf32> to vector<128x256xf32>
    %eq3A_601 = arith.cmpf oeq, %select_n3A_596, %eq3A_600 : vector<128x256xf32>
    %jit3A_602 = arith.constant 128 : i32
    %broadcast_in_dim3A_603 = vector.broadcast %jit3A_602 : i32 to vector<128x256xi32>
    %select_n3A_604 = arith.select %eq3A_601, %iota3A, %broadcast_in_dim3A_603 : vector<128x256xi1>, vector<128x256xi32>
    %reduce_min3A_605 = arith.constant dense<2147483647> : vector<256xi32>
    %reduce_min3A_606 = vector.multi_reduction <minsi>, %select_n3A_604, %reduce_min3A_605 [0] : vector<128x256xi32> to vector<256xi32>
    %broadcast_in_dim3A_607 = vector.shape_cast %reduce_min3A_606 : vector<256xi32> to vector<1x256xi32>
    %squeeze3A_608 = vector.shape_cast %broadcast_in_dim3A_607 : vector<1x256xi32> to vector<256xi32>
    %swap3A_609 = arith.constant 0 : index
    %swap3A_610 = arith.constant 25 : index
    %swap3A_611 = arith.constant 0 : index
    %swap3A_612 = vector.load %arg5[%swap3A_609, %swap3A_610, %swap3A_611] : memref<1x32x256xi32, #tpu.memory_space<vmem>>, vector<1x1x256xi32>
    %swap3A_613 = vector.shape_cast %swap3A_612 : vector<1x1x256xi32> to vector<256xi32>
    %swap3A_614 = vector.shape_cast %squeeze3A_608 : vector<256xi32> to vector<1x1x256xi32>
    tpu.vector_store %arg5[%swap3A_609, %swap3A_610, %swap3A_611], %swap3A_614 {strides = array<i32>} : memref<1x32x256xi32, #tpu.memory_space<vmem>>, vector<1x1x256xi32>,
    %eq3A_615 = vector.broadcast %broadcast_in_dim3A_607 : vector<1x256xi32> to vector<128x256xi32>
    %eq3A_616 = arith.cmpi eq, %iota3A, %eq3A_615 : vector<128x256xi32>
    %jit3A_617 = arith.constant 0x7F800000 : f32
    %broadcast_in_dim3A_618 = vector.broadcast %jit3A_617 : f32 to vector<128x256xf32>
    %select_n3A_619 = arith.select %eq3A_616, %broadcast_in_dim3A_618, %select_n3A_596 : vector<128x256xi1>, vector<128x256xf32>
    %reduce_min3A_620 = arith.constant dense<0x7F800000> : vector<256xf32>
    %reduce_min3A_621 = vector.multi_reduction <minimumf>, %select_n3A_619, %reduce_min3A_620 [0] : vector<128x256xf32> to vector<256xf32>
    %broadcast_in_dim3A_622 = vector.shape_cast %reduce_min3A_621 : vector<256xf32> to vector<1x256xf32>
    %eq3A_623 = vector.broadcast %broadcast_in_dim3A_622 : vector<1x256xf32> to vector<128x256xf32>
    %eq3A_624 = arith.cmpf oeq, %select_n3A_619, %eq3A_623 : vector<128x256xf32>
    %jit3A_625 = arith.constant 128 : i32
    %broadcast_in_dim3A_626 = vector.broadcast %jit3A_625 : i32 to vector<128x256xi32>
    %select_n3A_627 = arith.select %eq3A_624, %iota3A, %broadcast_in_dim3A_626 : vector<128x256xi1>, vector<128x256xi32>
    %reduce_min3A_628 = arith.constant dense<2147483647> : vector<256xi32>
    %reduce_min3A_629 = vector.multi_reduction <minsi>, %select_n3A_627, %reduce_min3A_628 [0] : vector<128x256xi32> to vector<256xi32>
    %broadcast_in_dim3A_630 = vector.shape_cast %reduce_min3A_629 : vector<256xi32> to vector<1x256xi32>
    %squeeze3A_631 = vector.shape_cast %broadcast_in_dim3A_630 : vector<1x256xi32> to vector<256xi32>
    %swap3A_632 = arith.constant 0 : index
    %swap3A_633 = arith.constant 26 : index
    %swap3A_634 = arith.constant 0 : index
    %swap3A_635 = vector.load %arg5[%swap3A_632, %swap3A_633, %swap3A_634] : memref<1x32x256xi32, #tpu.memory_space<vmem>>, vector<1x1x256xi32>
    %swap3A_636 = vector.shape_cast %swap3A_635 : vector<1x1x256xi32> to vector<256xi32>
    %swap3A_637 = vector.shape_cast %squeeze3A_631 : vector<256xi32> to vector<1x1x256xi32>
    tpu.vector_store %arg5[%swap3A_632, %swap3A_633, %swap3A_634], %swap3A_637 {strides = array<i32>} : memref<1x32x256xi32, #tpu.memory_space<vmem>>, vector<1x1x256xi32>,
    %eq3A_638 = vector.broadcast %broadcast_in_dim3A_630 : vector<1x256xi32> to vector<128x256xi32>
    %eq3A_639 = arith.cmpi eq, %iota3A, %eq3A_638 : vector<128x256xi32>
    %jit3A_640 = arith.constant 0x7F800000 : f32
    %broadcast_in_dim3A_641 = vector.broadcast %jit3A_640 : f32 to vector<128x256xf32>
    %select_n3A_642 = arith.select %eq3A_639, %broadcast_in_dim3A_641, %select_n3A_619 : vector<128x256xi1>, vector<128x256xf32>
    %reduce_min3A_643 = arith.constant dense<0x7F800000> : vector<256xf32>
    %reduce_min3A_644 = vector.multi_reduction <minimumf>, %select_n3A_642, %reduce_min3A_643 [0] : vector<128x256xf32> to vector<256xf32>
    %broadcast_in_dim3A_645 = vector.shape_cast %reduce_min3A_644 : vector<256xf32> to vector<1x256xf32>
    %eq3A_646 = vector.broadcast %broadcast_in_dim3A_645 : vector<1x256xf32> to vector<128x256xf32>
    %eq3A_647 = arith.cmpf oeq, %select_n3A_642, %eq3A_646 : vector<128x256xf32>
    %jit3A_648 = arith.constant 128 : i32
    %broadcast_in_dim3A_649 = vector.broadcast %jit3A_648 : i32 to vector<128x256xi32>
    %select_n3A_650 = arith.select %eq3A_647, %iota3A, %broadcast_in_dim3A_649 : vector<128x256xi1>, vector<128x256xi32>
    %reduce_min3A_651 = arith.constant dense<2147483647> : vector<256xi32>
    %reduce_min3A_652 = vector.multi_reduction <minsi>, %select_n3A_650, %reduce_min3A_651 [0] : vector<128x256xi32> to vector<256xi32>
    %broadcast_in_dim3A_653 = vector.shape_cast %reduce_min3A_652 : vector<256xi32> to vector<1x256xi32>
    %squeeze3A_654 = vector.shape_cast %broadcast_in_dim3A_653 : vector<1x256xi32> to vector<256xi32>
    %swap3A_655 = arith.constant 0 : index
    %swap3A_656 = arith.constant 27 : index
    %swap3A_657 = arith.constant 0 : index
    %swap3A_658 = vector.load %arg5[%swap3A_655, %swap3A_656, %swap3A_657] : memref<1x32x256xi32, #tpu.memory_space<vmem>>, vector<1x1x256xi32>
    %swap3A_659 = vector.shape_cast %swap3A_658 : vector<1x1x256xi32> to vector<256xi32>
    %swap3A_660 = vector.shape_cast %squeeze3A_654 : vector<256xi32> to vector<1x1x256xi32>
    tpu.vector_store %arg5[%swap3A_655, %swap3A_656, %swap3A_657], %swap3A_660 {strides = array<i32>} : memref<1x32x256xi32, #tpu.memory_space<vmem>>, vector<1x1x256xi32>,
    %eq3A_661 = vector.broadcast %broadcast_in_dim3A_653 : vector<1x256xi32> to vector<128x256xi32>
    %eq3A_662 = arith.cmpi eq, %iota3A, %eq3A_661 : vector<128x256xi32>
    %jit3A_663 = arith.constant 0x7F800000 : f32
    %broadcast_in_dim3A_664 = vector.broadcast %jit3A_663 : f32 to vector<128x256xf32>
    %select_n3A_665 = arith.select %eq3A_662, %broadcast_in_dim3A_664, %select_n3A_642 : vector<128x256xi1>, vector<128x256xf32>
    %reduce_min3A_666 = arith.constant dense<0x7F800000> : vector<256xf32>
    %reduce_min3A_667 = vector.multi_reduction <minimumf>, %select_n3A_665, %reduce_min3A_666 [0] : vector<128x256xf32> to vector<256xf32>
    %broadcast_in_dim3A_668 = vector.shape_cast %reduce_min3A_667 : vector<256xf32> to vector<1x256xf32>
    %eq3A_669 = vector.broadcast %broadcast_in_dim3A_668 : vector<1x256xf32> to vector<128x256xf32>
    %eq3A_670 = arith.cmpf oeq, %select_n3A_665, %eq3A_669 : vector<128x256xf32>
    %jit3A_671 = arith.constant 128 : i32
    %broadcast_in_dim3A_672 = vector.broadcast %jit3A_671 : i32 to vector<128x256xi32>
    %select_n3A_673 = arith.select %eq3A_670, %iota3A, %broadcast_in_dim3A_672 : vector<128x256xi1>, vector<128x256xi32>
    %reduce_min3A_674 = arith.constant dense<2147483647> : vector<256xi32>
    %reduce_min3A_675 = vector.multi_reduction <minsi>, %select_n3A_673, %reduce_min3A_674 [0] : vector<128x256xi32> to vector<256xi32>
    %broadcast_in_dim3A_676 = vector.shape_cast %reduce_min3A_675 : vector<256xi32> to vector<1x256xi32>
    %squeeze3A_677 = vector.shape_cast %broadcast_in_dim3A_676 : vector<1x256xi32> to vector<256xi32>
    %swap3A_678 = arith.constant 0 : index
    %swap3A_679 = arith.constant 28 : index
    %swap3A_680 = arith.constant 0 : index
    %swap3A_681 = vector.load %arg5[%swap3A_678, %swap3A_679, %swap3A_680] : memref<1x32x256xi32, #tpu.memory_space<vmem>>, vector<1x1x256xi32>
    %swap3A_682 = vector.shape_cast %swap3A_681 : vector<1x1x256xi32> to vector<256xi32>
    %swap3A_683 = vector.shape_cast %squeeze3A_677 : vector<256xi32> to vector<1x1x256xi32>
    tpu.vector_store %arg5[%swap3A_678, %swap3A_679, %swap3A_680], %swap3A_683 {strides = array<i32>} : memref<1x32x256xi32, #tpu.memory_space<vmem>>, vector<1x1x256xi32>,
    %eq3A_684 = vector.broadcast %broadcast_in_dim3A_676 : vector<1x256xi32> to vector<128x256xi32>
    %eq3A_685 = arith.cmpi eq, %iota3A, %eq3A_684 : vector<128x256xi32>
    %jit3A_686 = arith.constant 0x7F800000 : f32
    %broadcast_in_dim3A_687 = vector.broadcast %jit3A_686 : f32 to vector<128x256xf32>
    %select_n3A_688 = arith.select %eq3A_685, %broadcast_in_dim3A_687, %select_n3A_665 : vector<128x256xi1>, vector<128x256xf32>
    %reduce_min3A_689 = arith.constant dense<0x7F800000> : vector<256xf32>
    %reduce_min3A_690 = vector.multi_reduction <minimumf>, %select_n3A_688, %reduce_min3A_689 [0] : vector<128x256xf32> to vector<256xf32>
    %broadcast_in_dim3A_691 = vector.shape_cast %reduce_min3A_690 : vector<256xf32> to vector<1x256xf32>
    %eq3A_692 = vector.broadcast %broadcast_in_dim3A_691 : vector<1x256xf32> to vector<128x256xf32>
    %eq3A_693 = arith.cmpf oeq, %select_n3A_688, %eq3A_692 : vector<128x256xf32>
    %jit3A_694 = arith.constant 128 : i32
    %broadcast_in_dim3A_695 = vector.broadcast %jit3A_694 : i32 to vector<128x256xi32>
    %select_n3A_696 = arith.select %eq3A_693, %iota3A, %broadcast_in_dim3A_695 : vector<128x256xi1>, vector<128x256xi32>
    %reduce_min3A_697 = arith.constant dense<2147483647> : vector<256xi32>
    %reduce_min3A_698 = vector.multi_reduction <minsi>, %select_n3A_696, %reduce_min3A_697 [0] : vector<128x256xi32> to vector<256xi32>
    %broadcast_in_dim3A_699 = vector.shape_cast %reduce_min3A_698 : vector<256xi32> to vector<1x256xi32>
    %squeeze3A_700 = vector.shape_cast %broadcast_in_dim3A_699 : vector<1x256xi32> to vector<256xi32>
    %swap3A_701 = arith.constant 0 : index
    %swap3A_702 = arith.constant 29 : index
    %swap3A_703 = arith.constant 0 : index
    %swap3A_704 = vector.load %arg5[%swap3A_701, %swap3A_702, %swap3A_703] : memref<1x32x256xi32, #tpu.memory_space<vmem>>, vector<1x1x256xi32>
    %swap3A_705 = vector.shape_cast %swap3A_704 : vector<1x1x256xi32> to vector<256xi32>
    %swap3A_706 = vector.shape_cast %squeeze3A_700 : vector<256xi32> to vector<1x1x256xi32>
    tpu.vector_store %arg5[%swap3A_701, %swap3A_702, %swap3A_703], %swap3A_706 {strides = array<i32>} : memref<1x32x256xi32, #tpu.memory_space<vmem>>, vector<1x1x256xi32>,
    %eq3A_707 = vector.broadcast %broadcast_in_dim3A_699 : vector<1x256xi32> to vector<128x256xi32>
    %eq3A_708 = arith.cmpi eq, %iota3A, %eq3A_707 : vector<128x256xi32>
    %jit3A_709 = arith.constant 0x7F800000 : f32
    %broadcast_in_dim3A_710 = vector.broadcast %jit3A_709 : f32 to vector<128x256xf32>
    %select_n3A_711 = arith.select %eq3A_708, %broadcast_in_dim3A_710, %select_n3A_688 : vector<128x256xi1>, vector<128x256xf32>
    %reduce_min3A_712 = arith.constant dense<0x7F800000> : vector<256xf32>
    %reduce_min3A_713 = vector.multi_reduction <minimumf>, %select_n3A_711, %reduce_min3A_712 [0] : vector<128x256xf32> to vector<256xf32>
    %broadcast_in_dim3A_714 = vector.shape_cast %reduce_min3A_713 : vector<256xf32> to vector<1x256xf32>
    %eq3A_715 = vector.broadcast %broadcast_in_dim3A_714 : vector<1x256xf32> to vector<128x256xf32>
    %eq3A_716 = arith.cmpf oeq, %select_n3A_711, %eq3A_715 : vector<128x256xf32>
    %jit3A_717 = arith.constant 128 : i32
    %broadcast_in_dim3A_718 = vector.broadcast %jit3A_717 : i32 to vector<128x256xi32>
    %select_n3A_719 = arith.select %eq3A_716, %iota3A, %broadcast_in_dim3A_718 : vector<128x256xi1>, vector<128x256xi32>
    %reduce_min3A_720 = arith.constant dense<2147483647> : vector<256xi32>
    %reduce_min3A_721 = vector.multi_reduction <minsi>, %select_n3A_719, %reduce_min3A_720 [0] : vector<128x256xi32> to vector<256xi32>
    %broadcast_in_dim3A_722 = vector.shape_cast %reduce_min3A_721 : vector<256xi32> to vector<1x256xi32>
    %squeeze3A_723 = vector.shape_cast %broadcast_in_dim3A_722 : vector<1x256xi32> to vector<256xi32>
    %swap3A_724 = arith.constant 0 : index
    %swap3A_725 = arith.constant 30 : index
    %swap3A_726 = arith.constant 0 : index
    %swap3A_727 = vector.load %arg5[%swap3A_724, %swap3A_725, %swap3A_726] : memref<1x32x256xi32, #tpu.memory_space<vmem>>, vector<1x1x256xi32>
    %swap3A_728 = vector.shape_cast %swap3A_727 : vector<1x1x256xi32> to vector<256xi32>
    %swap3A_729 = vector.shape_cast %squeeze3A_723 : vector<256xi32> to vector<1x1x256xi32>
    tpu.vector_store %arg5[%swap3A_724, %swap3A_725, %swap3A_726], %swap3A_729 {strides = array<i32>} : memref<1x32x256xi32, #tpu.memory_space<vmem>>, vector<1x1x256xi32>,
    %eq3A_730 = vector.broadcast %broadcast_in_dim3A_722 : vector<1x256xi32> to vector<128x256xi32>
    %eq3A_731 = arith.cmpi eq, %iota3A, %eq3A_730 : vector<128x256xi32>
    %jit3A_732 = arith.constant 0x7F800000 : f32
    %broadcast_in_dim3A_733 = vector.broadcast %jit3A_732 : f32 to vector<128x256xf32>
    %select_n3A_734 = arith.select %eq3A_731, %broadcast_in_dim3A_733, %select_n3A_711 : vector<128x256xi1>, vector<128x256xf32>
    %reduce_min3A_735 = arith.constant dense<0x7F800000> : vector<256xf32>
    %reduce_min3A_736 = vector.multi_reduction <minimumf>, %select_n3A_734, %reduce_min3A_735 [0] : vector<128x256xf32> to vector<256xf32>
    %broadcast_in_dim3A_737 = vector.shape_cast %reduce_min3A_736 : vector<256xf32> to vector<1x256xf32>
    %eq3A_738 = vector.broadcast %broadcast_in_dim3A_737 : vector<1x256xf32> to vector<128x256xf32>
    %eq3A_739 = arith.cmpf oeq, %select_n3A_734, %eq3A_738 : vector<128x256xf32>
    %jit3A_740 = arith.constant 128 : i32
    %broadcast_in_dim3A_741 = vector.broadcast %jit3A_740 : i32 to vector<128x256xi32>
    %select_n3A_742 = arith.select %eq3A_739, %iota3A, %broadcast_in_dim3A_741 : vector<128x256xi1>, vector<128x256xi32>
    %reduce_min3A_743 = arith.constant dense<2147483647> : vector<256xi32>
    %reduce_min3A_744 = vector.multi_reduction <minsi>, %select_n3A_742, %reduce_min3A_743 [0] : vector<128x256xi32> to vector<256xi32>
    %broadcast_in_dim3A_745 = vector.shape_cast %reduce_min3A_744 : vector<256xi32> to vector<1x256xi32>
    %squeeze3A_746 = vector.shape_cast %broadcast_in_dim3A_745 : vector<1x256xi32> to vector<256xi32>
    %swap3A_747 = arith.constant 0 : index
    %swap3A_748 = arith.constant 31 : index
    %swap3A_749 = arith.constant 0 : index
    %swap3A_750 = vector.load %arg5[%swap3A_747, %swap3A_748, %swap3A_749] : memref<1x32x256xi32, #tpu.memory_space<vmem>>, vector<1x1x256xi32>
    %swap3A_751 = vector.shape_cast %swap3A_750 : vector<1x1x256xi32> to vector<256xi32>
    %swap3A_752 = vector.shape_cast %squeeze3A_746 : vector<256xi32> to vector<1x1x256xi32>
    tpu.vector_store %arg5[%swap3A_747, %swap3A_748, %swap3A_749], %swap3A_752 {strides = array<i32>} : memref<1x32x256xi32, #tpu.memory_space<vmem>>, vector<1x1x256xi32>,
    %squeeze3A_753 = vector.shape_cast %broadcast_in_dim3A_737 : vector<1x256xf32> to vector<256xf32>
    %swap3A_754 = arith.constant 0 : index
    %swap3A_755 = arith.constant 0 : index
    %swap3A_756 = arith.constant 0 : index
    %swap3A_757 = vector.load %arg6[%swap3A_754, %swap3A_755, %swap3A_756] : memref<1x1x256xf32, #tpu.memory_space<vmem>>, vector<1x1x256xf32>
    %swap3A_758 = vector.shape_cast %swap3A_757 : vector<1x1x256xf32> to vector<256xf32>
    %swap3A_759 = vector.shape_cast %squeeze3A_753 : vector<256xf32> to vector<1x1x256xf32>
    tpu.vector_store %arg6[%swap3A_754, %swap3A_755, %swap3A_756], %swap3A_759 {strides = array<i32>} : memref<1x1x256xf32, #tpu.memory_space<vmem>>, vector<1x1x256xf32>,
    return
  }
  func.func @transform_0(%arg0: i32, %arg1: i32) -> (i32, i32, i32) {
    %c0_i32 = arith.constant 0 : i32
    %c0_i32_0 = arith.constant 0 : i32
    %c0_i32_1 = arith.constant 0 : i32
    return %arg0, %c0_i32, %c0_i32_0 : i32, i32, i32
  }
  func.func @transform_1(%arg0: i32, %arg1: i32) -> (i32, i32, i32) {
    %c0_i32 = arith.constant 0 : i32
    %c0_i32_0 = arith.constant 0 : i32
    return %arg0, %arg1, %c0_i32 : i32, i32, i32
  }
  func.func @transform_2(%arg0: i32, %arg1: i32) -> (i32, i32, i32) {
    %c0_i32 = arith.constant 0 : i32
    %c0_i32_0 = arith.constant 0 : i32
    return %arg0, %arg1, %c0_i32 : i32, i32, i32
  }
  func.func @transform_3(%arg0: i32, %arg1: i32) -> (i32, i32, i32) {
    %c0_i32 = arith.constant 0 : i32
    %c0_i32_0 = arith.constant 0 : i32
    return %arg0, %c0_i32, %arg1 : i32, i32, i32
  }
  func.func @transform_4(%arg0: i32, %arg1: i32) -> (i32, i32, i32) {
    %c0_i32 = arith.constant 0 : i32
    %c0_i32_0 = arith.constant 0 : i32
    return %arg0, %c0_i32, %arg1 : i32, i32, i32
  }
}

module attributes {stable_mosaic.version = 14 : i64} {
  func.func @_qkv_body(%arg0: memref<16384x3xf32, #tpu.memory_space<vmem>>, %arg1: memref<3x192xf32, #tpu.memory_space<vmem>>, %arg2: memref<16384x64xf32, #tpu.memory_space<vmem>>, %arg3: memref<16384x128xf32, #tpu.memory_space<vmem>>) attributes {dimension_semantics = [], scalar_prefetch = 0 : i64, scratch_operands = 0 : i64, tpu.core_type = #tpu.core_type<tc>} {
    %get3A = arith.constant 0 : index
    %get3A_0 = arith.constant 0 : index
    %get3A_1 = vector.load %arg0[%get3A, %get3A_0] : memref<16384x3xf32, #tpu.memory_space<vmem>>, vector<16384x3xf32>
    %get3A_2 = arith.constant 0 : index
    %get3A_3 = arith.constant 0 : index
    %get3A_4 = vector.load %arg1[%get3A_2, %get3A_3] : memref<3x192xf32, #tpu.memory_space<vmem>>, vector<3x192xf32>
    %dot_general3A = arith.constant dense<0.000000e+00> : vector<16384x192xf32>
    %dot_general3A_5 = tpu.matmul %get3A_1, %get3A_4, %dot_general3A {dimension_numbers = #tpu.dot_dimension_numbers<[1], [0], [0], [1], [0, 0, 1, 1], [], []>, transpose_lhs_hint = false} : vector<16384x3xf32>, vector<3x192xf32>, vector<16384x192xf32> -> vector<16384x192xf32>
    %slice3A = vector.extract_strided_slice %dot_general3A_5 {offsets = [0, 0], sizes = [16384, 64], strides = [1, 1]} : vector<16384x192xf32> to vector<16384x64xf32>
    %swap3A = arith.constant 0 : index
    %swap3A_6 = arith.constant 0 : index
    %swap3A_7 = vector.load %arg2[%swap3A, %swap3A_6] : memref<16384x64xf32, #tpu.memory_space<vmem>>, vector<16384x64xf32>
    tpu.vector_store %arg2[%swap3A, %swap3A_6], %slice3A {strides = array<i32>} : memref<16384x64xf32, #tpu.memory_space<vmem>>, vector<16384x64xf32>,
    %slice3A_8 = vector.extract_strided_slice %dot_general3A_5 {offsets = [0, 64], sizes = [16384, 128], strides = [1, 1]} : vector<16384x192xf32> to vector<16384x128xf32>
    %swap3A_9 = arith.constant 0 : index
    %swap3A_10 = arith.constant 0 : index
    %swap3A_11 = vector.load %arg3[%swap3A_9, %swap3A_10] : memref<16384x128xf32, #tpu.memory_space<vmem>>, vector<16384x128xf32>
    tpu.vector_store %arg3[%swap3A_9, %swap3A_10], %slice3A_8 {strides = array<i32>} : memref<16384x128xf32, #tpu.memory_space<vmem>>, vector<16384x128xf32>,
    return
  }
}

module attributes {stable_mosaic.version = 14 : i64} {
  func.func @_attn_body(%arg0: i32, %arg1: memref<32x64xf32, #tpu.memory_space<vmem>>, %arg2: memref<1024x128xf32, #tpu.memory_space<vmem>>, %arg3: memref<32x64xf32, #tpu.memory_space<vmem>>, %arg4: memref<64x64xf32, #tpu.memory_space<vmem>>, %arg5: memref<32x64xf32, #tpu.memory_space<vmem>>) attributes {dimension_semantics = [#tpu.dimension_semantics<arbitrary>], iteration_bounds = array<i64: 512>, scalar_prefetch = 0 : i64, scratch_operands = 0 : i64, tpu.core_type = #tpu.core_type<tc>, window_params = [{transform_indices = @transform_0, window_bounds = array<i64: 32, 64>}, {transform_indices = @transform_1, window_bounds = array<i64: 1024, 128>}, {transform_indices = @transform_2, window_bounds = array<i64: 32, 64>}, {pipeline_mode = #tpu.pipeline_mode<synchronous>, transform_indices = @transform_3, window_bounds = array<i64: 64, 64>}, {transform_indices = @transform_4, window_bounds = array<i64: 32, 64>}]} {
    %get3A = arith.constant 0 : index
    %get3A_0 = arith.constant 0 : index
    %get3A_1 = vector.load %arg1[%get3A, %get3A_0] : memref<32x64xf32, #tpu.memory_space<vmem>>, vector<32x64xf32>
    %get3A_2 = arith.constant 0 : index
    %get3A_3 = arith.constant 0 : index
    %get3A_4 = vector.load %arg2[%get3A_2, %get3A_3] : memref<1024x128xf32, #tpu.memory_space<vmem>>, vector<1024x128xf32>
    %slice3A = vector.extract_strided_slice %get3A_4 {offsets = [0, 0], sizes = [1024, 64], strides = [1, 1]} : vector<1024x128xf32> to vector<1024x64xf32>
    %reshape3A = vector.shape_cast %slice3A : vector<1024x64xf32> to vector<32x32x64xf32>
    %slice3A_5 = vector.extract_strided_slice %get3A_4 {offsets = [0, 64], sizes = [1024, 64], strides = [1, 1]} : vector<1024x128xf32> to vector<1024x64xf32>
    %reshape3A_6 = vector.shape_cast %slice3A_5 : vector<1024x64xf32> to vector<32x32x64xf32>
    %broadcast_in_dim3A = vector.shape_cast %get3A_1 : vector<32x64xf32> to vector<32x1x64xf32>
    %mul3A = vector.broadcast %broadcast_in_dim3A : vector<32x1x64xf32> to vector<32x32x64xf32>
    %mul3A_7 = arith.mulf %reshape3A, %mul3A : vector<32x32x64xf32>
    %get3A_8 = arith.constant 0 : index
    %get3A_9 = arith.constant 0 : index
    %get3A_10 = vector.load %arg4[%get3A_8, %get3A_9] : memref<64x64xf32, #tpu.memory_space<vmem>>, vector<64x64xf32>
    %reshape3A_11 = vector.shape_cast %mul3A_7 : vector<32x32x64xf32> to vector<1024x64xf32>
    %dot_general3A = arith.constant dense<0.000000e+00> : vector<1024x64xf32>
    %dot_general3A_12 = tpu.matmul %reshape3A_11, %get3A_10, %dot_general3A {dimension_numbers = #tpu.dot_dimension_numbers<[1], [0], [0], [1], [0, 0, 1, 1], [], []>, transpose_lhs_hint = false} : vector<1024x64xf32>, vector<64x64xf32>, vector<1024x64xf32> -> vector<1024x64xf32>
    %reshape3A_13 = vector.shape_cast %dot_general3A_12 : vector<1024x64xf32> to vector<32x32x64xf32>
    %reduce_max3A = arith.constant dense<0xFF800000> : vector<32x64xf32>
    %reduce_max3A_14 = vector.multi_reduction <maximumf>, %reshape3A_13, %reduce_max3A [1] : vector<32x32x64xf32> to vector<32x64xf32>
    %broadcast_in_dim3A_15 = vector.shape_cast %reduce_max3A_14 : vector<32x64xf32> to vector<32x1x64xf32>
    %sub3A = vector.broadcast %broadcast_in_dim3A_15 : vector<32x1x64xf32> to vector<32x32x64xf32>
    %sub3A_16 = arith.subf %reshape3A_13, %sub3A : vector<32x32x64xf32>
    %exp3A = math.exp %sub3A_16 : vector<32x32x64xf32>
    %reduce_sum3A = arith.constant dense<0.000000e+00> : vector<32x64xf32>
    %reduce_sum3A_17 = vector.multi_reduction <add>, %exp3A, %reduce_sum3A [1] : vector<32x32x64xf32> to vector<32x64xf32>
    %broadcast_in_dim3A_18 = vector.shape_cast %reduce_sum3A_17 : vector<32x64xf32> to vector<32x1x64xf32>
    %div3A = vector.broadcast %broadcast_in_dim3A_18 : vector<32x1x64xf32> to vector<32x32x64xf32>
    %div3A_19 = arith.divf %exp3A, %div3A : vector<32x32x64xf32>
    %mul3A_20 = arith.mulf %div3A_19, %reshape3A_6 : vector<32x32x64xf32>
    %reduce_sum3A_21 = arith.constant dense<0.000000e+00> : vector<32x64xf32>
    %reduce_sum3A_22 = vector.multi_reduction <add>, %mul3A_20, %reduce_sum3A_21 [1] : vector<32x32x64xf32> to vector<32x64xf32>
    %get3A_23 = arith.constant 0 : index
    %get3A_24 = arith.constant 0 : index
    %get3A_25 = vector.load %arg3[%get3A_23, %get3A_24] : memref<32x64xf32, #tpu.memory_space<vmem>>, vector<32x64xf32>
    %sub3A_26 = arith.subf %reduce_sum3A_22, %get3A_25 : vector<32x64xf32>
    %swap3A = arith.constant 0 : index
    %swap3A_27 = arith.constant 0 : index
    %swap3A_28 = vector.load %arg5[%swap3A, %swap3A_27] : memref<32x64xf32, #tpu.memory_space<vmem>>, vector<32x64xf32>
    tpu.vector_store %arg5[%swap3A, %swap3A_27], %sub3A_26 {strides = array<i32>} : memref<32x64xf32, #tpu.memory_space<vmem>>, vector<32x64xf32>,
    return
  }
  func.func @transform_0(%arg0: i32) -> (i32, i32) {
    %c0_i32 = arith.constant 0 : i32
    %c0_i32_0 = arith.constant 0 : i32
    return %arg0, %c0_i32 : i32, i32
  }
  func.func @transform_1(%arg0: i32) -> (i32, i32) {
    %c0_i32 = arith.constant 0 : i32
    %c0_i32_0 = arith.constant 0 : i32
    return %arg0, %c0_i32 : i32, i32
  }
  func.func @transform_2(%arg0: i32) -> (i32, i32) {
    %c0_i32 = arith.constant 0 : i32
    %c0_i32_0 = arith.constant 0 : i32
    return %arg0, %c0_i32 : i32, i32
  }
  func.func @transform_3(%arg0: i32) -> (i32, i32) {
    %c0_i32 = arith.constant 0 : i32
    %c0_i32_0 = arith.constant 0 : i32
    %c0_i32_1 = arith.constant 0 : i32
    return %c0_i32, %c0_i32_0 : i32, i32
  }
  func.func @transform_4(%arg0: i32) -> (i32, i32) {
    %c0_i32 = arith.constant 0 : i32
    %c0_i32_0 = arith.constant 0 : i32
    return %arg0, %c0_i32 : i32, i32
  }
}

</mosaic_0001>

<sc_bundles>
// kernel: kernel.10.cloned.1.call-start
scs
__scs_entry_jumppad:
0x0: {  	(pc) =	sbr.rel $0x88, $3  }
0x1: {  	(tag) =	ssettag $0x0;
	lr =	simm.s32 $0x1  }
0x2: {  	[smem:$0x3F9C] =	sst lr;
	_ =	strace $0xD0000000  }
0x3: {  	_ = 	snop  }
0x4: {  	_ = 	snop  }
0x5: {  	_ = 	snop  }
0x6: {  	_ = 	snop  }
0x7: {  	_ = 	snop  }
__scs_overlays_trampoline_lowered:
0x8: {  	[smem:$0x3FAB] =	sst s0  }
0x9: {  	[smem:$0x3FAC] =	sst s1  }
0xa: {  	[smem:$0x3FAD] =	sst s2  }
0xb: {  	[smem:$0x3FAE] =	sst s3  }
0xc: {  	[smem:$0x3FAF] =	sst s4  }
0xd: {  	[smem:$0x3FB0] =	sst s5  }
0xe: {  	[smem:$0x3FB1] =	sst s6  }
0xf: {  	[smem:$0x3FB2] =	sst s7  }
0x10: {  	[smem:$0x3FB3] =	sst s8  }
0x11: {  	[smem:$0x3FB4] =	sst s9;
	s0 =	simm.s32 @!p0 $0x0  }
0x12: {  	s1 =	sld [smem:$0x3F9A];
	s0 =	simm.s32 @p0 $0x1  }
0x13: {  	[smem:$0x3FB5] =	sst s0;
	s0 =	simm.s32 @!p1 $0x0  }
0x14: {  	s2 =	sld [smem:$0x3F99];
	s0 =	simm.s32 @p1 $0x1  }
0x15: {  	[smem:$0x3FB6] =	sst s0;
	s0 =	simm.s32 @!p2 $0x0  }
0x16: {  	s3 =	sld [smem:$0x3FDB];
	s0 =	simm.s32 @p2 $0x1  }
0x17: {  	s4 =	simm.s32 $0x1BF5;
	[smem:$0x3FB8] =	sst s0  }
0x18: {  	s0 =	sld [smem:$0x3F9B];
	_ =	swait.ge [sflag:s4], $0x0  }
0x19: {  	s7 =	sld [smem:$0x3F9C]  }
0x1a: {  	s8 =	sadd.s32 $0xFFFFE003, lr  }
0x1b: {  	s9 =	sadd.s32 $0xFFFFFEF7, lr;
	s5 =	simm.s32 $0xFFFFFFFF;
	p2 =	slt.u32 s8, $0xFFFFF086  }
0x1c: {  	p1 =	slt.u32 s9, $0xF7A;
	s5 =	simm.s32 @!p2 $0x0  }
0x1d: {  	s5 =	simm.s32 @p1 $0x1;
	p0 =	seq.s32 s7, s2  }
0x1e: {  	s7 =	smul.u32 @!p0 $0xF7A, s2;
	p2 =	seq.s32 @!p0 s5, $0x0  }
0x1f: {  	s9 =	smul.u32 $0xF7A, s1;
	s8 =	simm.s32 @!p0 $0x1BF5;
	p2 =	por !p2, p0  }
0x20: {  	[sflag:s8] =	ssyncset.s32 @!p0 $0xFFFFF086;
	s6 =	sadd.s32 @!p0 s3, s7;
	s7 =	simm.s32 @!p0 $0x108  }
0x21: {  	s3 =	sadd.s32 s3, s9;
	s6 =	sadd.s32 @!p0 $0x88, s6;
	s7 =	simm.s32 @p2 $0x1082  }
0x22: {  	[simem:s7], [sflag:s8] =	dma.local @!p0 [hbm:s6], $0xF7A  }
0x23: {  	s9 =	sor.u32 $0xD0000000, s2;
	s6 =	simm.s32 $0x108;
	_ =	swait.ge @!p0 [sflag:s8], $0x0  }
0x24: {  	s3 =	sadd.s32 $0x88, s3;
	s6 =	simm.s32 @!p1 $0x1082;
	[sflag:s4] =	ssyncset.s32 $0xFFFFF086  }
0x25: {  	[simem:s6], [sflag:s4] =	dma.local [hbm:s3], $0xF7A  }
0x26: {  	[smem:$0x3F9C] =	sst s1;
	(tag) =	ssettag s2;
	_ =	strace s9  }
0x27: {  	s1 =	sld [smem:$0x3FAC]  }
0x28: {  	s2 =	sld [smem:$0x3FAD]  }
0x29: {  	s4 =	sld [smem:$0x3FAF]  }
0x2a: {  	p0 =	seq.s32 s5, $0x0;
	s5 =	sld [smem:$0x3FB0]  }
0x2b: {  	s6 =	sld [smem:$0x3FB1]  }
0x2c: {  	s7 =	sld [smem:$0x3FB2]  }
0x2d: {  	s3 =	simm.s32 $0x108;
	s8 =	sld [smem:$0x3FB3]  }
0x2e: {  	s3 =	simm.s32 @!p0 $0x1082;
	s9 =	sld [smem:$0x3FB4]  }
0x2f: {  	lr =	sadd.s32 s0, s3;
	s0 =	sld [smem:$0x3FAB]  }
0x30: {  	s3 =	sld [smem:$0x3FAE]  }
0x31: {  	[smem:$0x3FB7] =	sst s10  }
0x32: {  	s10 =	sld [smem:$0x3FB5];
	_ =	sdelay $0x3  }
0x33: {  	p0 =	seq.s32 s10, $0x1;
	s10 =	sld [smem:$0x3FB7];
	_ =	sdelay $0x3  }
0x34: {  	[smem:$0x3FB7] =	sst s10  }
0x35: {  	s10 =	sld [smem:$0x3FB6];
	_ =	sdelay $0x3  }
0x36: {  	p1 =	seq.s32 s10, $0x1;
	s10 =	sld [smem:$0x3FB7];
	_ =	sdelay $0x3  }
0x37: {  	[smem:$0x3FB7] =	sst s10  }
0x38: {  	s10 =	sld [smem:$0x3FB8]  }
0x39: {  	_ = 	snop;
	(pc) =	sbr.ind lr, $3  }
0x3a: {  	_ = 	snop  }
0x3b: {  	_ = 	snop  }
0x3c: {  	p2 =	seq.s32 s10, $0x1;
	s10 =	sld [smem:$0x3FB7]  }
0x3d: {  	_ =	shalt  }
0x3e: {  	_ =	shalt  }
0x3f: {  	_ =	shalt  }
0x40: {  	_ =	shalt  }
0x41: {  	_ =	shalt  }
0x42: {  	_ =	shalt  }
0x43: {  	_ =	shalt  }
0x44: {  	_ =	shalt  }
0x45: {  	_ =	shalt  }
0x46: {  	_ =	shalt  }
0x47: {  	_ =	shalt  }
0x48: {  	_ =	shalt  }
0x49: {  	_ =	shalt  }
0x4a: {  	_ =	shalt  }
0x4b: {  	_ =	shalt  }
0x4c: {  	_ =	shalt  }
0x4d: {  	_ =	shalt  }
0x4e: {  	_ =	shalt  }
0x4f: {  	_ =	shalt  }
0x50: {  	_ =	shalt  }
0x51: {  	_ =	shalt  }
0x52: {  	_ =	shalt  }
0x53: {  	_ =	shalt  }
0x54: {  	_ =	shalt  }
0x55: {  	_ =	shalt  }
0x56: {  	_ =	shalt  }
0x57: {  	_ =	shalt  }
0x58: {  	_ =	shalt  }
0x59: {  	_ =	shalt  }
0x5a: {  	_ =	shalt  }
0x5b: {  	_ =	shalt  }
0x5c: {  	_ =	shalt  }
0x5d: {  	_ =	shalt  }
0x5e: {  	_ =	shalt  }
0x5f: {  	_ =	shalt  }
0x60: {  	_ =	shalt  }
0x61: {  	_ =	shalt  }
0x62: {  	_ =	shalt  }
0x63: {  	_ =	shalt  }
0x64: {  	_ =	shalt  }
0x65: {  	_ =	shalt  }
0x66: {  	_ =	shalt  }
0x67: {  	_ =	shalt  }
0x68: {  	_ =	shalt  }
0x69: {  	_ =	shalt  }
0x6a: {  	_ =	shalt  }
0x6b: {  	_ =	shalt  }
0x6c: {  	_ =	shalt  }
0x6d: {  	_ =	shalt  }
0x6e: {  	_ =	shalt  }
0x6f: {  	_ =	shalt  }
0x70: {  	_ =	shalt  }
0x71: {  	_ =	shalt  }
0x72: {  	_ =	shalt  }
0x73: {  	_ =	shalt  }
0x74: {  	_ =	shalt  }
0x75: {  	_ =	shalt  }
0x76: {  	_ =	shalt  }
0x77: {  	_ =	shalt  }
0x78: {  	_ =	shalt  }
0x79: {  	_ =	shalt  }
0x7a: {  	_ =	shalt  }
0x7b: {  	_ =	shalt  }
0x7c: {  	_ =	shalt  }
0x7d: {  	_ =	shalt  }
0x7e: {  	_ =	shalt  }
0x7f: {  	_ =	shalt  }
0x80: {  	_ =	shalt  }
0x81: {  	_ =	shalt  }
0x82: {  	_ =	shalt  }
0x83: {  	_ =	shalt  }
0x84: {  	_ =	shalt  }
0x85: {  	_ =	shalt  }
0x86: {  	_ =	shalt  }
0x87: {  	_ =	shalt  }
.Lfunc_end0:
.L_simem_size_0:
called_computation.2_lowered:
.L_overlay_start_0:
0x88: {  	s2 =	sld [smem:$0x3FD9]  }
0x89: {  	s3 =	sld [smem:$0x3FFE];
	_ =	sdelay $0x1  }
0x8a: {  	s1 =	srdreg.scid  }
0x8b: {  	s0 =	sand.u32 $0x1, s1  }
0x8c: {  	s17 =	sshll.u32 s0, $0xA;
	s2 =	sadd.s32 s3, s2  }
0x8d: {  	s2 =	sadd.s32 s2, s17  }
0x8e: {  	[smem:$0x3FC3] =	sst s2  }
0x8f: {  	_ = 	snop  }
0x90: {  	s2 =	sld [smem:$0x3FD0];
	(tm) =	ssettm $0x1  }
0x91: {  	s18 =	sld [smem:$0x3FFB];
	_ =	sdelay $0x3  }
0x92: {  	_ =	strace s18  }
0x93: {  	s3 =	sld [smem:$0x3FFC];
	_ =	sdelay $0x3  }
0x94: {  	_ =	strace s3  }
0x95: {  	s3 =	sld [smem:$0x3FFD];
	_ =	sdelay $0x3  }
0x96: {  	_ =	strace s3  }
0x97: {  	_ =	strace $0x8FFFFFFF  }
0x98: {  	s19 =	sld [smem:$0x3FDB];
	_ =	sdelay $0x1  }
0x99: {  	s4 =	simm.s32 $_scs_section_size  }
0x9a: {  	s5 =	simm.s32 $_size__tile_overlayer_lowered;
	s6 =	simm.s32 $_tile_overlayer_lowered  }
0x9b: {  	s22 =	simm.s32 $0x1BFF;
	s21 =	sshll.u32 s6, $0x1;
	s3 =	sadd.s32 s4, s19  }
0x9c: {  	s7 =	simm.s32 $0x0;
	s20 =	sshll.u32 s5, $0x1;
	s5 =	sadd.s32 s21, s3  }
0x9d: {  	[timem:s7], [sflag:s22] =	dma.local [hbm:s5], s20  }
0x9e: {  	_ =	swait.ge [sflag:s22], s20  }
0x9f: {  	s4 =	ssub.s32 $0x0, s20;
	[sflag:s22] =	ssyncset.done $0x0  }
0xa0: {  	[sflag:s22] =	ssyncadd.s32 s4;
	_ =	sdelay $0x1  }
0xa1: {  	s23 =	simm.s32 $0x1B8B  }
0xa2: {  	_ =	swait.ge [sflag:s23], $0x1  }
0xa3: {  	[sflag:s23] =	ssyncset.done $0x0  }
0xa4: {  	s25 =	simm.s32 $0x1B8E;
	s24 =	sld [smem:$0x3FFE];
	[sflag:s23] =	ssyncadd.s32 $0xFFFFFFFF  }
0xa5: {  	s26 =	simm.s32 $execute0_lowered;
	[smem:$0x3FD2] =	sst s25  }
0xa6: {  	s5 =	sshll.u32 s26, $0x1;
	_ =	strace $0x8000004C;
	[dreg:$0x1] =	wrdreg $0xFFFFFFFF  }
0xa7: {  	s28 =	simm.s32 $_size_execute0_lowered;
	s3 =	sadd.s32 s3, s5;
	[dreg:$0x0] =	wrdreg $0x0  }
0xa8: {  	s5 =	sshll.u32 s28, $0x1;
	[dreg:$0x2] =	wrdreg s3  }
0xa9: {  	[dreg:$0x3] =	wrdreg s5  }
0xaa: {  	[dreg:$0x4] =	wrdreg $0xC0  }
0xab: {  	_ =	task [dreg:s7], $0x5FFFF  }
0xac: {  	[dreg:$0x1] =	wrdreg $0xFFFFFFFF  }
0xad: {  	[dreg:$0x0] =	wrdreg $0x60  }
0xae: {  	[dreg:$0x2] =	wrdreg s24  }
0xaf: {  	[dreg:$0x3] =	wrdreg s2  }
0xb0: {  	[dreg:$0x4] =	wrdreg $0x9  }
0xb1: {  	_ =	task.clear_ibuf [dreg:s7], $0x5FFFF;
	_ =	strace $0x9000004C  }
0xb2: {  	s29 =	simm.s32 $0x9;
	_ =	strace $0x80000055  }
0xb3: {  	_ =	swait.ge [sflag:s29], $0x1  }
0xb4: {  	[sflag:s29] =	ssyncadd.s32 $0xFFFFFFFF  }
0xb5: {  	_ =	strace $0x90000055  }
0xb6: {  	_ =	sfence  }
0xb7: {  	s30 =	sld [smem:$0x0];
	_ =	sdelay $0x2  }
0xb8: {  	s31 =	sshll.u32 s1, $0xD;
	s1 =	sshrl.u32 s1, $0x2  }
0xb9: {  	s3 =	sand.u32 $0x4000, s31;
	s1 =	sadd.s32 s1, s30  }
0xba: {  	s0 =	sor.u32 s3, s0;
	s1 =	sshll.u32 s1, $0x11  }
0xbb: {  	s0 =	sor.u32 s1, s0  }
0xbc: {  	s0 =	sadd.s32 $0x8F2B, s0  }
0xbd: {  	[sflag:s0] =	ssyncadd.remote.s32 $0x1  }
0xbe: {  	_ =	sfence.sel $0xFFFF  }
0xbf: {  	[dreg:$0x0] =	wrdreg $0xFFFFFFFF;
	(pc) =	sbr.abs _section_cstart, $3  }
0xc0: {  	[dreg:$0x1] =	wrdreg $0xFFFFFFFF  }
0xc1: {  	_ =	task.clear_ibuf [dreg:s7], $0x2FFFF;
	_ =	strace $0x9FFFFFFF  }
0xc2: {  	(tm) =	ssettm $0x7FFFFFFF  }
0xc3: {  	_ =	shalt  }
tec
execute0_lowered:
.L_overlay_start_1:
0x0: {  	(tag) =	ssettag $0x1  }
0x1: {  	s4 =	rddreg [dreg:$0x0]  }
0x2: {  	s1 =	rddreg [dreg:$0x1]  }
0x3: {  	s0 =	rddreg [dreg:$0x2];
	s2 =	simm.s32 $0x0  }
0x4: {  	s5 =	srdreg.scid;
	s8 =	simm.s32 $0x100;
	s9 =	simm.s32 $0x4  }
0x5: {  	s10 =	simm.s32 $0x0;
	[smem:$0x7FF] =	sst s2;
	s3 =	sadd.s32 $0x2A00, s4  }
0x6: {  	s4 =	sadd.s32 $0x82A00, s4;
	_ =	strace $0x8000004D;
	[dreg:$0x3] =	wrdreg s3  }
0x7: {  	s5 =	sand.u32 $0x1, s5;
	s3 =	stileid.u32;
	[dreg:$0x5] =	wrdreg s4  }
0x8: {  	s6 =	ssub.s32 $0x2, s5;
	s5 =	sshll.u32 s5, $0x4;
	[dreg:$0x4] =	wrdreg s8  }
0x9: {  	s8 =	simm.s32 $0x5;
	s7 =	sshrl.u32 s6, $0x1;
	s5 =	sor.u32 s3, s5  }
0xa: {  	s6 =	ssub.s32 s6, s7;
	s31 =	sshll.u32 s5, $0xB;
	s4 =	sshll.u32 s5, $0x6  }
0xb: {  	s7 =	simm.s32 $0x1;
	s5 =	sadd.s32 s1, s31;
	s6 =	smax.u32 s6, $0x1  }
.LBB2_1:
0xc: {  	_ =	strace $0x8000004E;
	s11 =	simm.s32 $0x1;
	p0 =	por $0x0, $0x0  }
0xd: {  	[tilespmem:s2], [sflag:$0x1] =	stream.linear.gather [hbm4b:s5+s2], $0x100, $0x200038;
	[tilespmem:$0x10200] =	vst v63  }
0xe: {  	s11 =	simm.s32 @p0 $0x0  }
0xf: {  	p4 =	por $0x1, $0x1;
	s20 =	sand.u32 $0x1, s2;
	p1 =	sne.s32 s11, $0x0  }
0x10: {  	p2 =	por $0x1, $0x1;
	s18 =	simm.s32 $0x3E;
	p0 =	por !p4, !p1  }
0x11: {  	s16 =	simm.s32 $0x0;
	p5 =	por $0x0, $0x0;
	p0 =	por !p0, !p0  }
0x12: {  	s23 =	sadd.s32 $0x0, s4;
	s30 =	sadd.s32 $0x1, s20;
	s12 =	sadd.s32 @p0 s4, s11  }
0x13: {  	_ =	strace $0x9000004E;
	s13 =	sand.u32 @p0 $0x1, s7;
	s12 =	sshll.u32 @p0 s12, $0x5  }
0x14: {  	_ =	strace @p0 $0x8000004F;
	s15 =	simm.s32 @p0 $0x0;
	s12 =	sand.u32 @p0 $0x1FFFFFE0, s12  }
0x15: {  	s14 =	sshll.u32 @p0 s13, $0x8;
	s13 =	sadd.s32 @p0 $0x1, s13;
	s12 =	sadd.s32 @p0 s1, s12  }
0x16: {  	[tilespmem:s14], [sflag:s13] =	stream.linear.gather @p0 [hbm4b:s12+s15], $0x100, $0x200038;
	[tilespmem:$0x10200] =	vst v63  }
0x17: {  	p3 =	por p2, p2;
	s21 =	sshll.u32 s20, $0xF;
	_ =	strace @p0 $0x9000004F  }
0x18: {  	s16 =	sand.u32 $0x100, s16;
	p2 =	por p5, p5;
	_ =	strace $0x80000050  }
0x19: {  	s17 =	sadd.s32 $0x1, s11;
	s22 =	sor.u32 $0x200, s21;
	_ =	swait.ge [sflag:s30], $0x100  }
0x1a: {  	s21 =	simm.s32 $0x1;
	p6 =	por p1, p1;
	[sflag:s30] =	ssyncset.done $0x0  }
0x1b: {  	p1 =	por p3, p3;
	p4 =	por $0x1, $0x1;
	[sflag:s30] =	ssyncadd.s32 $0xFFFFFF00  }
0x1c: {  	s12 =	simm.s32 $0x3F;
	s15 =	sand.u32 @!p3 $0x1, s2;
	_ =	strace $0x90000050  }
0x1d: {  	s13 =	simm.s32 $0x1;
	p3 =	seq.s32 s17, $0x40;
	_ =	strace $0x80000051  }
0x1e: {  	s13 =	simm.s32 @!p0 $0x0;
	s17 =	simm.s32 @p3 $0x0;
	s19 =	rddreg [dreg:$0x4]  }
0x1f: {  	p0 =	por $0x0, $0x0;
	s14 =	sadd.s32 $0x1, s13;
	s31 =	rddreg [dreg:$0x3]  }
0x20: {  	[tilespmem:s22], [sflag:$0x5] =	stream.indirect.gather [hbm4b:s31+s19], $0x80, s16, s19, $0x2000b8;
	[tilespmem:$0x10200] =	vst v63  }
0x21: {  	p3 =	sne.s32 s11, s17;
	s21 =	simm.s32 @!p0 $0x0;
	_ =	swait.ge [sflag:s8], $0x8000  }
0x22: {  	p5 =	por !p4, !p3;
	p4 =	por $0x0, $0x0;
	[sflag:s8] =	ssyncset.done $0x0  }
0x23: {  	s13 =	simm.s32 $0x0;
	p6 =	por p4, p6;
	[sflag:s8] =	ssyncadd.s32 $0xFFFF8000  }
0x24: {  	s16 =	simm.s32 $0x0;
	s19 =	simm.s32 $0x0;
	_ =	strace $0x90000051  }
.LBB2_2:
0x25: {  	_ =	strace @p6 $0x80000052;
	s13 =	sadd.s32 s21, s13;
	s21 =	smov.u32 s12  }
0x26: {  	s12 =	smov.u32 s18;
	s18 =	sadd.s32 $0xFFFFFFFF, s18;
	p0 =	por p3, p3  }
0x27: {  	s28 =	sshll.u32 @p6 s23, $0xC;
	s20 =	sadd.s32 @p6 $0x3, s20;
	s24 =	simm.s32 @!p0 $0x0  }
0x28: {  	s25 =	rddreg [dreg:$0x5];
	s28 =	sand.u32 @p6 $0x1FFFF000, s28;
	s24 =	simm.s32 @p0 $0x1  }
0x29: {  	s25 =	sadd.s32 @p6 s25, s28;
	s28 =	simm.s32 @p6 $0x0;
	p0 =	sne.s32 s18, $0x0  }
0x2a: {  	[hbm4b:s25+s28] =	stream.linear.scatter @p6 [tilespmem:s22], [sflag:s20], $0x8000, $0x200038;
	[tilespmem:$0x10200] =	vst v63  }
0x2b: {  	s20 =	sadd.s32 @!p1 $0x3, s15;
	s15 =	simm.s32 @!p0 $0x0  }
0x2c: {  	s26 =	simm.s32 $0x1;
	[smem:$0x7FC] =	sst s24;
	s15 =	simm.s32 @p0 $0x1  }
0x2d: {  	s26 =	simm.s32 @!p6 $0x0;
	_ =	strace @p6 $0x90000052;
	[smem:$0x7FD] =	sst s15  }
0x2e: {  	p5 =	por !p5, !p5;
	s19 =	sadd.s32 s26, s19;
	_ =	strace @!p1 $0x80000053  }
0x2f: {  	s24 =	sand.u32 @!p2 $0x1, s13;
	s22 =	sand.u32 @p5 $0x1, s14;
	_ =	swait.ge @!p1 [sflag:s20], $0x8000  }
0x30: {  	s15 =	smov.u32 s24;
	s24 =	sadd.s32 @p5 s4, s17;
	[sflag:s20] =	ssyncset.done @!p1 $0x0  }
0x31: {  	s25 =	sshll.u32 @p5 s22, $0x8;
	s24 =	sshll.u32 @p5 s24, $0x5;
	[sflag:s20] =	ssyncadd.s32 @!p1 $0xFFFF8000  }
0x32: {  	s20 =	sadd.s32 @p5 $0x1, s22;
	s22 =	sand.u32 @p5 $0x1FFFFFE0, s24;
	_ =	strace @!p1 $0x90000053  }
0x33: {  	s24 =	simm.s32 @p5 $0x0;
	s22 =	sadd.s32 @p5 s1, s22;
	_ =	strace @p5 $0x8000004F  }
0x34: {  	[tilespmem:s25], [sflag:s20] =	stream.linear.gather @p5 [hbm4b:s22+s24], $0x100, $0x200038;
	[tilespmem:$0x10200] =	vst v63  }
0x35: {  	s16 =	sadd.s32 s26, s16;
	s26 =	sand.u32 $0x1, s19;
	_ =	strace @p5 $0x9000004F  }
0x36: {  	s24 =	sadd.s32 $0x1, s26;
	_ =	strace $0x80000050  }
0x37: {  	_ =	swait.ge [sflag:s24], $0x100  }
0x38: {  	[sflag:s24] =	ssyncset.done $0x0  }
0x39: {  	s20 =	simm.s32 $0x1;
	[sflag:s24] =	ssyncadd.s32 $0xFFFFFF00  }
0x3a: {  	s20 =	simm.s32 @!p5 $0x0;
	_ =	strace $0x90000050  }
0x3b: {  	s14 =	sadd.s32 s20, s14;
	s20 =	sand.u32 $0x1, s16;
	_ =	strace $0x80000051  }
0x3c: {  	s29 =	sshll.u32 s19, $0x8;
	s25 =	sshll.u32 s20, $0xF;
	s26 =	rddreg [dreg:$0x4]  }
0x3d: {  	s29 =	sand.u32 $0x100, s29;
	s22 =	sor.u32 $0x200, s25;
	s30 =	rddreg [dreg:$0x3]  }
0x3e: {  	[tilespmem:s22], [sflag:$0x5] =	stream.indirect.gather [hbm4b:s30+s26], $0x80, s29, s26, $0x2000b8;
	[tilespmem:$0x10200] =	vst v63  }
0x3f: {  	_ =	swait.ge [sflag:s8], $0x8000  }
0x40: {  	s31 =	sadd.s32 $0x1, s17;
	[sflag:s8] =	ssyncset.done $0x0  }
0x41: {  	s23 =	sadd.s32 s4, s11;
	s11 =	smov.u32 s17;
	[sflag:s8] =	ssyncadd.s32 $0xFFFF8000  }
0x42: {  	p3 =	seq.s32 s31, $0x40;
	s17 =	smov.u32 s31;
	_ =	strace $0x90000051  }
0x43: {  	s17 =	simm.s32 @p3 $0x0;
	s31 =	sld [smem:$0x7FD]  }
0x44: {  	p6 =	sne.s32 s12, $0x1;
	p0 =	sne.s32 s21, $0x40;
	p3 =	sne.s32 s11, s17  }
0x45: {  	p5 =	por !p6, !p3;
	p6 =	seq.s32 s21, $0x1;
	s21 =	simm.s32 $0x1  }
0x46: {  	s21 =	simm.s32 @!p0 $0x0;
	p0 =	seq.s32 s31, $0x1  }
.Ltmp0:
0x47: {  	s30 =	sld [smem:$0x7FC];
	(pc) =	sbr.rel @p0 .LBB2_2-.Ltmp0, $4  }
0x48: {  	_ = 	snop  }
0x49: {  	p4 =	seq.s32 s12, $0x40  }
0x4a: {  	p1 =	por p2, p2;
	p2 =	por p4, p4;
	p4 =	seq.s32 s30, $0x1  }
0x4b: {  	p6 =	por p6, p4  }
0x4c: {  	_ =	strace @p6 $0x80000052;
	s23 =	sshll.u32 @p6 s23, $0xC  }
0x4d: {  	s18 =	rddreg [dreg:$0x5];
	s23 =	sand.u32 @p6 $0x1FFFF000, s23  }
0x4e: {  	s20 =	sadd.s32 @p6 $0x3, s20;
	s18 =	sadd.s32 @p6 s18, s23;
	s23 =	simm.s32 @p6 $0x0  }
0x4f: {  	[hbm4b:s18+s23] =	stream.linear.scatter @p6 [tilespmem:s22], [sflag:s20], $0x8000, $0x200038;
	[tilespmem:$0x10200] =	vst v63  }
0x50: {  	p0 =	por !p5, !p5;
	_ =	strace @p6 $0x90000052  }
0x51: {  	s15 =	sadd.s32 @!p1 $0x3, s15;
	s17 =	sadd.s32 @p0 s4, s17;
	_ =	strace @!p1 $0x80000053  }
0x52: {  	s14 =	sand.u32 @p0 $0x1, s14;
	s17 =	sshll.u32 @p0 s17, $0x5;
	_ =	swait.ge @!p1 [sflag:s15], $0x8000  }
0x53: {  	s18 =	simm.s32 $0x1;
	s20 =	sshll.u32 @p0 s14, $0x8;
	[sflag:s15] =	ssyncset.done @!p1 $0x0  }
0x54: {  	s14 =	sadd.s32 @p0 $0x1, s14;
	s18 =	simm.s32 @!p6 $0x0;
	[sflag:s15] =	ssyncadd.s32 @!p1 $0xFFFF8000  }
0x55: {  	s19 =	sadd.s32 s18, s19;
	s15 =	sand.u32 @p0 $0x1FFFFFE0, s17;
	_ =	strace @!p1 $0x90000053  }
0x56: {  	s17 =	simm.s32 @p0 $0x0;
	s15 =	sadd.s32 @p0 s1, s15;
	_ =	strace @p0 $0x8000004F  }
0x57: {  	[tilespmem:s20], [sflag:s14] =	stream.linear.gather @p0 [hbm4b:s15+s17], $0x100, $0x200038;
	[tilespmem:$0x10200] =	vst v63  }
0x58: {  	s25 =	sand.u32 $0x1, s19;
	_ =	strace @p0 $0x9000004F  }
0x59: {  	s14 =	sadd.s32 $0x1, s25;
	_ =	strace $0x80000050  }
0x5a: {  	_ =	swait.ge [sflag:s14], $0x100  }
0x5b: {  	[sflag:s14] =	ssyncset.done $0x0  }
0x5c: {  	[sflag:s14] =	ssyncadd.s32 $0xFFFFFF00  }
0x5d: {  	s26 =	sadd.s32 s18, s16;
	_ =	strace $0x90000050  }
0x5e: {  	s14 =	sand.u32 $0x1, s26;
	_ =	strace $0x80000051  }
0x5f: {  	s30 =	sshll.u32 s19, $0x8;
	s31 =	sshll.u32 s14, $0xF;
	s28 =	rddreg [dreg:$0x4]  }
0x60: {  	s17 =	sand.u32 $0x100, s30;
	s18 =	sor.u32 $0x200, s31;
	s29 =	rddreg [dreg:$0x3]  }
0x61: {  	[tilespmem:s18], [sflag:$0x5] =	stream.indirect.gather [hbm4b:s29+s28], $0x80, s17, s28, $0x2000b8;
	[tilespmem:$0x10200] =	vst v63  }
0x62: {  	_ =	swait.ge [sflag:s8], $0x8000  }
0x63: {  	[sflag:s8] =	ssyncset.done $0x0  }
0x64: {  	p5 =	por p3, p3;
	p6 =	seq.s32 s12, $0x1;
	[sflag:s8] =	ssyncadd.s32 $0xFFFF8000  }
0x65: {  	s11 =	sadd.s32 s4, s11;
	p0 =	por p6, p5;
	_ =	strace $0x90000051  }
0x66: {  	s11 =	sshll.u32 @p0 s11, $0xC;
	_ =	strace @p0 $0x80000052  }
0x67: {  	s13 =	sadd.s32 s21, s13;
	s11 =	sand.u32 @p0 $0x1FFFF000, s11;
	s12 =	rddreg [dreg:$0x5]  }
0x68: {  	s14 =	sadd.s32 @p0 $0x3, s14;
	s11 =	sadd.s32 @p0 s12, s11;
	s12 =	simm.s32 @p0 $0x0  }
0x69: {  	[hbm4b:s11+s12] =	stream.linear.scatter @p0 [tilespmem:s18], [sflag:s14], $0x8000, $0x200038;
	[tilespmem:$0x10200] =	vst v63  }
0x6a: {  	p1 =	por p2, p2;
	s11 =	sand.u32 @!p2 $0x1, s13;
	_ =	strace @p0 $0x90000052  }
0x6b: {  	s11 =	sadd.s32 @!p1 $0x3, s11;
	_ =	strace @!p1 $0x80000053  }
0x6c: {  	_ =	swait.ge @!p1 [sflag:s11], $0x8000  }
0x6d: {  	[sflag:s11] =	ssyncset.done @!p1 $0x0  }
0x6e: {  	s10 =	sadd.s32 $0x1, s10;
	[sflag:s11] =	ssyncadd.s32 @!p1 $0xFFFF8000  }
0x6f: {  	p0 =	sne.s32 s10, s6;
	_ =	strace @!p1 $0x90000053  }
.Ltmp1:
0x70: {  	_ =	strace $0x80000054;
	(pc) =	sbr.rel @p0 .LBB2_1-.Ltmp1, $4  }
0x71: {  	_ =	swait.ge [sflag:s9], $0x8000  }
0x72: {  	[sflag:s9] =	ssyncset.done $0x0  }
0x73: {  	[sflag:s9] =	ssyncadd.s32 $0xFFFF8000  }
0x74: {  	_ =	strace $0x90000054  }
0x75: {  	_ =	sfence.sel $0x180000  }
0x76: {  	[bflag:$0x0] =	sbarrier.arrive $0xFFFF  }
0x77: {  	p0 =	sne.s32 s3, $0x0;
	_ =	strace $0x9000004D  }
0x78: {  	s0 =	sadd.s32 @!p0 $0x100000, s0;
	[bflag:$0x2] =	sbarrier.arrive $0xFFFF  }
0x79: {  	[sflag:s0] =	ssyncadd.tile.s32 @!p0 $0x1;
	_ =	shalt  }
.Lfunc_end2:
_tile_overlayer_lowered:
.L_overlay_start_2:
0x7a: {  	(tag) =	ssettag $0x2  }
0x7b: {  	s0 =	rddreg [dreg:$0x0];
	s2 =	stileid.u32  }
0x7c: {  	s1 =	rddreg [dreg:$0x1];
	p0 =	sne.s32 s2, $0x0  }
0x7d: {  	s3 =	rddreg [dreg:$0x2];
	[bflag:$0x3] =	sbarrier.arrive $0xFFFF;
	s2 =	simm.s32 @!p0 $0x1C01  }
0x7e: {  	[timem:s3], [sflag:s2] =	dma.local @!p0 [hbm:s0], s1  }
0x7f: {  	s0 =	simm.s32 @!p0 $0x1  }
0x80: {  	_ =	swait.ge @!p0 [sflag:s0], s1  }
0x81: {  	s1 =	ssub.s32 @!p0 $0x0, s1;
	[sflag:s0] =	ssyncset.done @!p0 $0x0  }
0x82: {  	[sflag:s0] =	ssyncadd.s32 @!p0 s1  }
0x83: {  	[bflag:$0x3] =	sbarrier.arrive $0xFFFF  }
0x84: {  	_ =	shalt  }

// kernel: kernel.7.cloned.1.call-start
scs
__scs_entry_jumppad:
0x0: {  	(pc) =	sbr.rel $0x88, $3  }
0x1: {  	(tag) =	ssettag $0x0;
	lr =	simm.s32 $0x1  }
0x2: {  	[smem:$0x3F9C] =	sst lr;
	_ =	strace $0xD0000000  }
0x3: {  	_ = 	snop  }
0x4: {  	_ = 	snop  }
0x5: {  	_ = 	snop  }
0x6: {  	_ = 	snop  }
0x7: {  	_ = 	snop  }
__scs_overlays_trampoline_lowered:
0x8: {  	[smem:$0x3FAB] =	sst s0  }
0x9: {  	[smem:$0x3FAC] =	sst s1  }
0xa: {  	[smem:$0x3FAD] =	sst s2  }
0xb: {  	[smem:$0x3FAE] =	sst s3  }
0xc: {  	[smem:$0x3FAF] =	sst s4  }
0xd: {  	[smem:$0x3FB0] =	sst s5  }
0xe: {  	[smem:$0x3FB1] =	sst s6  }
0xf: {  	[smem:$0x3FB2] =	sst s7  }
0x10: {  	[smem:$0x3FB3] =	sst s8  }
0x11: {  	[smem:$0x3FB4] =	sst s9;
	s0 =	simm.s32 @!p0 $0x0  }
0x12: {  	s1 =	sld [smem:$0x3F9A];
	s0 =	simm.s32 @p0 $0x1  }
0x13: {  	[smem:$0x3FB5] =	sst s0;
	s0 =	simm.s32 @!p1 $0x0  }
0x14: {  	s2 =	sld [smem:$0x3F99];
	s0 =	simm.s32 @p1 $0x1  }
0x15: {  	[smem:$0x3FB6] =	sst s0;
	s0 =	simm.s32 @!p2 $0x0  }
0x16: {  	s3 =	sld [smem:$0x3FDB];
	s0 =	simm.s32 @p2 $0x1  }
0x17: {  	s4 =	simm.s32 $0x1BF5;
	[smem:$0x3FB8] =	sst s0  }
0x18: {  	s0 =	sld [smem:$0x3F9B];
	_ =	swait.ge [sflag:s4], $0x0  }
0x19: {  	s7 =	sld [smem:$0x3F9C]  }
0x1a: {  	s8 =	sadd.s32 $0xFFFFE003, lr  }
0x1b: {  	s9 =	sadd.s32 $0xFFFFFEF7, lr;
	s5 =	simm.s32 $0xFFFFFFFF;
	p2 =	slt.u32 s8, $0xFFFFF086  }
0x1c: {  	p1 =	slt.u32 s9, $0xF7A;
	s5 =	simm.s32 @!p2 $0x0  }
0x1d: {  	s5 =	simm.s32 @p1 $0x1;
	p0 =	seq.s32 s7, s2  }
0x1e: {  	s7 =	smul.u32 @!p0 $0xF7A, s2;
	p2 =	seq.s32 @!p0 s5, $0x0  }
0x1f: {  	s9 =	smul.u32 $0xF7A, s1;
	s8 =	simm.s32 @!p0 $0x1BF5;
	p2 =	por !p2, p0  }
0x20: {  	[sflag:s8] =	ssyncset.s32 @!p0 $0xFFFFF086;
	s6 =	sadd.s32 @!p0 s3, s7;
	s7 =	simm.s32 @!p0 $0x108  }
0x21: {  	s3 =	sadd.s32 s3, s9;
	s6 =	sadd.s32 @!p0 $0x88, s6;
	s7 =	simm.s32 @p2 $0x1082  }
0x22: {  	[simem:s7], [sflag:s8] =	dma.local @!p0 [hbm:s6], $0xF7A  }
0x23: {  	s9 =	sor.u32 $0xD0000000, s2;
	s6 =	simm.s32 $0x108;
	_ =	swait.ge @!p0 [sflag:s8], $0x0  }
0x24: {  	s3 =	sadd.s32 $0x88, s3;
	s6 =	simm.s32 @!p1 $0x1082;
	[sflag:s4] =	ssyncset.s32 $0xFFFFF086  }
0x25: {  	[simem:s6], [sflag:s4] =	dma.local [hbm:s3], $0xF7A  }
0x26: {  	[smem:$0x3F9C] =	sst s1;
	(tag) =	ssettag s2;
	_ =	strace s9  }
0x27: {  	s1 =	sld [smem:$0x3FAC]  }
0x28: {  	s2 =	sld [smem:$0x3FAD]  }
0x29: {  	s4 =	sld [smem:$0x3FAF]  }
0x2a: {  	p0 =	seq.s32 s5, $0x0;
	s5 =	sld [smem:$0x3FB0]  }
0x2b: {  	s6 =	sld [smem:$0x3FB1]  }
0x2c: {  	s7 =	sld [smem:$0x3FB2]  }
0x2d: {  	s3 =	simm.s32 $0x108;
	s8 =	sld [smem:$0x3FB3]  }
0x2e: {  	s3 =	simm.s32 @!p0 $0x1082;
	s9 =	sld [smem:$0x3FB4]  }
0x2f: {  	lr =	sadd.s32 s0, s3;
	s0 =	sld [smem:$0x3FAB]  }
0x30: {  	s3 =	sld [smem:$0x3FAE]  }
0x31: {  	[smem:$0x3FB7] =	sst s10  }
0x32: {  	s10 =	sld [smem:$0x3FB5];
	_ =	sdelay $0x3  }
0x33: {  	p0 =	seq.s32 s10, $0x1;
	s10 =	sld [smem:$0x3FB7];
	_ =	sdelay $0x3  }
0x34: {  	[smem:$0x3FB7] =	sst s10  }
0x35: {  	s10 =	sld [smem:$0x3FB6];
	_ =	sdelay $0x3  }
0x36: {  	p1 =	seq.s32 s10, $0x1;
	s10 =	sld [smem:$0x3FB7];
	_ =	sdelay $0x3  }
0x37: {  	[smem:$0x3FB7] =	sst s10  }
0x38: {  	s10 =	sld [smem:$0x3FB8]  }
0x39: {  	_ = 	snop;
	(pc) =	sbr.ind lr, $3  }
0x3a: {  	_ = 	snop  }
0x3b: {  	_ = 	snop  }
0x3c: {  	p2 =	seq.s32 s10, $0x1;
	s10 =	sld [smem:$0x3FB7]  }
0x3d: {  	_ =	shalt  }
0x3e: {  	_ =	shalt  }
0x3f: {  	_ =	shalt  }
0x40: {  	_ =	shalt  }
0x41: {  	_ =	shalt  }
0x42: {  	_ =	shalt  }
0x43: {  	_ =	shalt  }
0x44: {  	_ =	shalt  }
0x45: {  	_ =	shalt  }
0x46: {  	_ =	shalt  }
0x47: {  	_ =	shalt  }
0x48: {  	_ =	shalt  }
0x49: {  	_ =	shalt  }
0x4a: {  	_ =	shalt  }
0x4b: {  	_ =	shalt  }
0x4c: {  	_ =	shalt  }
0x4d: {  	_ =	shalt  }
0x4e: {  	_ =	shalt  }
0x4f: {  	_ =	shalt  }
0x50: {  	_ =	shalt  }
0x51: {  	_ =	shalt  }
0x52: {  	_ =	shalt  }
0x53: {  	_ =	shalt  }
0x54: {  	_ =	shalt  }
0x55: {  	_ =	shalt  }
0x56: {  	_ =	shalt  }
0x57: {  	_ =	shalt  }
0x58: {  	_ =	shalt  }
0x59: {  	_ =	shalt  }
0x5a: {  	_ =	shalt  }
0x5b: {  	_ =	shalt  }
0x5c: {  	_ =	shalt  }
0x5d: {  	_ =	shalt  }
0x5e: {  	_ =	shalt  }
0x5f: {  	_ =	shalt  }
0x60: {  	_ =	shalt  }
0x61: {  	_ =	shalt  }
0x62: {  	_ =	shalt  }
0x63: {  	_ =	shalt  }
0x64: {  	_ =	shalt  }
0x65: {  	_ =	shalt  }
0x66: {  	_ =	shalt  }
0x67: {  	_ =	shalt  }
0x68: {  	_ =	shalt  }
0x69: {  	_ =	shalt  }
0x6a: {  	_ =	shalt  }
0x6b: {  	_ =	shalt  }
0x6c: {  	_ =	shalt  }
0x6d: {  	_ =	shalt  }
0x6e: {  	_ =	shalt  }
0x6f: {  	_ =	shalt  }
0x70: {  	_ =	shalt  }
0x71: {  	_ =	shalt  }
0x72: {  	_ =	shalt  }
0x73: {  	_ =	shalt  }
0x74: {  	_ =	shalt  }
0x75: {  	_ =	shalt  }
0x76: {  	_ =	shalt  }
0x77: {  	_ =	shalt  }
0x78: {  	_ =	shalt  }
0x79: {  	_ =	shalt  }
0x7a: {  	_ =	shalt  }
0x7b: {  	_ =	shalt  }
0x7c: {  	_ =	shalt  }
0x7d: {  	_ =	shalt  }
0x7e: {  	_ =	shalt  }
0x7f: {  	_ =	shalt  }
0x80: {  	_ =	shalt  }
0x81: {  	_ =	shalt  }
0x82: {  	_ =	shalt  }
0x83: {  	_ =	shalt  }
0x84: {  	_ =	shalt  }
0x85: {  	_ =	shalt  }
0x86: {  	_ =	shalt  }
0x87: {  	_ =	shalt  }
.Lfunc_end0:
.L_simem_size_0:
called_computation.1_lowered:
.L_overlay_start_0:
0x88: {  	s2 =	sld [smem:$0x3FD9]  }
0x89: {  	s3 =	sld [smem:$0x3FFE];
	_ =	sdelay $0x1  }
0x8a: {  	s1 =	srdreg.scid  }
0x8b: {  	s0 =	sand.u32 $0x1, s1  }
0x8c: {  	s17 =	sshll.u32 s0, $0xA;
	s2 =	sadd.s32 s3, s2  }
0x8d: {  	s2 =	sadd.s32 s2, s17  }
0x8e: {  	[smem:$0x3FC3] =	sst s2  }
0x8f: {  	_ = 	snop  }
0x90: {  	s2 =	sld [smem:$0x3FD0];
	(tm) =	ssettm $0x1  }
0x91: {  	s18 =	sld [smem:$0x3FFB];
	_ =	sdelay $0x3  }
0x92: {  	_ =	strace s18  }
0x93: {  	s3 =	sld [smem:$0x3FFC];
	_ =	sdelay $0x3  }
0x94: {  	_ =	strace s3  }
0x95: {  	s3 =	sld [smem:$0x3FFD];
	_ =	sdelay $0x3  }
0x96: {  	_ =	strace s3  }
0x97: {  	_ =	strace $0x8FFFFFFF  }
0x98: {  	s19 =	sld [smem:$0x3FDB];
	_ =	sdelay $0x1  }
0x99: {  	s4 =	simm.s32 $_scs_section_size  }
0x9a: {  	s5 =	simm.s32 $_size__tile_overlayer_lowered;
	s6 =	simm.s32 $_tile_overlayer_lowered  }
0x9b: {  	s22 =	simm.s32 $0x1BFF;
	s21 =	sshll.u32 s6, $0x1;
	s3 =	sadd.s32 s4, s19  }
0x9c: {  	s7 =	simm.s32 $0x0;
	s20 =	sshll.u32 s5, $0x1;
	s5 =	sadd.s32 s21, s3  }
0x9d: {  	[timem:s7], [sflag:s22] =	dma.local [hbm:s5], s20  }
0x9e: {  	_ =	swait.ge [sflag:s22], s20  }
0x9f: {  	s4 =	ssub.s32 $0x0, s20;
	[sflag:s22] =	ssyncset.done $0x0  }
0xa0: {  	[sflag:s22] =	ssyncadd.s32 s4;
	_ =	sdelay $0x1  }
0xa1: {  	s23 =	simm.s32 $0x1B8B  }
0xa2: {  	_ =	swait.ge [sflag:s23], $0x1  }
0xa3: {  	[sflag:s23] =	ssyncset.done $0x0  }
0xa4: {  	s25 =	simm.s32 $0x1B8E;
	s24 =	sld [smem:$0x3FFE];
	[sflag:s23] =	ssyncadd.s32 $0xFFFFFFFF  }
0xa5: {  	s26 =	simm.s32 $execute0_lowered;
	[smem:$0x3FD2] =	sst s25  }
0xa6: {  	s5 =	sshll.u32 s26, $0x1;
	_ =	strace $0x80000049;
	[dreg:$0x1] =	wrdreg $0xFFFFFFFF  }
0xa7: {  	s28 =	simm.s32 $_size_execute0_lowered;
	s3 =	sadd.s32 s3, s5;
	[dreg:$0x0] =	wrdreg $0x0  }
0xa8: {  	s5 =	sshll.u32 s28, $0x1;
	[dreg:$0x2] =	wrdreg s3  }
0xa9: {  	[dreg:$0x3] =	wrdreg s5  }
0xaa: {  	[dreg:$0x4] =	wrdreg $0xC0  }
0xab: {  	_ =	task [dreg:s7], $0x5FFFF  }
0xac: {  	[dreg:$0x1] =	wrdreg $0xFFFFFFFF  }
0xad: {  	[dreg:$0x0] =	wrdreg $0x60  }
0xae: {  	[dreg:$0x2] =	wrdreg s24  }
0xaf: {  	[dreg:$0x3] =	wrdreg s2  }
0xb0: {  	[dreg:$0x4] =	wrdreg $0x9  }
0xb1: {  	_ =	task.clear_ibuf [dreg:s7], $0x5FFFF;
	_ =	strace $0x90000049  }
0xb2: {  	s29 =	simm.s32 $0x9;
	_ =	strace $0x8000004B  }
0xb3: {  	_ =	swait.ge [sflag:s29], $0x1  }
0xb4: {  	[sflag:s29] =	ssyncadd.s32 $0xFFFFFFFF  }
0xb5: {  	_ =	strace $0x9000004B  }
0xb6: {  	_ =	sfence  }
0xb7: {  	s30 =	sld [smem:$0x0];
	_ =	sdelay $0x2  }
0xb8: {  	s31 =	sshll.u32 s1, $0xD;
	s1 =	sshrl.u32 s1, $0x2  }
0xb9: {  	s3 =	sand.u32 $0x4000, s31;
	s1 =	sadd.s32 s1, s30  }
0xba: {  	s0 =	sor.u32 s3, s0;
	s1 =	sshll.u32 s1, $0x11  }
0xbb: {  	s0 =	sor.u32 s1, s0  }
0xbc: {  	s0 =	sadd.s32 $0x8F2B, s0  }
0xbd: {  	[sflag:s0] =	ssyncadd.remote.s32 $0x1  }
0xbe: {  	_ =	sfence.sel $0xFFFF  }
0xbf: {  	[dreg:$0x0] =	wrdreg $0xFFFFFFFF;
	(pc) =	sbr.abs _section_cstart, $3  }
0xc0: {  	[dreg:$0x1] =	wrdreg $0xFFFFFFFF  }
0xc1: {  	_ =	task.clear_ibuf [dreg:s7], $0x2FFFF;
	_ =	strace $0x9FFFFFFF  }
0xc2: {  	(tm) =	ssettm $0x7FFFFFFF  }
0xc3: {  	_ =	shalt  }
tec
execute0_lowered:
.L_overlay_start_1:
0x0: {  	(tag) =	ssettag $0x1  }
0x1: {  	s0 =	rddreg [dreg:$0x0]  }
0x2: {  	s2 =	rddreg [dreg:$0x1];
	s1 =	simm.s32 $0x0  }
0x3: {  	s5 =	srdreg.scid;
	s9 =	stileid.u32;
	s16 =	simm.s32 $0x3  }
0x4: {  	s18 =	simm.s32 $0x80;
	s25 =	simm.s32 $0x200;
	s14 =	simm.s32 $0x3C00  }
0x5: {  	s17 =	simm.s32 $0x1;
	s19 =	simm.s32 $0x4600;
	s20 =	simm.s32 $0x4  }
0x6: {  	s21 =	simm.s32 $0x2;
	[smem:$0x7FF] =	sst s1;
	s3 =	sadd.s32 $0x403000, s0  }
0x7: {  	s4 =	sadd.s32 $0x803000, s0;
	s6 =	sand.u32 $0x1, s5;
	s5 =	sadd.s32 $0x813000, s0  }
0x8: {  	s8 =	sshll.u32 s9, $0x1;
	s0 =	sadd.s32 $0x2800, s0;
	s10 =	sshrl.u32 s9, $0x1  }
0x9: {  	_ =	strace $0x8000004A;
	s7 =	ssub.s32 $0x2, s6;
	s6 =	sor.u32 s6, s8  }
0xa: {  	[dreg:$0x3] =	wrdreg s0;
	s30 =	sshrl.u32 s7, $0x1;
	s8 =	sshll.u32 s6, $0xB  }
0xb: {  	s31 =	sshll.u32 s6, $0xA;
	s0 =	ssub.s32 s7, s30;
	s8 =	sadd.s32 s4, s8  }
0xc: {  	s7 =	sshll.u32 s6, $0x9;
	s6 =	sshll.u32 s6, $0xC;
	[dreg:$0x4] =	wrdreg s8  }
0xd: {  	s8 =	sadd.s32 s5, s31;
	s11 =	sadd.s32 s2, s6;
	s12 =	sor.u32 $0x20, s7  }
0xe: {  	s0 =	smax.u32 s0, $0x1;
	s2 =	simm.s32 $0x380;
	[dreg:$0x5] =	wrdreg s8  }
0xf: {  	v0 =	vimm.f32 $0.0e+00;
	v1 =	vlaneseq.u32;
	[dreg:$0x6] =	wrdreg s0;
	s0 =	simm.s32 $0x3400;
	s8 =	simm.s32 $0x0  }
.LBB2_1:
0x10: {  	[dreg:$0x7] =	wrdreg s8  }
0x11: {  	s6 =	rddreg [dreg:$0x3];
	s9 =	simm.s32 $0x4A00;
	s13 =	simm.s32 $0x5  }
0x12: {  	[tilespmem:s9], [sflag:$0x5] =	stream.linear.gather [hbm4b:s6+s1], $0x1, $0x38;
	[tilespmem:$0x4A10] =	vst v63  }
0x13: {  	_ =	swait.ge [sflag:s13], $0x1  }
0x14: {  	[sflag:s13] =	ssyncset.done $0x0  }
0x15: {  	s15 =	rddreg [dreg:$0x4];
	[sflag:s13] =	ssyncadd.s32 $0xFFFFFFFF  }
0x16: {  	v2 =	vld.msk [tilespmem:$0x4A00 ss:$0x0], $0xffff;
	[tilespmem:s1], [sflag:$0x3] =	stream.linear.gather [hbm4b:s15+s1], $0x200, $0x38  }
0x17: {  	_ =	swait.ge [sflag:s16], $0x200  }
0x18: {  	[sflag:s16] =	ssyncset.done $0x0  }
0x19: {  	s23 =	simm.s32 $0x4400;
	s22 =	rddreg [dreg:$0x5];
	[sflag:s16] =	ssyncadd.s32 $0xFFFFFE00  }
0x1a: {  	[tilespmem:s23], [sflag:$0x3] =	stream.linear.gather [hbm4b:s22+s1], $0x100, $0x38;
	[tilespmem:$0x4A10] =	vst v63  }
0x1b: {  	_ =	swait.ge [sflag:s16], $0x100  }
0x1c: {  	[sflag:s16] =	ssyncset.done $0x0  }
0x1d: {  	s24 =	simm.s32 $0x400;
	[sflag:s16] =	ssyncadd.s32 $0xFFFFFF00  }
0x1e: {  	[tilespmem:s24], [sflag:$0x1] =	stream.indirect.gather [hbm4b:s3+s18], $0x10, s1, s18, $0xb8;
	[tilespmem:$0x4A10] =	vst v63  }
0x1f: {  	s26 =	simm.s32 $0xC00  }
0x20: {  	[tilespmem:s26], [sflag:$0x1] =	stream.indirect.gather [hbm4b:s3+s18], $0x10, s18, s18, $0xb8;
	[tilespmem:$0x4A10] =	vst v63  }
0x21: {  	s28 =	simm.s32 $0x100;
	s29 =	simm.s32 $0x1400  }
0x22: {  	[tilespmem:s29], [sflag:$0x1] =	stream.indirect.gather [hbm4b:s3+s18], $0x10, s28, s18, $0xb8;
	[tilespmem:$0x4A10] =	vst v63  }
0x23: {  	s30 =	simm.s32 $0x180;
	s31 =	simm.s32 $0x1C00;
	s23 =	simm.s32 $0x0  }
0x24: {  	[tilespmem:s31], [sflag:$0x1] =	stream.indirect.gather [hbm4b:s3+s18], $0x10, s30, s18, $0xb8;
	[tilespmem:$0x4A10] =	vst v63  }
.LBB2_2:
0x25: {  	s24 =	sshllo.u32 s23, $0x1  }
0x26: {  	s6 =	sshll.u32 s24, $0x4  }
0x27: {  	s6 =	sadd.s32 s7, s6  }
0x28: {  	s8 =	sshll.u32 s6, $0x2  }
0x29: {  	s8 =	sand.u32 $0x1FFFFFC0, s8  }
0x2a: {  	s9 =	sadd.s32 s4, s8;
	s8 =	simm.s32 $0x0  }
0x2b: {  	[tilespmem:s25], [sflag:$0x3] =	stream.linear.gather [hbm4b:s9+s8], $0x200, $0x38;
	[tilespmem:$0x4A10] =	vst v63  }
0x2c: {  	s26 =	sshll.u32 s6, $0x1;
	_ =	swait.ge [sflag:s16], $0x200  }
0x2d: {  	s9 =	sand.u32 $0x1FFFFFE0, s26;
	[sflag:s16] =	ssyncset.done $0x0  }
0x2e: {  	s13 =	simm.s32 $0x4500;
	s9 =	sadd.s32 s5, s9;
	[sflag:s16] =	ssyncadd.s32 $0xFFFFFE00  }
0x2f: {  	[tilespmem:s13], [sflag:$0x3] =	stream.linear.gather [hbm4b:s9+s8], $0x100, $0x38;
	[tilespmem:$0x4A10] =	vst v63  }
0x30: {  	_ =	swait.ge [sflag:s16], $0x100  }
0x31: {  	[sflag:s16] =	ssyncset.done $0x0  }
0x32: {  	s28 =	simm.s32 $0x2400;
	[sflag:s16] =	ssyncadd.s32 $0xFFFFFF00  }
0x33: {  	[tilespmem:s28], [sflag:$0x2] =	stream.indirect.gather [hbm4b:s3+s18], $0x10, s25, s18, $0xb8;
	[tilespmem:$0x4A10] =	vst v63  }
0x34: {  	s29 =	simm.s32 $0x280;
	s30 =	simm.s32 $0x2C00  }
0x35: {  	[tilespmem:s30], [sflag:$0x2] =	stream.indirect.gather [hbm4b:s3+s18], $0x10, s29, s18, $0xb8;
	[tilespmem:$0x4A10] =	vst v63  }
0x36: {  	s31 =	simm.s32 $0x300  }
0x37: {  	[tilespmem:s0], [sflag:$0x2] =	stream.indirect.gather [hbm4b:s3+s18], $0x10, s31, s18, $0xb8;
	[tilespmem:$0x4A10] =	vst v63  }
0x38: {  	_ = 	snop  }
0x39: {  	[tilespmem:s14], [sflag:$0x2] =	stream.indirect.gather [hbm4b:s3+s18], $0x10, s2, s18, $0xb8;
	[tilespmem:$0x4A10] =	vst v63  }
0x3a: {  	_ =	swait.ge [sflag:s17], $0x800  }
0x3b: {  	[sflag:s17] =	ssyncset.done $0x0  }
0x3c: {  	[sflag:s17] =	ssyncadd.s32 $0xFFFFF800  }
0x3d: {  	_ =	swait.ge [sflag:s17], $0x800  }
0x3e: {  	[sflag:s17] =	ssyncset.done $0x0  }
0x3f: {  	[sflag:s17] =	ssyncadd.s32 $0xFFFFF800  }
0x40: {  	_ =	swait.ge [sflag:s17], $0x800  }
0x41: {  	[sflag:s17] =	ssyncset.done $0x0  }
0x42: {  	[sflag:s17] =	ssyncadd.s32 $0xFFFFF800  }
0x43: {  	_ =	swait.ge [sflag:s17], $0x800  }
0x44: {  	s9 =	sshll.u32 s23, $0x5;
	[sflag:s17] =	ssyncset.done $0x0  }
0x45: {  	s15 =	simm.s32 $0x400;
	s13 =	sadd.s32 s9, s7;
	[sflag:s17] =	ssyncadd.s32 $0xFFFFF800  }
.LBB2_3:
0x46: {  	v3 =	vmov s15;
	_ =	sdelay $0x1  }
0x47: {  	s22 =	sshll.u32 s8, $0x4  }
0x48: {  	s22 =	sand.u32 $0x3FFFFFF0, s22  }
0x49: {  	s29 =	simm.s32 $0x0;
	v4 =	vld [tilespmem:s22+$0x4400]  }
0x4a: {  	v5 =	vld.idx.msk [tilespmem:v3+s29+$0x0 ss:$0x1], $0xffff;
	_ =	sdelay $0x4  }
0x4b: {  	vm0 =	vle.f32 v5, v4  }
0x4c: {  	v6 =	vsel vm0, $0x3F800000, v0  }
0x4d: {  	(xrf0) =	vmax.scan.msk.f32 $0xffff, v6;
	_ =	sdelay $0x5  }
0x4e: {  	v6, _, _ =	vpop (xrf0)  }
0x4f: {  	(v2sf) =	vpush v6, $0xF;
	_ =	sdelay $0xe  }
0x50: {  	s30 =	spop (v2sf)  }
0x51: {  	p0 =	sgt.f32 s30, $0.0e+00;
	_ =	sdelay $0x1  }
0x52: {  	vm0 =	vle.f32 @p0 v5, v4  }
0x53: {  	s31 =	simm.s32 $0x10;
	v5 =	vsel @p0 vm0, v5, v2  }
0x54: {  	v6 =	vld.idx.msk [tilespmem:v3+s31+$0x0 ss:$0x1], $0xffff;
	(xrf1) =	vsort.ascd.msk.f32 @p0 $0xffff, v5, v5;
	_ =	sdelay $0x4  }
0x55: {  	vm15 =	vle.f32 v6, v4  }
0x56: {  	v5 =	vsel vm15, $0x3F800000, v0  }
0x57: {  	(xrf0) =	vmax.scan.msk.f32 $0xffff, v5;
	_ =	sdelay $0x1  }
0x58: {  	v5 =	vlaneseq.u32 @p0  }
0x59: {  	v5 =	vmul.u32 @p0 $0xFFFFFFFF, v5;
	_ =	sdelay $0x2  }
0x5a: {  	v7, _, _ =	vpop (xrf0)  }
0x5b: {  	v8 =	vadd.s32 @p0 $0xF, v5;
	v5, _, _ =	vpop @p0 (xrf1)  }
0x5c: {  	(v2sf) =	vpush v7, $0xF;
	v5 =	vperm.xlane @p0 v5, v8;
	_ =	sdelay $0x1  }
0x5d: {  	p1 =	por p0, p0;
	v5 =	vmin.f32 @p0 v2, v5  }
0x5e: {  	(xrf1) =	vsort.ascd.msk.f32 @p1 $0xffff, v5, v5;
	_ =	sdelay $0xb  }
0x5f: {  	s26 =	spop (v2sf)  }
0x60: {  	p2 =	sgt.f32 s26, $0.0e+00  }
0x61: {  	s22 =	simm.s32 $0x80;
	v7 =	vmov v2;
	v5 =	vmov v2;
	v9, _, _ =	vpop @p0 (xrf1)  }
.LBB2_4:
0x62: {  	p4 =	por p0, p0;
	p0 =	por p2, p2  }
0x63: {  	s26 =	sshra.s32 s22, $0x2;
	vm0 =	vle.f32 @p2 v6, v4;
	v8 =	vperm.xlane @p1 v9, v8  }
0x64: {  	s22 =	sadd.s32 $0x40, s22;
	v9 =	vsel @p2 vm0, v6, v2;
	v6 =	vld.idx.msk [tilespmem:v3+s26+$0x0 ss:$0x1], $0xffff  }
0x65: {  	p3 =	sne.s32 s22, $0x800;
	(xrf1) =	vsort.ascd.msk.f32 @p2 $0xffff, v9, v9;
	v9 =	vmin.f32 @p1 v5, v8;
	v8 =	vmax.f32 @p1 v5, v8  }
0x66: {  	(xrf1) =	vsort.ascd.msk.f32 @p1 $0xffff, v8, v8  }
0x67: {  	(xrf1) =	vsort.ascd.msk.f32 @p1 $0xffff, v9, v9;
	_ =	sdelay $0x2  }
0x68: {  	vm0 =	vle.f32 v6, v4  }
0x69: {  	v8 =	vsel vm0, $0x3F800000, v0  }
0x6a: {  	(xrf0) =	vmax.scan.msk.f32 $0xffff, v8;
	_ =	sdelay $0x3  }
0x6b: {  	v8 =	vlaneseq.u32 @p2  }
0x6c: {  	v8 =	vmul.u32 @p2 $0xFFFFFFFF, v8  }
0x6d: {  	v9, _, _ =	vpop (xrf0)  }
0x6e: {  	v8 =	vadd.s32 @p2 $0xF, v8;
	v10, _, _ =	vpop @p2 (xrf1)  }
0x6f: {  	(v2sf) =	vpush v9, $0xF;
	v9 =	vperm.xlane @p2 v10, v8;
	v10, _, _ =	vpop @p4 (xrf1)  }
0x70: {  	v7 =	vpsel p1, v10, v7;
	v10, _, _ =	vpop @p4 (xrf1)  }
0x71: {  	v9 =	vmin.f32 @p2 v7, v9;
	v5 =	vpsel p1, v10, v5;
	p1 =	por p2, p2  }
0x72: {  	(xrf1) =	vsort.ascd.msk.f32 @p1 $0xffff, v9, v9;
	_ =	sdelay $0x9  }
.Ltmp0:
0x73: {  	(pc) =	sbr.rel @p3 .LBB2_4-.Ltmp0, $4  }
0x74: {  	_ = 	snop  }
0x75: {  	s26 =	spop (v2sf)  }
0x76: {  	p2 =	sgt.f32 s26, $0.0e+00  }
0x77: {  	v9, _, _ =	vpop @p0 (xrf1)  }
0x78: {  	vm0 =	vle.f32 @p2 v6, v4;
	v3 =	vperm.xlane @p1 v9, v8  }
0x79: {  	v4 =	vsel @p2 vm0, v6, v2  }
0x7a: {  	(xrf1) =	vsort.ascd.msk.f32 @p2 $0xffff, v4, v4;
	v4 =	vmax.f32 @p1 v5, v3  }
0x7b: {  	(xrf1) =	vsort.ascd.msk.f32 @p1 $0xffff, v4, v4;
	_ =	sdelay $0x9  }
0x7c: {  	v4 =	vlaneseq.u32 @p2  }
0x7d: {  	v4 =	vmul.u32 @p2 $0xFFFFFFFF, v4;
	_ =	sdelay $0x1  }
0x7e: {  	v4 =	vadd.s32 @p2 $0xF, v4;
	v6, _, _ =	vpop @p2 (xrf1)  }
0x7f: {  	v6 =	vperm.xlane @p2 v6, v4;
	v8, _, _ =	vpop @p0 (xrf1)  }
0x80: {  	v3 =	vmin.f32 @p1 v5, v3;
	v7 =	vpsel p1, v8, v7  }
0x81: {  	p3 =	por p2, p2;
	(xrf1) =	vsort.ascd.msk.f32 @p1 $0xffff, v3, v3;
	v3 =	vmin.f32 @p2 v7, v6  }
0x82: {  	(xrf1) =	vsort.ascd.msk.f32 @p3 $0xffff, v3, v3;
	_ =	sdelay $0xc  }
0x83: {  	v3, _, _ =	vpop @p0 (xrf1)  }
0x84: {  	v6, _, _ =	vpop @p2 (xrf1)  }
0x85: {  	v8 =	vperm.xlane @p3 v6, v4  }
0x86: {  	v9 =	vpsel p1, v3, v5  }
0x87: {  	v3 =	vmax.f32 @p3 v9, v8  }
0x88: {  	(xrf1) =	vsort.ascd.msk.f32 @p3 $0xffff, v3, v3;
	_ =	sdelay $0xd  }
0x89: {  	v3, _, _ =	vpop @p2 (xrf1)  }
0x8a: {  	v3 =	vpsel p3, v3, v7  }
0x8b: {  	(xrf0) =	vmax.scan.msk.f32 $0xffff, v3;
	_ =	sdelay $0x5  }
0x8c: {  	v4 =	vld [tilespmem:s15+$0x0];
	v3, _, _ =	vpop (xrf0)  }
0x8d: {  	v3 =	vadd.f32 $0.0e+00, v3;
	_ =	sdelay $0x1  }
0x8e: {  	v3 =	vbroadcast v3, $0xF;
	_ =	sdelay $0x1  }
0x8f: {  	vm14 =	vle.f32 v4, v3  }
0x90: {  	v5 =	vsel vm14, $0x3F800000, v0  }
0x91: {  	(xrf0) =	vmax.scan.msk.f32 $0xffff, v5;
	_ =	sdelay $0x5  }
0x92: {  	v5, _, _ =	vpop (xrf0)  }
0x93: {  	(v2sf) =	vpush v5, $0xF;
	_ =	sdelay $0xe  }
0x94: {  	s22 =	spop (v2sf)  }
0x95: {  	p0 =	sgt.f32 s22, $0.0e+00;
	_ =	sdelay $0x1  }
0x96: {  	s31 =	sshll.u32 s8, $0x5;
	vm0 =	vle.f32 @p0 v4, v3;
	v4 =	vimm.s32 @p0 $0x0  }
0x97: {  	v5 =	vsel @p0 vm0, $0x1, v4;
	v4 =	vld [tilespmem:s31+$0x0]  }
0x98: {  	(xrf0) =	vadd.scan.msk.s32 @p0 $0xffff, v5;
	v5 =	vld [tilespmem:s31+$0x10];
	_ =	sdelay $0x1  }
0x99: {  	s26 =	sshll.u32 s8, $0x6  }
0x9a: {  	s22 =	sand.u32 $0x3FFFFFC0, s26;
	p1 =	por @p0 $0x1, $0x1  }
0x9b: {  	s26 =	sadd.s32 $0x4600, s22;
	s22 =	simm.s32 $0x0;
	p1 =	por !p1, !p0  }
0x9c: {  	s28 =	sadd.s32 s8, s13;
	v6 =	vmov s26;
	v10 =	vmov @p0 s22;
	v7 =	vpsel p1, v5, v4  }
0x9d: {  	s31 =	ssub.s32 s10, s28;
	v10 =	vperm.xlane @p0 v7, v10  }
0x9e: {  	s26 =	sshll.u32 s31, $0xB  }
0x9f: {  	v7 =	vor.u32 s26, v1;
	v10 =	vshll.u32 @p0 v10, $0x4  }
0xa0: {  	v11, _, _ =	vpop @p0 (xrf0);
	v10 =	vadd.s32 @p0 v10, v7  }
0xa1: {  	v8 =	vmin.f32 @p3 v9, v8;
	s26 =	sadd.s32 $0x10, s15;
	(v2sf) =	vpush @p0 v11, $0xF;
	[tilespmem:v6+s22+$0x0 ss:$0x1] =	vst.idx.msk @p0 vm0, v10  }
0xa2: {  	(xrf1) =	vsort.ascd.msk.f32 @p3 $0xffff, v8, v8;
	v8 =	vld [tilespmem:s26+$0x0];
	_ =	sdelay $0x4  }
0xa3: {  	vm15 =	vle.f32 v8, v3  }
0xa4: {  	v9 =	vsel vm15, $0x3F800000, v0  }
0xa5: {  	(xrf0) =	vmax.scan.msk.f32 $0xffff, v9;
	_ =	sdelay $0x5  }
0xa6: {  	v9, _, _ =	vpop (xrf0)  }
0xa7: {  	s28 =	spop @p0 (v2sf);
	(v2sf) =	vpush v9, $0xF;
	_ =	sdelay $0x2  }
0xa8: {  	s30 =	sadd.s32 @p0 $0x0, s28  }
0xa9: {  	p1 =	slt.s32 @p0 s30, $0x30  }
0xaa: {  	p1 =	por !p1, !p0  }
0xab: {  	s29 =	simm.s32 $0x2;
	v10, _, _ =	vpop @p2 (xrf1);
	s28 =	simm.s32 $0x1;
	s30 =	simm.s32 @p1 $0x30  }
.LBB2_6:
0xac: {  	s22 =	smov.u32 @p0 s30;
	s30 =	smov.u32 s29;
	s29 =	sadd.s32 $0x1, s29  }
0xad: {  	p1 =	sne.s32 s29, $0x20;
	_ =	sdelay $0x6  }
0xae: {  	s31 =	spop (v2sf)  }
0xaf: {  	p0 =	sgt.f32 s31, $0.0e+00;
	_ =	sdelay $0x1  }
0xb0: {  	vm0 =	vle.f32 @p0 v8, v3;
	p2 =	slt.u32 @p0 s28, $0x10;
	v8 =	vimm.s32 @p0 $0x0  }
0xb1: {  	p2 =	por !p2, !p0;
	v8 =	vsel @p0 vm0, $0x1, v8  }
0xb2: {  	v10 =	vmov @p0 s28;
	s28 =	smov.u32 s30;
	v9 =	vpsel p2, v5, v4;
	(xrf0) =	vadd.scan.msk.s32 @p0 $0xffff, v8  }
0xb3: {  	v8 =	vperm.xlane @p0 v9, v10;
	_ =	sdelay $0x1  }
0xb4: {  	v8 =	vshll.u32 @p0 v8, $0x4  }
0xb5: {  	v8 =	vadd.s32 @p0 v8, v7  }
0xb6: {  	s26 =	sadd.s32 $0x10, s26;
	[tilespmem:v6+s22+$0x0 ss:$0x1] =	vst.idx.msk @p0 vm0, v8  }
0xb7: {  	v8 =	vld [tilespmem:s26+$0x0];
	v9, _, _ =	vpop @p0 (xrf0)  }
0xb8: {  	(v2sf) =	vpush @p0 v9, $0xF;
	_ =	sdelay $0x3  }
0xb9: {  	vm0 =	vle.f32 v8, v3  }
0xba: {  	v9 =	vsel vm0, $0x3F800000, v0  }
0xbb: {  	(xrf0) =	vmax.scan.msk.f32 $0xffff, v9;
	_ =	sdelay $0x5  }
0xbc: {  	v9, _, _ =	vpop (xrf0)  }
0xbd: {  	(v2sf) =	vpush v9, $0xF;
	_ =	sdelay $0x1  }
.Ltmp1:
0xbe: {  	s30 =	spop @p0 (v2sf);
	(pc) =	sbr.rel @p1 .LBB2_6-.Ltmp1, $4  }
0xbf: {  	s30 =	sadd.s32 @p0 s22, s30  }
0xc0: {  	p2 =	slt.s32 @p0 s30, $0x30  }
0xc1: {  	p2 =	por !p2, !p0  }
0xc2: {  	s30 =	simm.s32 @p2 $0x30  }
0xc3: {  	_ =	sdelay $0x7  }
0xc4: {  	s26 =	spop (v2sf)  }
0xc5: {  	p1 =	sgt.f32 s26, $0.0e+00;
	_ =	sdelay $0x1  }
0xc6: {  	vm0 =	vle.f32 @p1 v8, v3;
	v3 =	vimm.s32 @p1 $0x0  }
0xc7: {  	v3 =	vsel @p1 vm0, $0x1, v3  }
0xc8: {  	(xrf0) =	vadd.scan.msk.s32 @p1 $0xffff, v3;
	_ =	sdelay $0x5  }
0xc9: {  	v3, _, _ =	vpop @p1 (xrf0)  }
0xca: {  	(v2sf) =	vpush @p1 v3, $0xF;
	_ =	sdelay $0x7  }
0xcb: {  	p2 =	slt.u32 @p1 s28, $0x10  }
0xcc: {  	s8 =	sadd.s32 $0x1, s8;
	p2 =	por !p2, !p1  }
0xcd: {  	s22 =	smov.u32 @p0 s30;
	p0 =	sne.s32 s8, $0x10;
	v3 =	vpsel p2, v5, v4;
	v4 =	vmov @p1 s28  }
.Ltmp2:
0xce: {  	v3 =	vperm.xlane @p1 v3, v4;
	(pc) =	sbr.rel @p0 .LBB2_3-.Ltmp2, $4  }
0xcf: {  	_ = 	snop  }
0xd0: {  	v3 =	vshll.u32 @p1 v3, $0x4  }
0xd1: {  	v3 =	vadd.s32 @p1 v3, v7  }
0xd2: {  	s15 =	sadd.s32 $0x200, s15;
	[tilespmem:v6+s22+$0x0 ss:$0x1] =	vst.idx.msk @p1 vm0, v3;
	s22 =	spop @p1 (v2sf)  }
0xd3: {  	s8 =	sshll.u32 s23, $0x8  }
0xd4: {  	p0 =	seq.s32 s23, $0xF;
	s8 =	sadd.s32 s8, s11  }
0xd5: {  	[hbm4b:s8+s1] =	stream.linear.scatter [tilespmem:s19], [sflag:$0x4], $0x400, $0x38;
	[tilespmem:$0x4A10] =	vst v63  }
0xd6: {  	s8 =	sadd.s32 @!p0 s9, s12  }
0xd7: {  	_ =	swait.ge [sflag:s20], $0x400;
	s9 =	sshll.u32 @!p0 s8, $0x2  }
0xd8: {  	[sflag:s20] =	ssyncset.done $0x0;
	s9 =	sand.u32 @!p0 $0x1FFFFF80, s9  }
0xd9: {  	s13 =	simm.s32 @!p0 $0x0;
	[sflag:s20] =	ssyncadd.s32 $0xFFFFFC00;
	s9 =	sadd.s32 @!p0 s4, s9  }
0xda: {  	[tilespmem:s13], [sflag:$0x3] =	stream.linear.gather @!p0 [hbm4b:s9+s13], $0x200, $0x38;
	[tilespmem:$0x4A10] =	vst v63  }
0xdb: {  	s9 =	simm.s32 @!p0 $0x3  }
0xdc: {  	s8 =	sshll.u32 @!p0 s8, $0x1;
	_ =	swait.ge @!p0 [sflag:s9], $0x200  }
0xdd: {  	s8 =	sand.u32 @!p0 $0x1FFFFFC0, s8;
	[sflag:s9] =	ssyncset.done @!p0 $0x0  }
0xde: {  	s15 =	simm.s32 @!p0 $0x4400;
	s8 =	sadd.s32 @!p0 s5, s8;
	[sflag:s9] =	ssyncadd.s32 @!p0 $0xFFFFFE00  }
0xdf: {  	[tilespmem:s15], [sflag:$0x3] =	stream.linear.gather @!p0 [hbm4b:s8+s13], $0x100, $0x38;
	[tilespmem:$0x4A10] =	vst v63  }
0xe0: {  	_ =	swait.ge @!p0 [sflag:s9], $0x100  }
0xe1: {  	[sflag:s9] =	ssyncset.done @!p0 $0x0  }
0xe2: {  	s8 =	simm.s32 @!p0 $0x80;
	[sflag:s9] =	ssyncadd.s32 @!p0 $0xFFFFFF00;
	s9 =	simm.s32 @!p0 $0x400  }
0xe3: {  	[tilespmem:s9], [sflag:$0x1] =	stream.indirect.gather @!p0 [hbm4b:s3+s8], $0x10, s13, s8, $0xb8;
	[tilespmem:$0x4A10] =	vst v63  }
0xe4: {  	s9 =	simm.s32 @!p0 $0xC00  }
0xe5: {  	[tilespmem:s9], [sflag:$0x1] =	stream.indirect.gather @!p0 [hbm4b:s3+s8], $0x10, s8, s8, $0xb8;
	[tilespmem:$0x4A10] =	vst v63  }
0xe6: {  	s13 =	simm.s32 @!p0 $0x1400;
	s9 =	simm.s32 @!p0 $0x100  }
0xe7: {  	[tilespmem:s13], [sflag:$0x1] =	stream.indirect.gather @!p0 [hbm4b:s3+s8], $0x10, s9, s8, $0xb8;
	[tilespmem:$0x4A10] =	vst v63  }
0xe8: {  	s9 =	simm.s32 @!p0 $0x180;
	s13 =	simm.s32 @!p0 $0x1C00  }
0xe9: {  	[tilespmem:s13], [sflag:$0x1] =	stream.indirect.gather @!p0 [hbm4b:s3+s8], $0x10, s9, s8, $0xb8;
	[tilespmem:$0x4A10] =	vst v63  }
0xea: {  	_ =	swait.ge [sflag:s21], $0x800  }
0xeb: {  	[sflag:s21] =	ssyncset.done $0x0  }
0xec: {  	[sflag:s21] =	ssyncadd.s32 $0xFFFFF800  }
0xed: {  	_ =	swait.ge [sflag:s21], $0x800  }
0xee: {  	[sflag:s21] =	ssyncset.done $0x0  }
0xef: {  	[sflag:s21] =	ssyncadd.s32 $0xFFFFF800  }
0xf0: {  	_ =	swait.ge [sflag:s21], $0x800  }
0xf1: {  	[sflag:s21] =	ssyncset.done $0x0  }
0xf2: {  	[sflag:s21] =	ssyncadd.s32 $0xFFFFF800  }
0xf3: {  	_ =	swait.ge [sflag:s21], $0x800  }
0xf4: {  	[sflag:s21] =	ssyncset.done $0x0  }
0xf5: {  	s8 =	simm.s32 $0x0;
	s9 =	simm.s32 $0x2400;
	[sflag:s21] =	ssyncadd.s32 $0xFFFFF800  }
.LBB2_9:
0xf6: {  	v3 =	vmov s9;
	_ =	sdelay $0x1  }
0xf7: {  	s13 =	sshll.u32 s8, $0x4  }
0xf8: {  	s13 =	sand.u32 $0x3FFFFFF0, s13  }
0xf9: {  	s29 =	simm.s32 $0x0;
	v4 =	vld [tilespmem:s13+$0x4500]  }
0xfa: {  	v5 =	vld.idx.msk [tilespmem:v3+s29+$0x0 ss:$0x1], $0xffff;
	_ =	sdelay $0x4  }
0xfb: {  	vm0 =	vle.f32 v5, v4  }
0xfc: {  	v6 =	vsel vm0, $0x3F800000, v0  }
0xfd: {  	(xrf0) =	vmax.scan.msk.f32 $0xffff, v6;
	_ =	sdelay $0x5  }
0xfe: {  	v6, _, _ =	vpop (xrf0)  }
0xff: {  	(v2sf) =	vpush v6, $0xF;
	_ =	sdelay $0xe  }
0x100: {  	s30 =	spop (v2sf)  }
0x101: {  	p0 =	sgt.f32 s30, $0.0e+00;
	_ =	sdelay $0x1  }
0x102: {  	vm0 =	vle.f32 @p0 v5, v4  }
0x103: {  	s31 =	simm.s32 $0x10;
	v5 =	vsel @p0 vm0, v5, v2  }
0x104: {  	v6 =	vld.idx.msk [tilespmem:v3+s31+$0x0 ss:$0x1], $0xffff;
	(xrf1) =	vsort.ascd.msk.f32 @p0 $0xffff, v5, v5;
	_ =	sdelay $0x4  }
0x105: {  	vm15 =	vle.f32 v6, v4  }
0x106: {  	v5 =	vsel vm15, $0x3F800000, v0  }
0x107: {  	(xrf0) =	vmax.scan.msk.f32 $0xffff, v5;
	_ =	sdelay $0x1  }
0x108: {  	v5 =	vlaneseq.u32 @p0  }
0x109: {  	v5 =	vmul.u32 @p0 $0xFFFFFFFF, v5;
	_ =	sdelay $0x2  }
0x10a: {  	v7, _, _ =	vpop (xrf0)  }
0x10b: {  	v8 =	vadd.s32 @p0 $0xF, v5;
	v5, _, _ =	vpop @p0 (xrf1)  }
0x10c: {  	(v2sf) =	vpush v7, $0xF;
	v5 =	vperm.xlane @p0 v5, v8;
	_ =	sdelay $0x1  }
0x10d: {  	p1 =	por p0, p0;
	v5 =	vmin.f32 @p0 v2, v5  }
0x10e: {  	(xrf1) =	vsort.ascd.msk.f32 @p1 $0xffff, v5, v5;
	_ =	sdelay $0xb  }
0x10f: {  	s15 =	spop (v2sf)  }
0x110: {  	p2 =	sgt.f32 s15, $0.0e+00  }
0x111: {  	s13 =	simm.s32 $0x80;
	v7 =	vmov v2;
	v5 =	vmov v2;
	v9, _, _ =	vpop @p0 (xrf1)  }
.LBB2_10:
0x112: {  	p4 =	por p0, p0;
	p0 =	por p2, p2  }
0x113: {  	s15 =	sshra.s32 s13, $0x2;
	vm0 =	vle.f32 @p2 v6, v4;
	v8 =	vperm.xlane @p1 v9, v8  }
0x114: {  	s13 =	sadd.s32 $0x40, s13;
	v9 =	vsel @p2 vm0, v6, v2;
	v6 =	vld.idx.msk [tilespmem:v3+s15+$0x0 ss:$0x1], $0xffff  }
0x115: {  	p3 =	sne.s32 s13, $0x800;
	(xrf1) =	vsort.ascd.msk.f32 @p2 $0xffff, v9, v9;
	v9 =	vmin.f32 @p1 v5, v8;
	v8 =	vmax.f32 @p1 v5, v8  }
0x116: {  	(xrf1) =	vsort.ascd.msk.f32 @p1 $0xffff, v8, v8  }
0x117: {  	(xrf1) =	vsort.ascd.msk.f32 @p1 $0xffff, v9, v9;
	_ =	sdelay $0x2  }
0x118: {  	vm0 =	vle.f32 v6, v4  }
0x119: {  	v8 =	vsel vm0, $0x3F800000, v0  }
0x11a: {  	(xrf0) =	vmax.scan.msk.f32 $0xffff, v8;
	_ =	sdelay $0x3  }
0x11b: {  	v8 =	vlaneseq.u32 @p2  }
0x11c: {  	v8 =	vmul.u32 @p2 $0xFFFFFFFF, v8  }
0x11d: {  	v9, _, _ =	vpop (xrf0)  }
0x11e: {  	v8 =	vadd.s32 @p2 $0xF, v8;
	v10, _, _ =	vpop @p2 (xrf1)  }
0x11f: {  	(v2sf) =	vpush v9, $0xF;
	v9 =	vperm.xlane @p2 v10, v8;
	v10, _, _ =	vpop @p4 (xrf1)  }
0x120: {  	v7 =	vpsel p1, v10, v7;
	v10, _, _ =	vpop @p4 (xrf1)  }
0x121: {  	v9 =	vmin.f32 @p2 v7, v9;
	v5 =	vpsel p1, v10, v5;
	p1 =	por p2, p2  }
0x122: {  	(xrf1) =	vsort.ascd.msk.f32 @p1 $0xffff, v9, v9;
	_ =	sdelay $0x9  }
.Ltmp3:
0x123: {  	(pc) =	sbr.rel @p3 .LBB2_10-.Ltmp3, $4  }
0x124: {  	_ = 	snop  }
0x125: {  	s15 =	spop (v2sf)  }
0x126: {  	p2 =	sgt.f32 s15, $0.0e+00  }
0x127: {  	v9, _, _ =	vpop @p0 (xrf1)  }
0x128: {  	vm0 =	vle.f32 @p2 v6, v4;
	v3 =	vperm.xlane @p1 v9, v8  }
0x129: {  	v4 =	vsel @p2 vm0, v6, v2  }
0x12a: {  	(xrf1) =	vsort.ascd.msk.f32 @p2 $0xffff, v4, v4;
	v4 =	vmax.f32 @p1 v5, v3  }
0x12b: {  	(xrf1) =	vsort.ascd.msk.f32 @p1 $0xffff, v4, v4;
	_ =	sdelay $0x9  }
0x12c: {  	v4 =	vlaneseq.u32 @p2  }
0x12d: {  	v4 =	vmul.u32 @p2 $0xFFFFFFFF, v4;
	_ =	sdelay $0x1  }
0x12e: {  	v4 =	vadd.s32 @p2 $0xF, v4;
	v6, _, _ =	vpop @p2 (xrf1)  }
0x12f: {  	v6 =	vperm.xlane @p2 v6, v4;
	v8, _, _ =	vpop @p0 (xrf1)  }
0x130: {  	v3 =	vmin.f32 @p1 v5, v3;
	v7 =	vpsel p1, v8, v7  }
0x131: {  	p3 =	por p2, p2;
	(xrf1) =	vsort.ascd.msk.f32 @p1 $0xffff, v3, v3;
	v3 =	vmin.f32 @p2 v7, v6  }
0x132: {  	(xrf1) =	vsort.ascd.msk.f32 @p3 $0xffff, v3, v3;
	_ =	sdelay $0xc  }
0x133: {  	v3, _, _ =	vpop @p0 (xrf1)  }
0x134: {  	v6, _, _ =	vpop @p2 (xrf1)  }
0x135: {  	v8 =	vperm.xlane @p3 v6, v4  }
0x136: {  	v9 =	vpsel p1, v3, v5  }
0x137: {  	v3 =	vmax.f32 @p3 v9, v8  }
0x138: {  	(xrf1) =	vsort.ascd.msk.f32 @p3 $0xffff, v3, v3;
	_ =	sdelay $0xd  }
0x139: {  	v3, _, _ =	vpop @p2 (xrf1)  }
0x13a: {  	v3 =	vpsel p3, v3, v7  }
0x13b: {  	(xrf0) =	vmax.scan.msk.f32 $0xffff, v3;
	_ =	sdelay $0x5  }
0x13c: {  	v4 =	vld [tilespmem:s9+$0x0];
	v3, _, _ =	vpop (xrf0)  }
0x13d: {  	v3 =	vadd.f32 $0.0e+00, v3;
	_ =	sdelay $0x1  }
0x13e: {  	v3 =	vbroadcast v3, $0xF;
	_ =	sdelay $0x1  }
0x13f: {  	vm14 =	vle.f32 v4, v3  }
0x140: {  	v5 =	vsel vm14, $0x3F800000, v0  }
0x141: {  	(xrf0) =	vmax.scan.msk.f32 $0xffff, v5;
	_ =	sdelay $0x5  }
0x142: {  	v5, _, _ =	vpop (xrf0)  }
0x143: {  	(v2sf) =	vpush v5, $0xF;
	_ =	sdelay $0xe  }
0x144: {  	s13 =	spop (v2sf)  }
0x145: {  	p0 =	sgt.f32 s13, $0.0e+00;
	_ =	sdelay $0x1  }
0x146: {  	s29 =	sshll.u32 s8, $0x5;
	vm0 =	vle.f32 @p0 v4, v3;
	v4 =	vimm.s32 @p0 $0x0  }
0x147: {  	v5 =	vsel @p0 vm0, $0x1, v4;
	v4 =	vld [tilespmem:s29+$0x200]  }
0x148: {  	(xrf0) =	vadd.scan.msk.s32 @p0 $0xffff, v5;
	v5 =	vld [tilespmem:s29+$0x210];
	_ =	sdelay $0x1  }
0x149: {  	s30 =	sshll.u32 s8, $0x6  }
0x14a: {  	s13 =	sand.u32 $0x3FFFFFC0, s30;
	p1 =	por @p0 $0x1, $0x1  }
0x14b: {  	s15 =	sadd.s32 $0x4600, s13;
	s13 =	simm.s32 $0x0;
	p1 =	por !p1, !p0  }
0x14c: {  	s22 =	sadd.s32 s8, s6;
	v6 =	vmov s15;
	v10 =	vmov @p0 s13;
	v7 =	vpsel p1, v5, v4  }
0x14d: {  	s31 =	ssub.s32 s10, s22;
	v10 =	vperm.xlane @p0 v7, v10  }
0x14e: {  	s15 =	sshll.u32 s31, $0xB  }
0x14f: {  	v7 =	vor.u32 s15, v1;
	v10 =	vshll.u32 @p0 v10, $0x4  }
0x150: {  	v11, _, _ =	vpop @p0 (xrf0);
	v10 =	vadd.s32 @p0 v10, v7  }
0x151: {  	v8 =	vmin.f32 @p3 v9, v8;
	s15 =	sadd.s32 $0x10, s9;
	(v2sf) =	vpush @p0 v11, $0xF;
	[tilespmem:v6+s13+$0x0 ss:$0x1] =	vst.idx.msk @p0 vm0, v10  }
0x152: {  	(xrf1) =	vsort.ascd.msk.f32 @p3 $0xffff, v8, v8;
	v8 =	vld [tilespmem:s15+$0x0];
	_ =	sdelay $0x4  }
0x153: {  	vm15 =	vle.f32 v8, v3  }
0x154: {  	v9 =	vsel vm15, $0x3F800000, v0  }
0x155: {  	(xrf0) =	vmax.scan.msk.f32 $0xffff, v9;
	_ =	sdelay $0x5  }
0x156: {  	v9, _, _ =	vpop (xrf0)  }
0x157: {  	s22 =	spop @p0 (v2sf);
	(v2sf) =	vpush v9, $0xF;
	_ =	sdelay $0x2  }
0x158: {  	s28 =	sadd.s32 @p0 $0x0, s22  }
0x159: {  	p1 =	slt.s32 @p0 s28, $0x30  }
0x15a: {  	p1 =	por !p1, !p0  }
0x15b: {  	s26 =	simm.s32 $0x2;
	v10, _, _ =	vpop @p2 (xrf1);
	s22 =	simm.s32 $0x1;
	s28 =	simm.s32 @p1 $0x30  }
.LBB2_12:
0x15c: {  	s13 =	smov.u32 @p0 s28;
	s28 =	smov.u32 s26;
	s26 =	sadd.s32 $0x1, s26  }
0x15d: {  	p1 =	sne.s32 s26, $0x20;
	_ =	sdelay $0x6  }
0x15e: {  	s29 =	spop (v2sf)  }
0x15f: {  	p0 =	sgt.f32 s29, $0.0e+00;
	_ =	sdelay $0x1  }
0x160: {  	vm0 =	vle.f32 @p0 v8, v3;
	p2 =	slt.u32 @p0 s22, $0x10;
	v8 =	vimm.s32 @p0 $0x0  }
0x161: {  	p2 =	por !p2, !p0;
	v8 =	vsel @p0 vm0, $0x1, v8  }
0x162: {  	v10 =	vmov @p0 s22;
	s22 =	smov.u32 s28;
	v9 =	vpsel p2, v5, v4;
	(xrf0) =	vadd.scan.msk.s32 @p0 $0xffff, v8  }
0x163: {  	v8 =	vperm.xlane @p0 v9, v10;
	_ =	sdelay $0x1  }
0x164: {  	v8 =	vshll.u32 @p0 v8, $0x4  }
0x165: {  	v8 =	vadd.s32 @p0 v8, v7  }
0x166: {  	s15 =	sadd.s32 $0x10, s15;
	[tilespmem:v6+s13+$0x0 ss:$0x1] =	vst.idx.msk @p0 vm0, v8  }
0x167: {  	v8 =	vld [tilespmem:s15+$0x0];
	v9, _, _ =	vpop @p0 (xrf0)  }
0x168: {  	(v2sf) =	vpush @p0 v9, $0xF;
	_ =	sdelay $0x3  }
0x169: {  	vm0 =	vle.f32 v8, v3  }
0x16a: {  	v9 =	vsel vm0, $0x3F800000, v0  }
0x16b: {  	(xrf0) =	vmax.scan.msk.f32 $0xffff, v9;
	_ =	sdelay $0x5  }
0x16c: {  	v9, _, _ =	vpop (xrf0)  }
0x16d: {  	(v2sf) =	vpush v9, $0xF;
	_ =	sdelay $0x1  }
.Ltmp4:
0x16e: {  	s28 =	spop @p0 (v2sf);
	(pc) =	sbr.rel @p1 .LBB2_12-.Ltmp4, $4  }
0x16f: {  	s28 =	sadd.s32 @p0 s13, s28  }
0x170: {  	p2 =	slt.s32 @p0 s28, $0x30  }
0x171: {  	p2 =	por !p2, !p0  }
0x172: {  	s28 =	simm.s32 @p2 $0x30  }
0x173: {  	_ =	sdelay $0x7  }
0x174: {  	s15 =	spop (v2sf)  }
0x175: {  	p1 =	sgt.f32 s15, $0.0e+00;
	_ =	sdelay $0x1  }
0x176: {  	vm0 =	vle.f32 @p1 v8, v3;
	v3 =	vimm.s32 @p1 $0x0  }
0x177: {  	v3 =	vsel @p1 vm0, $0x1, v3  }
0x178: {  	(xrf0) =	vadd.scan.msk.s32 @p1 $0xffff, v3;
	_ =	sdelay $0x5  }
0x179: {  	v3, _, _ =	vpop @p1 (xrf0)  }
0x17a: {  	(v2sf) =	vpush @p1 v3, $0xF;
	_ =	sdelay $0x7  }
0x17b: {  	p2 =	slt.u32 @p1 s22, $0x10  }
0x17c: {  	s8 =	sadd.s32 $0x1, s8;
	p2 =	por !p2, !p1  }
0x17d: {  	s13 =	smov.u32 @p0 s28;
	p0 =	sne.s32 s8, $0x10;
	v3 =	vpsel p2, v5, v4;
	v4 =	vmov @p1 s22  }
.Ltmp5:
0x17e: {  	v3 =	vperm.xlane @p1 v3, v4;
	(pc) =	sbr.rel @p0 .LBB2_9-.Ltmp5, $4  }
0x17f: {  	_ = 	snop  }
0x180: {  	v3 =	vshll.u32 @p1 v3, $0x4  }
0x181: {  	v3 =	vadd.s32 @p1 v3, v7  }
0x182: {  	s9 =	sadd.s32 $0x200, s9;
	[tilespmem:v6+s13+$0x0 ss:$0x1] =	vst.idx.msk @p1 vm0, v3;
	s13 =	spop @p1 (v2sf)  }
0x183: {  	s23 =	sadd.s32 $0x1, s23  }
0x184: {  	s6 =	sshll.u32 s24, $0x7;
	p0 =	sne.s32 s23, $0x10  }
.Ltmp6:
0x185: {  	s6 =	sadd.s32 s6, s11;
	(pc) =	sbr.rel @p0 .LBB2_2-.Ltmp6, $4  }
0x186: {  	[hbm4b:s6+s1] =	stream.linear.scatter [tilespmem:s19], [sflag:$0x4], $0x400, $0x38;
	[tilespmem:$0x4A10] =	vst v63  }
0x187: {  	_ =	swait.ge [sflag:s20], $0x400  }
0x188: {  	[sflag:s20] =	ssyncset.done $0x0  }
0x189: {  	[sflag:s20] =	ssyncadd.s32 $0xFFFFFC00  }
0x18a: {  	s8 =	rddreg [dreg:$0x7]  }
0x18b: {  	s6 =	rddreg [dreg:$0x6];
	s8 =	sadd.s32 $0x1, s8  }
0x18c: {  	p0 =	sne.s32 s8, s6  }
.Ltmp7:
0x18d: {  	_ = 	snop;
	(pc) =	sbr.rel @p0 .LBB2_1-.Ltmp7, $1  }
0x18e: {  	_ =	sdelay $0x3  }
0x18f: {  	_ =	sfence.sel $0x180000  }
0x190: {  	[bflag:$0x0] =	sbarrier.arrive $0xFFFF  }
0x191: {  	_ =	strace $0x9000004A  }
0x192: {  	s0 =	stileid.u32;
	[bflag:$0x2] =	sbarrier.arrive $0xFFFF  }
0x193: {  	p0 =	sne.s32 s0, $0x0;
	s0 =	rddreg [dreg:$0x2]  }
0x194: {  	s0 =	sadd.s32 @!p0 $0x100000, s0  }
0x195: {  	[sflag:s0] =	ssyncadd.tile.s32 @!p0 $0x1;
	_ =	shalt  }
.Lfunc_end2:
_tile_overlayer_lowered:
.L_overlay_start_2:
0x196: {  	(tag) =	ssettag $0x2  }
0x197: {  	s0 =	rddreg [dreg:$0x0];
	s2 =	stileid.u32  }
0x198: {  	s1 =	rddreg [dreg:$0x1];
	p0 =	sne.s32 s2, $0x0  }
0x199: {  	s3 =	rddreg [dreg:$0x2];
	[bflag:$0x3] =	sbarrier.arrive $0xFFFF;
	s2 =	simm.s32 @!p0 $0x1C05  }
0x19a: {  	[timem:s3], [sflag:s2] =	dma.local @!p0 [hbm:s0], s1  }
0x19b: {  	s0 =	simm.s32 @!p0 $0x5  }
0x19c: {  	_ =	swait.ge @!p0 [sflag:s0], s1  }
0x19d: {  	s1 =	ssub.s32 @!p0 $0x0, s1;
	[sflag:s0] =	ssyncset.done @!p0 $0x0  }
0x19e: {  	[sflag:s0] =	ssyncadd.s32 @!p0 s1  }
0x19f: {  	[bflag:$0x3] =	sbarrier.arrive $0xFFFF  }
0x1a0: {  	_ =	shalt  }

// kernel: sparse-core-data-format-call.cloned.1.call-start
scs
called_computation_lowered:
.L_overlay_start_0:
0x0: {  	s1 =	sld [smem:$0x3FD9]  }
0x1: {  	s2 =	sld [smem:$0x3FFE];
	_ =	sdelay $0x1  }
0x2: {  	s3 =	srdreg.scid  }
0x3: {  	s0 =	sand.u32 $0x1, s3  }
0x4: {  	s17 =	sshll.u32 s0, $0xA;
	s1 =	sadd.s32 s2, s1  }
0x5: {  	s1 =	sadd.s32 s1, s17  }
0x6: {  	[smem:$0x3FC3] =	sst s1  }
0x7: {  	_ = 	snop  }
0x8: {  	(tm) =	ssettm $0x1  }
0x9: {  	s18 =	sld [smem:$0x3FFB];
	_ =	sdelay $0x3  }
0xa: {  	_ =	strace s18  }
0xb: {  	s1 =	sld [smem:$0x3FFC];
	_ =	sdelay $0x3  }
0xc: {  	_ =	strace s1  }
0xd: {  	s1 =	sld [smem:$0x3FFD];
	_ =	sdelay $0x3  }
0xe: {  	_ =	strace s1  }
0xf: {  	_ =	strace $0x8FFFFFFF  }
0x10: {  	s19 =	sld [smem:$0x3FDB];
	_ =	sdelay $0x1  }
0x11: {  	s20 =	simm.s32 $_scs_section_size  }
0x12: {  	s4 =	simm.s32 $_size__tile_overlayer_lowered;
	s5 =	simm.s32 $_tile_overlayer_lowered  }
0x13: {  	s23 =	simm.s32 $0x1BFF;
	s22 =	sshll.u32 s5, $0x1;
	s1 =	sadd.s32 s20, s19  }
0x14: {  	s6 =	simm.s32 $0x0;
	s21 =	sshll.u32 s4, $0x1;
	s4 =	sadd.s32 s22, s1  }
0x15: {  	[timem:s6], [sflag:s23] =	dma.local [hbm:s4], s21  }
0x16: {  	_ =	swait.ge [sflag:s23], s21  }
0x17: {  	s2 =	ssub.s32 $0x0, s21;
	[sflag:s23] =	ssyncset.done $0x0  }
0x18: {  	[sflag:s23] =	ssyncadd.s32 s2;
	_ =	sdelay $0x1  }
0x19: {  	s24 =	simm.s32 $0x1B8B  }
0x1a: {  	_ =	swait.ge [sflag:s24], $0x1  }
0x1b: {  	[sflag:s24] =	ssyncset.done $0x0  }
0x1c: {  	s26 =	simm.s32 $0x1B8E;
	s25 =	sld [smem:$0x3FFE];
	[sflag:s24] =	ssyncadd.s32 $0xFFFFFFFF  }
0x1d: {  	s27 =	simm.s32 $execute0_lowered;
	[smem:$0x3FD2] =	sst s26  }
0x1e: {  	s4 =	sshll.u32 s27, $0x1;
	_ =	strace $0x80000046;
	[dreg:$0x1] =	wrdreg $0xFFFFFFFF  }
0x1f: {  	s28 =	simm.s32 $_size_execute0_lowered;
	s1 =	sadd.s32 s1, s4;
	[dreg:$0x0] =	wrdreg $0x0  }
0x20: {  	s4 =	sshll.u32 s28, $0x1;
	[dreg:$0x2] =	wrdreg s1  }
0x21: {  	[dreg:$0x3] =	wrdreg s4  }
0x22: {  	[dreg:$0x4] =	wrdreg $0xC0  }
0x23: {  	_ =	task [dreg:s6], $0x5FFFF  }
0x24: {  	[dreg:$0x1] =	wrdreg $0xFFFFFFFF  }
0x25: {  	[dreg:$0x0] =	wrdreg $0x60  }
0x26: {  	[dreg:$0x2] =	wrdreg s25  }
0x27: {  	[dreg:$0x3] =	wrdreg $0x9  }
0x28: {  	_ =	task.clear_ibuf [dreg:s6], $0x4FFFF;
	_ =	strace $0x90000046  }
0x29: {  	s29 =	simm.s32 $0x9;
	_ =	strace $0x80000048  }
0x2a: {  	_ =	swait.ge [sflag:s29], $0x1  }
0x2b: {  	[sflag:s29] =	ssyncadd.s32 $0xFFFFFFFF  }
0x2c: {  	_ =	strace $0x90000048  }
0x2d: {  	_ =	sfence  }
0x2e: {  	s30 =	sld [smem:$0x0];
	_ =	sdelay $0x2  }
0x2f: {  	s31 =	sshll.u32 s3, $0xD;
	s3 =	sshrl.u32 s3, $0x2  }
0x30: {  	s2 =	sand.u32 $0x4000, s31;
	s1 =	sadd.s32 s3, s30  }
0x31: {  	s0 =	sor.u32 s2, s0;
	s1 =	sshll.u32 s1, $0x11  }
0x32: {  	s0 =	sor.u32 s1, s0  }
0x33: {  	s0 =	sadd.s32 $0x8F2B, s0  }
0x34: {  	[sflag:s0] =	ssyncadd.remote.s32 $0x1  }
0x35: {  	_ =	sfence.sel $0xFFFF  }
0x36: {  	[dreg:$0x0] =	wrdreg $0xFFFFFFFF;
	(pc) =	sbr.abs _section_cstart, $3  }
0x37: {  	[dreg:$0x1] =	wrdreg $0xFFFFFFFF  }
0x38: {  	_ =	task.clear_ibuf [dreg:s6], $0x2FFFF;
	_ =	strace $0x9FFFFFFF  }
0x39: {  	(tm) =	ssettm $0x7FFFFFFF  }
tec
execute0_lowered:
.L_overlay_start_1:
0x0: {  	(tag) =	ssettag $0x1  }
0x1: {  	s1 =	rddreg [dreg:$0x0]  }
0x2: {  	s0 =	rddreg [dreg:$0x1]  }
0x3: {  	_ =	strace $0x80000047;
	s4 =	srdreg.scid;
	s6 =	simm.s32 $0x2  }
.Ltmp0:
0x4: {  	p0 =	por $0x0, $0x0;
	s9 =	simm.s32 $0x0;
	(pc) =	sbr.rel .LBB1_1-.Ltmp0, $4  }
0x5: {  	s2 =	sadd.s32 $0x2800, s1;
	s3 =	sadd.s32 $0x403000, s1;
	s5 =	sshll.u32 s4, $0x4  }
0x6: {  	s1 =	stileid.u32;
	s4 =	simm.s32 $0x1;
	s5 =	sand.u32 $0x10, s5  }
0x7: {  	s7 =	simm.s32 $0x0;
	[sflag:s4] =	ssyncpa.u1 $0x0;
	s5 =	sor.u32 s1, s5  }
0x8: {  	[sflag:s6] =	ssyncpa.u1 $0x0;
	s6 =	simm.s32 $0x0;
	s8 =	smov.u32 s5  }
.LBB1_7:
0x9: {  	s11 =	sadd.s32 $0x20, s8  }
0xa: {  	p1 =	slt.u32 s7, $0x2;
	s7 =	sadd.s32 $0x1, s7;
	p2 =	sgt.s32 s11, $0x7FF  }
0xb: {  	s11 =	smov.u32 @p2 s5;
	p2 =	sne.s32 s7, $0x42  }
.Ltmp1:
0xc: {  	_ = 	snop;
	(pc) =	sbr.rel @!p2 .LBB1_8-.Ltmp1, $4  }
0xd: {  	s10 =	simm.s32 @!p1 $0x2  }
0xe: {  	_ =	swait.ge @!p1 [sflag:s10], $0x4000  }
0xf: {  	s9 =	smov.u32 s8;
	[sflag:s10] =	ssyncset.done @!p1 $0x0  }
0x10: {  	p0 =	por !p0, !p0;
	s8 =	smov.u32 s11;
	[sflag:s10] =	ssyncadd.s32 @!p1 $0xFFFFC000  }
.LBB1_1:
0x11: {  	p1 =	sgt.u32 s7, $0x3F  }
0x12: {  	s10 =	sxor.u32 @!p1 $0xFFFFFFFF, s7  }
0x13: {  	s11 =	sshll.u32 @!p1 s8, $0xB;
	s10 =	sshll.u32 @!p1 s10, $0xE  }
0x14: {  	s12 =	simm.s32 @!p1 $0x0;
	s11 =	sadd.s32 @!p1 s2, s11;
	s10 =	sand.u32 @!p1 $0x4000, s10  }
0x15: {  	[tilespmem:s10], [sflag:$0x1] =	stream.linear.gather @!p1 [hbm4b:s11+s12], $0x4000, $0x38;
	[tilespmem:$0x10000] =	vst v63  }
0x16: {  	p1 =	seq.s32 s7, $0x0  }
0x17: {  	p2 =	seq.s32 @!p1 s7, $0x41  }
0x18: {  	p1 =	por p1, p2  }
.Ltmp2:
0x19: {  	_ = 	snop;
	(pc) =	sbr.rel @p1 .LBB1_7-.Ltmp2, $1  }
0x1a: {  	_ =	sdelay $0x3  }
0x1b: {  	s10 =	simm.s32 $0x1;
	_ =	swait.ge [sflag:s4], $0x4000;
	s12 =	sshll.u32 s7, $0xE  }
0x1c: {  	s13 =	simm.s32 $0x0;
	s10 =	simm.s32 @!p0 $0x0;
	[sflag:s4] =	ssyncset.done $0x0  }
0x1d: {  	s12 =	sand.u32 $0x4000, s12;
	s11 =	sshll.u32 s10, $0xE;
	[sflag:s4] =	ssyncadd.s32 $0xFFFFC000  }
0x1e: {  	s12 =	sor.u32 $0x8000, s12;
	s10 =	sor.u32 $0x8040, s11;
	s11 =	sor.u32 $0x40, s11  }
.LBB1_3:
0x1f: {  	v0 =	vmov s11;
	_ =	sdelay $0x3  }
0x20: {  	s15 =	simm.s32 $0x0  }
0x21: {  	v6 =	vld.idx.msk [tilespmem:v0+s15+$0x30 ss:$0x1], $0xffff  }
0x22: {  	v7 =	vld.idx.msk [tilespmem:v0+s15+$0xFFFFFFC0 ss:$0x1], $0xffff  }
0x23: {  	v5 =	vld.idx.msk [tilespmem:v0+s15+$0xFFFFFFD0 ss:$0x1], $0xffff  }
0x24: {  	v4 =	vld.idx.msk [tilespmem:v0+s15+$0xFFFFFFE0 ss:$0x1], $0xffff  }
0x25: {  	v3 =	vld.idx.msk [tilespmem:v0+s15+$0xFFFFFFF0 ss:$0x1], $0xffff  }
0x26: {  	v1 =	vld.idx.msk [tilespmem:v0+s15+$0x0 ss:$0x1], $0xffff  }
0x27: {  	v2 =	vld.idx.msk [tilespmem:v0+s15+$0x10 ss:$0x1], $0xffff;
	[tilespmem:s10+$0x30] =	vst v6  }
0x28: {  	s14 =	simm.s32 $0x80;
	s16 =	simm.s32 $0x400;
	[tilespmem:s10+$0xFFFFFFC0] =	vst v7;
	v6 =	vld.idx.msk [tilespmem:v0+s15+$0x20 ss:$0x1], $0xffff;
	s15 =	smov.u32 s10  }
.LBB1_4:
0x29: {  	p1 =	sne.s32 s16, $0xE00;
	v7 =	vld.idx.msk [tilespmem:v0+s14+$0x30 ss:$0x1], $0xffff;
	[tilespmem:s15+$0xFFFFFFD0] =	vst v5  }
0x2a: {  	v8 =	vld.idx.msk [tilespmem:v0+s14+$0xFFFFFFC0 ss:$0x1], $0xffff;
	[tilespmem:s15+$0xFFFFFFE0] =	vst v4  }
0x2b: {  	v5 =	vld.idx.msk [tilespmem:v0+s14+$0xFFFFFFD0 ss:$0x1], $0xffff;
	[tilespmem:s15+$0xFFFFFFF0] =	vst v3  }
.Ltmp3:
0x2c: {  	v4 =	vld.idx.msk [tilespmem:v0+s14+$0xFFFFFFE0 ss:$0x1], $0xffff;
	[tilespmem:s15+$0x0] =	vst v1;
	(pc) =	sbr.rel @p1 .LBB1_4-.Ltmp3, $4  }
0x2d: {  	v3 =	vld.idx.msk [tilespmem:v0+s14+$0xFFFFFFF0 ss:$0x1], $0xffff;
	[tilespmem:s15+$0x10] =	vst v2  }
0x2e: {  	v1 =	vld.idx.msk [tilespmem:v0+s14+$0x0 ss:$0x1], $0xffff;
	[tilespmem:s15+$0x20] =	vst v6;
	s15 =	sadd.s32 $0x800, s15  }
0x2f: {  	v2 =	vld.idx.msk [tilespmem:v0+s14+$0x10 ss:$0x1], $0xffff;
	[tilespmem:s15+$0x30] =	vst v7  }
0x30: {  	[tilespmem:s15+$0xFFFFFFC0] =	vst v8;
	v6 =	vld.idx.msk [tilespmem:v0+s14+$0x20 ss:$0x1], $0xffff;
	s14 =	sshra.s32 s16, $0x2;
	s16 =	sadd.s32 $0x200, s16  }
0x31: {  	_ =	sdelay $0x2  }
0x32: {  	[tilespmem:s15+$0xFFFFFFD0] =	vst v5  }
0x33: {  	v56 =	vld.idx.msk [tilespmem:v0+s14+$0x30 ss:$0x1], $0xffff;
	[tilespmem:s15+$0xFFFFFFE0] =	vst v4  }
0x34: {  	v57 =	vld.idx.msk [tilespmem:v0+s14+$0xFFFFFFC0 ss:$0x1], $0xffff;
	[tilespmem:s15+$0xFFFFFFF0] =	vst v3  }
0x35: {  	v58 =	vld.idx.msk [tilespmem:v0+s14+$0xFFFFFFD0 ss:$0x1], $0xffff;
	[tilespmem:s15+$0x0] =	vst v1  }
0x36: {  	v59 =	vld.idx.msk [tilespmem:v0+s14+$0xFFFFFFE0 ss:$0x1], $0xffff;
	[tilespmem:s15+$0x10] =	vst v2  }
0x37: {  	v60 =	vld.idx.msk [tilespmem:v0+s14+$0xFFFFFFF0 ss:$0x1], $0xffff;
	s31 =	sadd.s32 $0x800, s15;
	[tilespmem:s15+$0x20] =	vst v6  }
0x38: {  	v61 =	vld.idx.msk [tilespmem:v0+s14+$0x0 ss:$0x1], $0xffff;
	[tilespmem:s31+$0x30] =	vst v56  }
0x39: {  	v62 =	vld.idx.msk [tilespmem:v0+s14+$0x10 ss:$0x1], $0xffff;
	s13 =	sadd.s32 $0x1, s13;
	[tilespmem:s31+$0xFFFFFFC0] =	vst v57  }
0x3a: {  	v63 =	vld.idx.msk [tilespmem:v0+s14+$0x20 ss:$0x1], $0xffff;
	p1 =	sne.s32 s13, $0x10;
	[tilespmem:s31+$0xFFFFFFD0] =	vst v58  }
.Ltmp4:
0x3b: {  	[tilespmem:s31+$0xFFFFFFE0] =	vst v59;
	(pc) =	sbr.rel @p1 .LBB1_3-.Ltmp4, $4  }
0x3c: {  	[tilespmem:s31+$0xFFFFFFF0] =	vst v60  }
0x3d: {  	[tilespmem:s31+$0x0] =	vst v61  }
0x3e: {  	[tilespmem:s31+$0x10] =	vst v62  }
0x3f: {  	s10 =	sadd.s32 $0x80, s10;
	s11 =	sadd.s32 $0x400, s11;
	[tilespmem:s31+$0x20] =	vst v63  }
.Ltmp5:
0x40: {  	(pc) =	sbr.rel .LBB1_7-.Ltmp5, $4  }
0x41: {  	_ = 	snop  }
0x42: {  	s9 =	sshll.u32 s9, $0xB  }
0x43: {  	s9 =	sadd.s32 s3, s9  }
0x44: {  	[hbm4b:s9+s6] =	stream.linear.scatter [tilespmem:s12], [sflag:$0x2], $0x4000, $0x38;
	[tilespmem:$0x10000] =	vst v63  }
.LBB1_8:
0x45: {  	_ =	sfence.sel $0x180000  }
0x46: {  	s2 =	simm.s32 $0x1;
	[bflag:$0x0] =	sbarrier.arrive $0xFFFF  }
0x47: {  	s31 =	simm.s32 $0x2;
	[sflag:s2] =	ssyncpa.u1 $0x1  }
0x48: {  	[sflag:s31] =	ssyncpa.u1 $0x1  }
0x49: {  	p0 =	sne.s32 s1, $0x0;
	_ =	strace $0x90000047  }
0x4a: {  	s0 =	sadd.s32 @!p0 $0x100000, s0;
	[bflag:$0x2] =	sbarrier.arrive $0xFFFF  }
0x4b: {  	[sflag:s0] =	ssyncadd.tile.s32 @!p0 $0x1;
	_ =	shalt  }
.Lfunc_end1:
_tile_overlayer_lowered:
.L_overlay_start_2:
0x4c: {  	(tag) =	ssettag $0x2  }
0x4d: {  	s0 =	rddreg [dreg:$0x0];
	s2 =	stileid.u32  }
0x4e: {  	s1 =	rddreg [dreg:$0x1];
	p0 =	sne.s32 s2, $0x0  }
0x4f: {  	s3 =	rddreg [dreg:$0x2];
	[bflag:$0x3] =	sbarrier.arrive $0xFFFF;
	s2 =	simm.s32 @!p0 $0x1C01  }
0x50: {  	[timem:s3], [sflag:s2] =	dma.local @!p0 [hbm:s0], s1  }
0x51: {  	s0 =	simm.s32 @!p0 $0x1  }
0x52: {  	_ =	swait.ge @!p0 [sflag:s0], s1  }
0x53: {  	s1 =	ssub.s32 @!p0 $0x0, s1;
	[sflag:s0] =	ssyncset.done @!p0 $0x0  }
0x54: {  	[sflag:s0] =	ssyncadd.s32 @!p0 s1  }
0x55: {  	[bflag:$0x3] =	sbarrier.arrive $0xFFFF  }
0x56: {  	_ =	shalt  }

</sc_bundles>
